<compile_context>
chip_gen: v7x
topology: tpu7x:2x2x1
jax: 0.10.2.dev20260603
libtpu: 0.0.44.dev20260713+nightly
codegen_flags: <defaults>
</compile_context>

<pallas_src>
import numpy as np
import jax
from jax import lax
import jax.numpy as jnp
from jax.experimental import pallas as pl
from jax.experimental.pallas import tpu as pltpu
from jax.experimental.pallas import tpu_sc as plsc

_N = 10000
_E = 320000
_P2 = 131072
_BN_S = np.float32(1.0 / np.sqrt(1.0 + 1e-5))

_NC, _NS = 2, 16
_NPAD = 10240
_EPAD = 327680
_CHUNK = 256
_RPT = _NPAD // _NS

_MESH = plsc.VectorSubcoreMesh(core_axis_name="c", subcore_axis_name="s",
                               num_cores=_NC, num_subcores=_NS)

_ECT = _EPAD // _NS
_NCHUNKS = _ECT // _CHUNK
_NPAIRS = _NCHUNKS // 2


def _sc_seg_sum(tab, srcp, dstp, zrows, zcnt, ones_r, with_cnt):

    def body(tar, srcr, dstr, zr, zc, onesr, out, outc,
             idxs, idxd, rows_a, rows_b, ones_v, acc, accc,
             semi, sem_a, sem_b):
        c = lax.axis_index("c")
        s = lax.axis_index("s")
        r0 = s * _RPT
        ci = pltpu.async_copy(srcr.at[c, s], idxs, semi)
        cd = pltpu.async_copy(dstr.at[s], idxd, semi)
        pltpu.sync_copy(zr, acc.at[pl.ds(r0, _RPT)])
        if with_cnt:
            @pl.when(c == 0)
            def _():
                pltpu.sync_copy(zc, accc.at[pl.ds(r0, _RPT)])
                pltpu.sync_copy(onesr, ones_v)
        ci.wait()
        cd.wait()

        def gather(k, rows, sem):
            pltpu.async_copy(tar.at[idxs.at[k]], rows, sem)

        def consume(k, rows, sem):
            pltpu.make_async_copy(tar.at[idxs.at[k]], rows, sem).wait()
            pltpu.sync_copy(rows, acc.at[idxd.at[k]], add=True)
            if with_cnt:
                @pl.when(c == 0)
                def _():
                    pltpu.sync_copy(ones_v, accc.at[idxd.at[k]], add=True)

        gather(0, rows_a, sem_a)
        plsc.subcore_barrier()

        @pl.loop(0, _NPAIRS)
        def _(p):
            ka = 2 * p
            gather(ka + 1, rows_b, sem_b)
            consume(ka, rows_a, sem_a)

            @pl.when(p + 1 < _NPAIRS)
            def _():
                gather(ka + 2, rows_a, sem_a)

            consume(ka + 1, rows_b, sem_b)

        plsc.subcore_barrier()

        @pl.loop(0, _RPT // 128)
        def _(i):
            rr = r0 + i * 128
            pltpu.sync_copy(acc.at[pl.ds(rr, 128)], rows_a.at[pl.ds(0, 128)])
            pltpu.sync_copy(rows_a.at[pl.ds(0, 128)], out.at[c, pl.ds(rr, 128)])

        if with_cnt:
            @pl.when(c == 0)
            def _():
                @pl.loop(0, _RPT // 128)
                def _(i):
                    rr = r0 + i * 128
                    pltpu.sync_copy(accc.at[pl.ds(rr, 128)],
                                    ones_v.at[pl.ds(0, 128)])
                    pltpu.sync_copy(ones_v.at[pl.ds(0, 128)],
                                    outc.at[pl.ds(rr, 128)])

    f = pl.kernel(
        body,
        out_type=(jax.ShapeDtypeStruct((_NC, _NPAD, 64), jnp.float32),
                  jax.ShapeDtypeStruct((_NPAD, 16), jnp.float32)),
        mesh=_MESH,
        compiler_params=pltpu.CompilerParams(use_tc_tiling_on_sc=False),
        scratch_types=[
            pltpu.VMEM((_NCHUNKS, _CHUNK), jnp.int32),
            pltpu.VMEM((_NCHUNKS, _CHUNK), jnp.int32),
            pltpu.VMEM((_CHUNK, 64), jnp.float32),
            pltpu.VMEM((_CHUNK, 64), jnp.float32),
            pltpu.VMEM((_CHUNK, 16), jnp.float32),
            pltpu.VMEM_SHARED((_NPAD, 64), jnp.float32),
            pltpu.VMEM_SHARED((_NPAD, 16), jnp.float32),
            pltpu.SemaphoreType.DMA,
            pltpu.SemaphoreType.DMA,
            pltpu.SemaphoreType.DMA,
        ],
    )
    return f(tab, srcp, dstp, zrows, zcnt, ones_r)


_EPT_L = _P2 // (_NC * _NS)
_NCH_L = _EPT_L // _CHUNK


def _sc_link_gather(zu, zv, uidx, vidx):

    def body(tu, tv, ur, vr, gu, gv, idx_u, idx_v, rows_u, rows_v,
             semi, sem_u, sem_v):
        c = lax.axis_index("c")
        s = lax.axis_index("s")
        t = c * _NS + s
        base = t * _EPT_L
        cu = pltpu.async_copy(ur.at[t], idx_u, semi)
        cv = pltpu.async_copy(vr.at[t], idx_v, semi)
        cu.wait()
        cv.wait()
        pltpu.async_copy(tu.at[idx_u.at[0]], rows_u, sem_u)

        @pl.loop(0, _NCH_L)
        def _(k):
            off = base + k * _CHUNK
            pltpu.async_copy(tv.at[idx_v.at[k]], rows_v, sem_v)
            pltpu.make_async_copy(tu.at[idx_u.at[k]], rows_u, sem_u).wait()
            pltpu.sync_copy(rows_u, gu.at[pl.ds(off, _CHUNK)])

            @pl.when(k + 1 < _NCH_L)
            def _():
                pltpu.async_copy(tu.at[idx_u.at[k + 1]], rows_u, sem_u)

            pltpu.make_async_copy(tv.at[idx_v.at[k]], rows_v, sem_v).wait()
            pltpu.sync_copy(rows_v, gv.at[pl.ds(off, _CHUNK)])

    f = pl.kernel(
        body,
        out_type=(jax.ShapeDtypeStruct((_P2, 128), jnp.float32),
                  jax.ShapeDtypeStruct((_P2, 128), jnp.float32)),
        mesh=_MESH,
        compiler_params=pltpu.CompilerParams(use_tc_tiling_on_sc=False),
        scratch_types=[
            pltpu.VMEM((_NCH_L, _CHUNK), jnp.int32),
            pltpu.VMEM((_NCH_L, _CHUNK), jnp.int32),
            pltpu.VMEM((_CHUNK, 128), jnp.float32),
            pltpu.VMEM((_CHUNK, 128), jnp.float32),
            pltpu.SemaphoreType.DMA,
            pltpu.SemaphoreType.DMA,
            pltpu.SemaphoreType.DMA,
        ],
    )
    return f(zu, zv, uidx, vidx)


def _cnt_col(cr):
    return jnp.maximum(cr[:, :1], 1.0)


_RB = 2000
_NRB = _N // _RB


def _row_call(body, n_rowed, weight_shapes, out_cols):
    def block(c):
        return pl.BlockSpec((_RB, c), lambda i: (i, 0))

    def full(shape):
        return pl.BlockSpec(shape, lambda i: (0, 0))

    def outspec(c):
        if c == -1:
            return pl.BlockSpec((2, _RB, 64), lambda i: (0, i, 0))
        return block(c)

    def outshape(c):
        if c == -1:
            return jax.ShapeDtypeStruct((2, _N, 64), jnp.float32)
        return jax.ShapeDtypeStruct((_N, c), jnp.float32)

    def make(*arrays):
        in_specs = [block(a.shape[1]) for a in arrays[:n_rowed]]
        in_specs += [full(s) for s in weight_shapes]
        return pl.pallas_call(
            body,
            grid=(_NRB,),
            in_specs=in_specs,
            out_specs=tuple(outspec(c) for c in out_cols),
            out_shape=tuple(outshape(c) for c in out_cols),
        )(*arrays)
    return make


def _phase_a(x, a0, a1, c0, Wl1T, bl1, Wr1T, g1, b1):
    def body(x_ref, a0r, a1r, c0r, wl_ref, blr, wr_ref, gr, br, hf, hb):
        mean = jnp.concatenate([a0r[...], a1r[...]], axis=-1) / _cnt_col(c0r[...])
        h = jnp.dot(mean, wl_ref[...], preferred_element_type=jnp.float32)
        h = h + jnp.dot(x_ref[...], wr_ref[...], preferred_element_type=jnp.float32)
        h = (h + blr[...]) * (gr[...] * _BN_S) + br[...]
        h = jnp.maximum(h, 0.0)
        hf[0] = h[:, :64]
        hf[1] = h[:, 64:128]
        hb[0] = h[:, 128:192]
        hb[1] = h[:, 192:]

    wts = [Wl1T, bl1, Wr1T, g1, b1]
    return _row_call(body, 4, [w.shape for w in wts], (-1, -1))(
        x, a0, a1, c0, *wts)


def _phase_b(hf0, hf1, hb0, hb1, f0, f1, b0, b1, c0, Wl2T, bl2, Wr2T, g2, b2,
             Wl3T, Wr3T):
    def body(hf0r, hf1r, hb0r, hb1r, f0r, f1r, b0r, b1r, c0r, wl, blr, wr,
             gr, br, wl3, wr3, yl_ref, yr_ref):
        cnt = _cnt_col(c0r[...])
        mean = jnp.concatenate(
            [f0r[...], f1r[...], b0r[...], b1r[...]], axis=-1) / cnt
        h1 = jnp.concatenate(
            [hf0r[...], hf1r[...], hb0r[...], hb1r[...]], axis=-1)
        h = jnp.dot(mean, wl[...], preferred_element_type=jnp.float32)
        h = h + jnp.dot(h1, wr[...], preferred_element_type=jnp.float32)
        h = (h + blr[...]) * (gr[...] * _BN_S) + br[...]
        h = jnp.maximum(h, 0.0)
        yl = jnp.dot(h, wl3[...], preferred_element_type=jnp.float32)
        yl_ref[0] = yl[:, :64]
        yl_ref[1] = yl[:, 64:]
        yr_ref[...] = jnp.dot(h, wr3[...], preferred_element_type=jnp.float32)

    wts = [Wl2T, bl2, Wr2T, g2, b2, Wl3T, Wr3T]
    return _row_call(body, 9, [w.shape for w in wts], (-1, 128))(
        hf0, hf1, hb0, hb1, f0, f1, b0, b1, c0, *wts)


def _phase_c(a0, a1, c0, yr, bl3, Wc1T, bc1, Wc2T, bc2, Wp1aT, Wp1bT, bp1):
    def body(a0r, a1r, c0r, yr_ref, bl3r, wc1, bc1r, wc2, bc2r, wpa, wpb,
             bp1r, z_ref, nl_ref, zu_ref, zv_ref):
        mean = jnp.concatenate([a0r[...], a1r[...]], axis=-1) / _cnt_col(c0r[...])
        z = mean + bl3r[...] + yr_ref[...]
        z_ref[...] = z
        t = jnp.maximum(jnp.dot(z, wc1[...], preferred_element_type=jnp.float32)
                        + bc1r[...], 0.0)
        nl_ref[...] = jnp.dot(t, wc2[...], preferred_element_type=jnp.float32) + bc2r[...]
        zu_ref[...] = jnp.dot(z, wpa[...], preferred_element_type=jnp.float32) + bp1r[...]
        zv_ref[...] = jnp.dot(z, wpb[...], preferred_element_type=jnp.float32)

    wts = [bl3, Wc1T, bc1, Wc2T, bc2, Wp1aT, Wp1bT, bp1]
    return _row_call(body, 4, [w.shape for w in wts], (128, 4, 128, 128))(
        a0, a1, c0, yr, *wts)


def _phase_d(gu, gv, wp2, bp2):
    _NB = 16
    _B = _P2 // _NB

    def body(gu_ref, gv_ref, w_ref, b_ref, out_ref):
        e = jnp.maximum(gu_ref[...] + gv_ref[...], 0.0)
        logit = jnp.sum(e * w_ref[...], axis=-1) + b_ref[0, 0]
        out_ref[...] = jax.nn.sigmoid(logit).reshape(_B // 128, 128)

    out = pl.pallas_call(
        body,
        grid=(_NB,),
        in_specs=[pl.BlockSpec((_B, 128), lambda i: (i, 0)),
                  pl.BlockSpec((_B, 128), lambda i: (i, 0)),
                  pl.BlockSpec((1, 128), lambda i: (0, 0)),
                  pl.BlockSpec((1, 1), lambda i: (0, 0))],
        out_specs=pl.BlockSpec((_B // 128, 128), lambda i: (i, 0)),
        out_shape=jax.ShapeDtypeStruct((_P2 // 128, 128), jnp.float32),
    )(gu, gv, wp2, bp2)
    return out.reshape(_P2)


def kernel(x, edge_index, pos_edge_index, neg_edge_index, Wl1, bl1, Wr1, g1, b1,
           Wl2, bl2, Wr2, g2, b2, Wl3, bl3, Wr3, Wp1, bp1, Wp2, bp2, Wc1, bc1,
           Wc2, bc2):
    src = edge_index[0]
    dst = edge_index[1]
    srcp = jnp.concatenate([src, jnp.zeros((_EPAD - _E,), jnp.int32)])
    dstp = jnp.concatenate([dst, jnp.full((_EPAD - _E,), _NPAD - 1, jnp.int32)])
    src2 = jnp.stack([srcp, srcp + _N])
    src2 = src2.reshape(_NC, _NS, _NCHUNKS, _CHUNK)
    dstp = dstp.reshape(_NS, _NCHUNKS, _CHUNK)

    zrows = jnp.zeros((_RPT, 64), jnp.float32)
    zcnt = jnp.zeros((_RPT, 16), jnp.float32)
    ones_r = jnp.ones((_CHUNK, 16), jnp.float32)

    x2 = jnp.concatenate([x[:, :64], x[:, 64:]], axis=0)
    agg1, cnt = _sc_seg_sum(x2, src2, dstp, zrows, zcnt, ones_r, True)
    c0 = cnt[:_N]

    hfs, hbs = _phase_a(
        x, agg1[0, :_N], agg1[1, :_N], c0, Wl1.T, bl1.reshape(1, -1),
        Wr1.T, g1.reshape(1, -1), b1.reshape(1, -1))

    agg2f, _ = _sc_seg_sum(hfs.reshape(2 * _N, 64), src2, dstp, zrows, zcnt,
                           ones_r, False)
    agg2b, _ = _sc_seg_sum(hbs.reshape(2 * _N, 64), src2, dstp, zrows, zcnt,
                           ones_r, False)

    yls, yr = _phase_b(
        hfs[0], hfs[1], hbs[0], hbs[1],
        agg2f[0, :_N], agg2f[1, :_N], agg2b[0, :_N], agg2b[1, :_N],
        c0, Wl2.T, bl2.reshape(1, -1), Wr2.T, g2.reshape(1, -1),
        b2.reshape(1, -1), Wl3.T, Wr3.T)

    agg3, _ = _sc_seg_sum(yls.reshape(2 * _N, 64), src2, dstp, zrows, zcnt,
                          ones_r, False)

    z, node_logits, zu_proj, zv_proj = _phase_c(
        agg3[0, :_N], agg3[1, :_N], c0, yr, bl3.reshape(1, -1), Wc1.T,
        bc1.reshape(1, -1), Wc2.T, bc2.reshape(1, -1), Wp1[:, :128].T,
        Wp1[:, 128:].T, bp1.reshape(1, -1))

    u = jnp.concatenate([pos_edge_index[0], neg_edge_index[0]])
    v = jnp.concatenate([pos_edge_index[1], neg_edge_index[1]])
    u = u.reshape(_NC * _NS, _NCH_L, _CHUNK)
    v = v.reshape(_NC * _NS, _NCH_L, _CHUNK)
    gu, gv = _sc_link_gather(zu_proj, zv_proj, u, v)

    link_probs = _phase_d(gu, gv, Wp2, bp2.reshape(1, 1))
    return (z, node_logits, link_probs)

# --- scband reference (transcript-rebuilt; emitter-appended) ---
"""Pipeline reference for scband-social-graph-gnn-87540023427592 (READ-ONLY COPY).

The authoritative reference and input builder live on the scoring server;
editing this copy changes nothing except your own understanding.
"""

import jax, jax.numpy as jnp
import numpy as np

N = 10000
E = 320000
P = 65536
IN_C = 128
HID = 256
EMB = 128
NCLS = 4


def _w(key, o, i):
    return jax.random.normal(key, (o, i), jnp.float32) * (1.0 / np.sqrt(i))


def _b(key, o):
    return jax.random.normal(key, (o,), jnp.float32) * 0.01


def setup_inputs(seed: int = 0):
    key = jax.random.key(seed)
    ks = jax.random.split(key, 32)
    inp = {}
    inp['x'] = jax.random.normal(ks[0], (N, IN_C), jnp.float32)
    inp['edge_index'] = jax.random.randint(ks[1], (2, E), 0, N)
    inp['pos_edge_index'] = jax.random.randint(ks[2], (2, P), 0, N)
    inp['neg_edge_index'] = jax.random.randint(ks[3], (2, P), 0, N)
    inp['Wl1'] = _w(ks[4], HID, IN_C); inp['bl1'] = _b(ks[5], HID); inp['Wr1'] = _w(ks[6], HID, IN_C)
    inp['g1'] = jnp.ones((HID,), jnp.float32); inp['b1'] = jnp.zeros((HID,), jnp.float32)
    inp['Wl2'] = _w(ks[7], HID, HID); inp['bl2'] = _b(ks[8], HID); inp['Wr2'] = _w(ks[9], HID, HID)
    inp['g2'] = jnp.ones((HID,), jnp.float32); inp['b2'] = jnp.zeros((HID,), jnp.float32)
    inp['Wl3'] = _w(ks[10], EMB, HID); inp['bl3'] = _b(ks[11], EMB); inp['Wr3'] = _w(ks[12], EMB, HID)
    inp['Wp1'] = _w(ks[13], HID // 2, 2 * EMB); inp['bp1'] = _b(ks[14], HID // 2)
    inp['Wp2'] = _w(ks[15], 1, HID // 2); inp['bp2'] = _b(ks[16], 1)
    inp['Wc1'] = _w(ks[17], HID // 2, EMB); inp['bc1'] = _b(ks[18], HID // 2)
    inp['Wc2'] = _w(ks[19], NCLS, HID // 2); inp['bc2'] = _b(ks[20], NCLS)
    return inp


def _sage(x, src, dst, Wl, bl, Wr):
    # PyG SAGEConv: out = lin_l(mean_{j->i} x_j) + lin_r(x_i)
    msg = jnp.take(x, src, axis=0)
    agg = jax.ops.segment_sum(msg, dst, num_segments=N)
    cnt = jax.ops.segment_sum(jnp.ones((src.shape[0],), jnp.float32), dst, num_segments=N)
    mean = agg / jnp.clip(cnt, 1.0, None)[:, None]
    return mean @ Wl.T + bl + x @ Wr.T


def _bn_eval(x, g, b):
    # BatchNorm1d in eval mode with fresh running stats (mean=0, var=1)
    return x * (g / np.sqrt(1.0 + 1e-5)) + b


def reference(x, edge_index, pos_edge_index, neg_edge_index, Wl1, bl1, Wr1, g1, b1, Wl2, bl2, Wr2, g2, b2, Wl3, bl3, Wr3, Wp1, bp1, Wp2, bp2, Wc1, bc1, Wc2, bc2):
    src = edge_index[0]
    dst = edge_index[1]
    h = _sage(x, src, dst, Wl1, bl1, Wr1)
    h = jax.nn.relu(_bn_eval(h, g1, b1))
    h = _sage(h, src, dst, Wl2, bl2, Wr2)
    h = jax.nn.relu(_bn_eval(h, g2, b2))
    z = _sage(h, src, dst, Wl3, bl3, Wr3)
    node_logits = jax.nn.relu(z @ Wc1.T + bc1) @ Wc2.T + bc2
    all_edges = jnp.concatenate([pos_edge_index, neg_edge_index], axis=1)
    z_u = jnp.take(z, all_edges[0], axis=0)
    z_v = jnp.take(z, all_edges[1], axis=0)
    e = jnp.concatenate([z_u, z_v], axis=-1)
    e = jax.nn.relu(e @ Wp1.T + bp1)
    link_logit = (e @ Wp2.T + bp2).squeeze(-1)
    link_probs = jax.nn.sigmoid(link_logit)
    return (z, node_logits, link_probs)

if __name__ == "__main__":
    import jax
    _d = setup_inputs()
    print(jax.jit(kernel)(*tuple(_d.values())))

</pallas_src>

<mosaic_0001>
#map = affine_map<(d0, d1) -> (0, 0)>
#map1 = affine_map<(d0, d1) -> (0, 0, 0, 0)>
#map2 = affine_map<(d0, d1) -> (0, 0, 0)>
module attributes {stable_mosaic.version = 14 : i64} {
  func.func @body(%arg0: i32, %arg1: i32, %arg2: memref<20000x64xf32, #tpu.memory_space<hbm>>, %arg3: memref<2x16x80x256xi32, #tpu.memory_space<hbm>>, %arg4: memref<16x80x256xi32, #tpu.memory_space<hbm>>, %arg5: memref<640x64xf32, #tpu.memory_space<hbm>>, %arg6: memref<640x16xf32, #tpu.memory_space<hbm>>, %arg7: memref<256x16xf32, #tpu.memory_space<hbm>>, %arg8: memref<2x10240x64xf32, #tpu.memory_space<hbm>>, %arg9: memref<10240x16xf32, #tpu.memory_space<hbm>>, %arg10: memref<80x256xi32, #tpu.memory_space<vmem>>, %arg11: memref<80x256xi32, #tpu.memory_space<vmem>>, %arg12: memref<256x64xf32, #tpu.memory_space<vmem>>, %arg13: memref<256x64xf32, #tpu.memory_space<vmem>>, %arg14: memref<256x16xf32, #tpu.memory_space<vmem>>, %arg15: memref<10240x64xf32, #tpu.memory_space<vmem_shared>>, %arg16: memref<10240x16xf32, #tpu.memory_space<vmem_shared>>, %arg17: memref<!tpu.dma_semaphore, #tpu.memory_space<semaphore_mem>>, %arg18: memref<!tpu.dma_semaphore, #tpu.memory_space<semaphore_mem>>, %arg19: memref<!tpu.dma_semaphore, #tpu.memory_space<semaphore_mem>>) attributes {dimension_semantics = [#tpu.dimension_semantics<core_parallel>, #tpu.dimension_semantics<subcore_parallel>], iteration_bounds = array<i64: 2, 16>, scalar_prefetch = 0 : i64, scratch_operands = 10 : i64, tpu.core_type = #tpu.core_type<sc_vector_subcore>, window_params = [{transform_indices = #map}, {transform_indices = #map1}, {transform_indices = #map2}, {transform_indices = #map}, {transform_indices = #map}, {transform_indices = #map}, {transform_indices = #map2}, {transform_indices = #map}]} {
    %mul3A = arith.constant 640 : i32
    %mul3A_0 = arith.muli %arg1, %mul3A : i32
    %dma_start3A = arith.constant 0 : i32
    %dma_start3A_1 = arith.constant 0 : i32
    %dma_start3A_2 = tpu.memref_slice %arg3[%arg0, %arg1, %dma_start3A, %dma_start3A_1] : memref<2x16x80x256xi32, #tpu.memory_space<hbm>> -> memref<1x1x80x256xi32, #tpu.memory_space<hbm>>
    %dma_start3A_3 = tpu.memref_squeeze %dma_start3A_2 : memref<1x1x80x256xi32, #tpu.memory_space<hbm>> -> memref<80x256xi32, #tpu.memory_space<hbm>>
    %dma_start3A_4 = arith.constant 0 : i32
    %dma_start3A_5 = arith.constant 0 : i32
    %dma_start3A_6 = tpu.memref_slice %arg3[%arg0, %arg1, %dma_start3A_4, %dma_start3A_5] : memref<2x16x80x256xi32, #tpu.memory_space<hbm>> -> memref<1x1x80x256xi32, #tpu.memory_space<hbm>>
    %dma_start3A_7 = tpu.memref_squeeze %dma_start3A_6 : memref<1x1x80x256xi32, #tpu.memory_space<hbm>> -> memref<80x256xi32, #tpu.memory_space<hbm>>
    tpu.enqueue_dma source(%dma_start3A_7 : memref<80x256xi32, #tpu.memory_space<hbm>>) target(%arg10 : memref<80x256xi32, #tpu.memory_space<vmem>>) target_semaphore(%arg17 : memref<!tpu.dma_semaphore, #tpu.memory_space<semaphore_mem>>)
    %dma_start3A_8 = arith.constant 0 : i32
    %dma_start3A_9 = arith.constant 0 : i32
    %dma_start3A_10 = tpu.memref_slice %arg4[%arg1, %dma_start3A_8, %dma_start3A_9] : memref<16x80x256xi32, #tpu.memory_space<hbm>> -> memref<1x80x256xi32, #tpu.memory_space<hbm>>
    %dma_start3A_11 = tpu.memref_squeeze %dma_start3A_10 : memref<1x80x256xi32, #tpu.memory_space<hbm>> -> memref<80x256xi32, #tpu.memory_space<hbm>>
    %dma_start3A_12 = arith.constant 0 : i32
    %dma_start3A_13 = arith.constant 0 : i32
    %dma_start3A_14 = tpu.memref_slice %arg4[%arg1, %dma_start3A_12, %dma_start3A_13] : memref<16x80x256xi32, #tpu.memory_space<hbm>> -> memref<1x80x256xi32, #tpu.memory_space<hbm>>
    %dma_start3A_15 = tpu.memref_squeeze %dma_start3A_14 : memref<1x80x256xi32, #tpu.memory_space<hbm>> -> memref<80x256xi32, #tpu.memory_space<hbm>>
    tpu.enqueue_dma source(%dma_start3A_15 : memref<80x256xi32, #tpu.memory_space<hbm>>) target(%arg11 : memref<80x256xi32, #tpu.memory_space<vmem>>) target_semaphore(%arg17 : memref<!tpu.dma_semaphore, #tpu.memory_space<semaphore_mem>>)
    "tpu.region"() ({
      %run_scoped3A = tpu.sem_alloc : memref<!tpu.dma_semaphore, #tpu.memory_space<semaphore_mem>>
      %dma_start3A_48 = arith.constant 0 : i32
      %dma_start3A_49 = tpu.memref_slice %arg15[%mul3A_0, %dma_start3A_48] : memref<10240x64xf32, #tpu.memory_space<vmem_shared>> -> memref<640x64xf32, #tpu.memory_space<vmem_shared>>
      tpu.enqueue_dma source(%arg5 : memref<640x64xf32, #tpu.memory_space<hbm>>) target(%dma_start3A_49 : memref<640x64xf32, #tpu.memory_space<vmem_shared>>) target_semaphore(%run_scoped3A : memref<!tpu.dma_semaphore, #tpu.memory_space<semaphore_mem>>)
      %dma_wait3A_50 = arith.constant 0 : i32
      %dma_wait3A_51 = tpu.memref_slice %arg15[%mul3A_0, %dma_wait3A_50] : memref<10240x64xf32, #tpu.memory_space<vmem_shared>> -> memref<640x64xf32, #tpu.memory_space<vmem_shared>>
      tpu.wait_dma2 semaphore(%run_scoped3A : memref<!tpu.dma_semaphore, #tpu.memory_space<semaphore_mem>>) src(%arg5 : memref<640x64xf32, #tpu.memory_space<hbm>>) dst(%dma_wait3A_51 : memref<640x64xf32, #tpu.memory_space<vmem_shared>>)
      tpu.yield
    }) : () -> ()
    %dma_wait3A = arith.constant 0 : i32
    %dma_wait3A_16 = arith.constant 0 : i32
    %dma_wait3A_17 = tpu.memref_slice %arg3[%arg0, %arg1, %dma_wait3A, %dma_wait3A_16] : memref<2x16x80x256xi32, #tpu.memory_space<hbm>> -> memref<1x1x80x256xi32, #tpu.memory_space<hbm>>
    %dma_wait3A_18 = tpu.memref_squeeze %dma_wait3A_17 : memref<1x1x80x256xi32, #tpu.memory_space<hbm>> -> memref<80x256xi32, #tpu.memory_space<hbm>>
    %dma_wait3A_19 = arith.constant 0 : i32
    %dma_wait3A_20 = arith.constant 0 : i32
    %dma_wait3A_21 = tpu.memref_slice %arg3[%arg0, %arg1, %dma_wait3A_19, %dma_wait3A_20] : memref<2x16x80x256xi32, #tpu.memory_space<hbm>> -> memref<1x1x80x256xi32, #tpu.memory_space<hbm>>
    %dma_wait3A_22 = tpu.memref_squeeze %dma_wait3A_21 : memref<1x1x80x256xi32, #tpu.memory_space<hbm>> -> memref<80x256xi32, #tpu.memory_space<hbm>>
    tpu.wait_dma2 semaphore(%arg17 : memref<!tpu.dma_semaphore, #tpu.memory_space<semaphore_mem>>) src(%dma_wait3A_22 : memref<80x256xi32, #tpu.memory_space<hbm>>) dst(%arg10 : memref<80x256xi32, #tpu.memory_space<vmem>>)
    %dma_wait3A_23 = arith.constant 0 : i32
    %dma_wait3A_24 = arith.constant 0 : i32
    %dma_wait3A_25 = tpu.memref_slice %arg4[%arg1, %dma_wait3A_23, %dma_wait3A_24] : memref<16x80x256xi32, #tpu.memory_space<hbm>> -> memref<1x80x256xi32, #tpu.memory_space<hbm>>
    %dma_wait3A_26 = tpu.memref_squeeze %dma_wait3A_25 : memref<1x80x256xi32, #tpu.memory_space<hbm>> -> memref<80x256xi32, #tpu.memory_space<hbm>>
    %dma_wait3A_27 = arith.constant 0 : i32
    %dma_wait3A_28 = arith.constant 0 : i32
    %dma_wait3A_29 = tpu.memref_slice %arg4[%arg1, %dma_wait3A_27, %dma_wait3A_28] : memref<16x80x256xi32, #tpu.memory_space<hbm>> -> memref<1x80x256xi32, #tpu.memory_space<hbm>>
    %dma_wait3A_30 = tpu.memref_squeeze %dma_wait3A_29 : memref<1x80x256xi32, #tpu.memory_space<hbm>> -> memref<80x256xi32, #tpu.memory_space<hbm>>
    tpu.wait_dma2 semaphore(%arg17 : memref<!tpu.dma_semaphore, #tpu.memory_space<semaphore_mem>>) src(%dma_wait3A_30 : memref<80x256xi32, #tpu.memory_space<hbm>>) dst(%arg11 : memref<80x256xi32, #tpu.memory_space<vmem>>)
    %dma_start3A_31 = arith.constant 0 : i32
    %dma_start3A_32 = arith.constant 0 : i32
    %dma_start3A_33 = tpu.memref_slice %arg10[%dma_start3A_31, %dma_start3A_32] : memref<80x256xi32, #tpu.memory_space<vmem>> -> memref<1x256xi32, #tpu.memory_space<vmem>>
    %dma_start3A_34 = tpu.memref_squeeze %dma_start3A_33 : memref<1x256xi32, #tpu.memory_space<vmem>> -> memref<256xi32, #tpu.memory_space<vmem>>
    %dma_start3A_35 = arith.constant 0 : i32
    %dma_start3A_36 = arith.constant 0 : i32
    %dma_start3A_37 = tpu.memref_slice %arg2[%dma_start3A_35, %dma_start3A_36] : memref<20000x64xf32, #tpu.memory_space<hbm>> -> memref<20000x64xf32, #tpu.memory_space<hbm>>
    tpu.enqueue_indirect_dma source(%dma_start3A_37 : memref<20000x64xf32, #tpu.memory_space<hbm>>) target(%arg12 : memref<256x64xf32, #tpu.memory_space<vmem>>) offsets(%dma_start3A_34 : memref<256xi32, #tpu.memory_space<vmem>>) semaphore(%arg18 : memref<!tpu.dma_semaphore, #tpu.memory_space<semaphore_mem>>)
    %barrier3A = arith.constant 0 : index
    tpu.barrier barrier_id(%barrier3A)
    %scan3A = arith.constant 0 : i32
    %scan3A_38 = arith.constant 40 : i32
    %scan3A_39 = arith.addi %scan3A, %scan3A_38 : i32
    %scan3A_40 = arith.constant 1 : i32
    scf.for %scan3A_48 = %scan3A to %scan3A_39 step %scan3A_40  : i32 {
      %mul3A_49 = arith.constant 1 : i32
      %mul3A_50 = arith.muli %scan3A_48, %mul3A_49 : i32
      %add3A = arith.constant 0 : i32
      %add3A_51 = arith.addi %add3A, %mul3A_50 : i32
      %mul3A_52 = arith.constant 2 : i32
      %mul3A_53 = arith.muli %mul3A_52, %add3A_51 : i32
      %add3A_54 = arith.constant 1 : i32
      %add3A_55 = arith.addi %mul3A_53, %add3A_54 : i32
      %dma_start3A_56 = arith.constant 0 : i32
      %dma_start3A_57 = tpu.memref_slice %arg10[%add3A_55, %dma_start3A_56] : memref<80x256xi32, #tpu.memory_space<vmem>> -> memref<1x256xi32, #tpu.memory_space<vmem>>
      %dma_start3A_58 = tpu.memref_squeeze %dma_start3A_57 : memref<1x256xi32, #tpu.memory_space<vmem>> -> memref<256xi32, #tpu.memory_space<vmem>>
      %dma_start3A_59 = arith.constant 0 : i32
      %dma_start3A_60 = arith.constant 0 : i32
      %dma_start3A_61 = tpu.memref_slice %arg2[%dma_start3A_59, %dma_start3A_60] : memref<20000x64xf32, #tpu.memory_space<hbm>> -> memref<20000x64xf32, #tpu.memory_space<hbm>>
      tpu.enqueue_indirect_dma source(%dma_start3A_61 : memref<20000x64xf32, #tpu.memory_space<hbm>>) target(%arg13 : memref<256x64xf32, #tpu.memory_space<vmem>>) offsets(%dma_start3A_58 : memref<256xi32, #tpu.memory_space<vmem>>) semaphore(%arg19 : memref<!tpu.dma_semaphore, #tpu.memory_space<semaphore_mem>>)
      %dma_wait3A_62 = arith.constant 0 : i32
      %dma_wait3A_63 = tpu.memref_slice %arg10[%mul3A_53, %dma_wait3A_62] : memref<80x256xi32, #tpu.memory_space<vmem>> -> memref<1x256xi32, #tpu.memory_space<vmem>>
      %dma_wait3A_64 = tpu.memref_squeeze %dma_wait3A_63 : memref<1x256xi32, #tpu.memory_space<vmem>> -> memref<256xi32, #tpu.memory_space<vmem>>
      %dma_wait3A_65 = arith.constant 0 : i32
      %dma_wait3A_66 = arith.constant 0 : i32
      %dma_wait3A_67 = tpu.memref_slice %arg2[%dma_wait3A_65, %dma_wait3A_66] : memref<20000x64xf32, #tpu.memory_space<hbm>> -> memref<20000x64xf32, #tpu.memory_space<hbm>>
      tpu.wait_indirect_dma semaphore(%arg18 : memref<!tpu.dma_semaphore, #tpu.memory_space<semaphore_mem>>) src(%dma_wait3A_67 : memref<20000x64xf32, #tpu.memory_space<hbm>>) dst(%arg12 : memref<256x64xf32, #tpu.memory_space<vmem>>)
      "tpu.region"() ({
        %run_scoped3A = tpu.sem_alloc : memref<!tpu.dma_semaphore, #tpu.memory_space<semaphore_mem>>
        %dma_start3A_80 = arith.constant 0 : i32
        %dma_start3A_81 = tpu.memref_slice %arg11[%mul3A_53, %dma_start3A_80] : memref<80x256xi32, #tpu.memory_space<vmem>> -> memref<1x256xi32, #tpu.memory_space<vmem>>
        %dma_start3A_82 = tpu.memref_squeeze %dma_start3A_81 : memref<1x256xi32, #tpu.memory_space<vmem>> -> memref<256xi32, #tpu.memory_space<vmem>>
        %dma_start3A_83 = arith.constant 0 : i32
        %dma_start3A_84 = arith.constant 0 : i32
        %dma_start3A_85 = tpu.memref_slice %arg15[%dma_start3A_83, %dma_start3A_84] : memref<10240x64xf32, #tpu.memory_space<vmem_shared>> -> memref<10240x64xf32, #tpu.memory_space<vmem_shared>>
        tpu.enqueue_indirect_dma source(%arg12 : memref<256x64xf32, #tpu.memory_space<vmem>>) target(%dma_start3A_85 : memref<10240x64xf32, #tpu.memory_space<vmem_shared>>) offsets(%dma_start3A_82 : memref<256xi32, #tpu.memory_space<vmem>>) semaphore(%run_scoped3A : memref<!tpu.dma_semaphore, #tpu.memory_space<semaphore_mem>>) {add = true}
        %dma_wait3A_86 = arith.constant 0 : i32
        %dma_wait3A_87 = tpu.memref_slice %arg11[%mul3A_53, %dma_wait3A_86] : memref<80x256xi32, #tpu.memory_space<vmem>> -> memref<1x256xi32, #tpu.memory_space<vmem>>
        %dma_wait3A_88 = tpu.memref_squeeze %dma_wait3A_87 : memref<1x256xi32, #tpu.memory_space<vmem>> -> memref<256xi32, #tpu.memory_space<vmem>>
        %dma_wait3A_89 = arith.constant 0 : i32
        %dma_wait3A_90 = arith.constant 0 : i32
        %dma_wait3A_91 = tpu.memref_slice %arg15[%dma_wait3A_89, %dma_wait3A_90] : memref<10240x64xf32, #tpu.memory_space<vmem_shared>> -> memref<10240x64xf32, #tpu.memory_space<vmem_shared>>
        tpu.wait_indirect_dma semaphore(%run_scoped3A : memref<!tpu.dma_semaphore, #tpu.memory_space<semaphore_mem>>) src(%arg12 : memref<256x64xf32, #tpu.memory_space<vmem>>) dst(%dma_wait3A_91 : memref<10240x64xf32, #tpu.memory_space<vmem_shared>>)
        tpu.yield
      }) : () -> ()
      %add3A_68 = arith.constant 1 : i32
      %add3A_69 = arith.addi %add3A_51, %add3A_68 : i32
      %lt3A = arith.constant 40 : i32
      %lt3A_70 = arith.cmpi slt, %add3A_69, %lt3A : i32
      %convert_element_type3A = arith.extui %lt3A_70 : i1 to i32
      %cond3A = arith.constant 0 : i32
      %cond3A_71 = arith.cmpi ne, %convert_element_type3A, %cond3A : i32
      scf.if %cond3A_71 {
        %add3A_80 = arith.constant 2 : i32
        %add3A_81 = arith.addi %mul3A_53, %add3A_80 : i32
        %dma_start3A_82 = arith.constant 0 : i32
        %dma_start3A_83 = tpu.memref_slice %arg10[%add3A_81, %dma_start3A_82] : memref<80x256xi32, #tpu.memory_space<vmem>> -> memref<1x256xi32, #tpu.memory_space<vmem>>
        %dma_start3A_84 = tpu.memref_squeeze %dma_start3A_83 : memref<1x256xi32, #tpu.memory_space<vmem>> -> memref<256xi32, #tpu.memory_space<vmem>>
        %dma_start3A_85 = arith.constant 0 : i32
        %dma_start3A_86 = arith.constant 0 : i32
        %dma_start3A_87 = tpu.memref_slice %arg2[%dma_start3A_85, %dma_start3A_86] : memref<20000x64xf32, #tpu.memory_space<hbm>> -> memref<20000x64xf32, #tpu.memory_space<hbm>>
        tpu.enqueue_indirect_dma source(%dma_start3A_87 : memref<20000x64xf32, #tpu.memory_space<hbm>>) target(%arg12 : memref<256x64xf32, #tpu.memory_space<vmem>>) offsets(%dma_start3A_84 : memref<256xi32, #tpu.memory_space<vmem>>) semaphore(%arg18 : memref<!tpu.dma_semaphore, #tpu.memory_space<semaphore_mem>>)
      } else {
      }
      %add3A_72 = arith.constant 1 : i32
      %add3A_73 = arith.addi %mul3A_53, %add3A_72 : i32
      %dma_wait3A_74 = arith.constant 0 : i32
      %dma_wait3A_75 = tpu.memref_slice %arg10[%add3A_73, %dma_wait3A_74] : memref<80x256xi32, #tpu.memory_space<vmem>> -> memref<1x256xi32, #tpu.memory_space<vmem>>
      %dma_wait3A_76 = tpu.memref_squeeze %dma_wait3A_75 : memref<1x256xi32, #tpu.memory_space<vmem>> -> memref<256xi32, #tpu.memory_space<vmem>>
      %dma_wait3A_77 = arith.constant 0 : i32
      %dma_wait3A_78 = arith.constant 0 : i32
      %dma_wait3A_79 = tpu.memref_slice %arg2[%dma_wait3A_77, %dma_wait3A_78] : memref<20000x64xf32, #tpu.memory_space<hbm>> -> memref<20000x64xf32, #tpu.memory_space<hbm>>
      tpu.wait_indirect_dma semaphore(%arg19 : memref<!tpu.dma_semaphore, #tpu.memory_space<semaphore_mem>>) src(%dma_wait3A_79 : memref<20000x64xf32, #tpu.memory_space<hbm>>) dst(%arg13 : memref<256x64xf32, #tpu.memory_space<vmem>>)
      "tpu.region"() ({
        %run_scoped3A = tpu.sem_alloc : memref<!tpu.dma_semaphore, #tpu.memory_space<semaphore_mem>>
        %dma_start3A_80 = arith.constant 0 : i32
        %dma_start3A_81 = tpu.memref_slice %arg11[%add3A_73, %dma_start3A_80] : memref<80x256xi32, #tpu.memory_space<vmem>> -> memref<1x256xi32, #tpu.memory_space<vmem>>
        %dma_start3A_82 = tpu.memref_squeeze %dma_start3A_81 : memref<1x256xi32, #tpu.memory_space<vmem>> -> memref<256xi32, #tpu.memory_space<vmem>>
        %dma_start3A_83 = arith.constant 0 : i32
        %dma_start3A_84 = arith.constant 0 : i32
        %dma_start3A_85 = tpu.memref_slice %arg15[%dma_start3A_83, %dma_start3A_84] : memref<10240x64xf32, #tpu.memory_space<vmem_shared>> -> memref<10240x64xf32, #tpu.memory_space<vmem_shared>>
        tpu.enqueue_indirect_dma source(%arg13 : memref<256x64xf32, #tpu.memory_space<vmem>>) target(%dma_start3A_85 : memref<10240x64xf32, #tpu.memory_space<vmem_shared>>) offsets(%dma_start3A_82 : memref<256xi32, #tpu.memory_space<vmem>>) semaphore(%run_scoped3A : memref<!tpu.dma_semaphore, #tpu.memory_space<semaphore_mem>>) {add = true}
        %dma_wait3A_86 = arith.constant 0 : i32
        %dma_wait3A_87 = tpu.memref_slice %arg11[%add3A_73, %dma_wait3A_86] : memref<80x256xi32, #tpu.memory_space<vmem>> -> memref<1x256xi32, #tpu.memory_space<vmem>>
        %dma_wait3A_88 = tpu.memref_squeeze %dma_wait3A_87 : memref<1x256xi32, #tpu.memory_space<vmem>> -> memref<256xi32, #tpu.memory_space<vmem>>
        %dma_wait3A_89 = arith.constant 0 : i32
        %dma_wait3A_90 = arith.constant 0 : i32
        %dma_wait3A_91 = tpu.memref_slice %arg15[%dma_wait3A_89, %dma_wait3A_90] : memref<10240x64xf32, #tpu.memory_space<vmem_shared>> -> memref<10240x64xf32, #tpu.memory_space<vmem_shared>>
        tpu.wait_indirect_dma semaphore(%run_scoped3A : memref<!tpu.dma_semaphore, #tpu.memory_space<semaphore_mem>>) src(%arg13 : memref<256x64xf32, #tpu.memory_space<vmem>>) dst(%dma_wait3A_91 : memref<10240x64xf32, #tpu.memory_space<vmem_shared>>)
        tpu.yield
      }) : () -> ()
    }
    %scan3A_41 = arith.constant 40 : i32
    %barrier3A_42 = arith.constant 0 : index
    tpu.barrier barrier_id(%barrier3A_42)
    %scan3A_43 = arith.constant 0 : i32
    %scan3A_44 = arith.constant 5 : i32
    %scan3A_45 = arith.addi %scan3A_43, %scan3A_44 : i32
    %scan3A_46 = arith.constant 1 : i32
    scf.for %scan3A_48 = %scan3A_43 to %scan3A_45 step %scan3A_46  : i32 {
      %mul3A_49 = arith.constant 1 : i32
      %mul3A_50 = arith.muli %scan3A_48, %mul3A_49 : i32
      %add3A = arith.constant 0 : i32
      %add3A_51 = arith.addi %add3A, %mul3A_50 : i32
      %mul3A_52 = arith.constant 128 : i32
      %mul3A_53 = arith.muli %add3A_51, %mul3A_52 : i32
      %add3A_54 = arith.addi %mul3A_0, %mul3A_53 : i32
      "tpu.region"() ({
        %run_scoped3A = tpu.sem_alloc : memref<!tpu.dma_semaphore, #tpu.memory_space<semaphore_mem>>
        %dma_start3A_55 = arith.constant 0 : i32
        %dma_start3A_56 = arith.constant 0 : i32
        %dma_start3A_57 = tpu.memref_slice %arg12[%dma_start3A_55, %dma_start3A_56] : memref<256x64xf32, #tpu.memory_space<vmem>> -> memref<128x64xf32, #tpu.memory_space<vmem>>
        %dma_start3A_58 = arith.constant 0 : i32
        %dma_start3A_59 = tpu.memref_slice %arg15[%add3A_54, %dma_start3A_58] : memref<10240x64xf32, #tpu.memory_space<vmem_shared>> -> memref<128x64xf32, #tpu.memory_space<vmem_shared>>
        %dma_start3A_60 = arith.constant 0 : i32
        %dma_start3A_61 = arith.constant 0 : i32
        %dma_start3A_62 = tpu.memref_slice %arg12[%dma_start3A_60, %dma_start3A_61] : memref<256x64xf32, #tpu.memory_space<vmem>> -> memref<128x64xf32, #tpu.memory_space<vmem>>
        %dma_start3A_63 = arith.constant 0 : i32
        %dma_start3A_64 = tpu.memref_slice %arg15[%add3A_54, %dma_start3A_63] : memref<10240x64xf32, #tpu.memory_space<vmem_shared>> -> memref<128x64xf32, #tpu.memory_space<vmem_shared>>
        tpu.enqueue_dma source(%dma_start3A_64 : memref<128x64xf32, #tpu.memory_space<vmem_shared>>) target(%dma_start3A_62 : memref<128x64xf32, #tpu.memory_space<vmem>>) target_semaphore(%run_scoped3A : memref<!tpu.dma_semaphore, #tpu.memory_space<semaphore_mem>>)
        %dma_wait3A_65 = arith.constant 0 : i32
        %dma_wait3A_66 = arith.constant 0 : i32
        %dma_wait3A_67 = tpu.memref_slice %arg12[%dma_wait3A_65, %dma_wait3A_66] : memref<256x64xf32, #tpu.memory_space<vmem>> -> memref<128x64xf32, #tpu.memory_space<vmem>>
        %dma_wait3A_68 = arith.constant 0 : i32
        %dma_wait3A_69 = tpu.memref_slice %arg15[%add3A_54, %dma_wait3A_68] : memref<10240x64xf32, #tpu.memory_space<vmem_shared>> -> memref<128x64xf32, #tpu.memory_space<vmem_shared>>
        %dma_wait3A_70 = arith.constant 0 : i32
        %dma_wait3A_71 = arith.constant 0 : i32
        %dma_wait3A_72 = tpu.memref_slice %arg12[%dma_wait3A_70, %dma_wait3A_71] : memref<256x64xf32, #tpu.memory_space<vmem>> -> memref<128x64xf32, #tpu.memory_space<vmem>>
        %dma_wait3A_73 = arith.constant 0 : i32
        %dma_wait3A_74 = tpu.memref_slice %arg15[%add3A_54, %dma_wait3A_73] : memref<10240x64xf32, #tpu.memory_space<vmem_shared>> -> memref<128x64xf32, #tpu.memory_space<vmem_shared>>
        tpu.wait_dma2 semaphore(%run_scoped3A : memref<!tpu.dma_semaphore, #tpu.memory_space<semaphore_mem>>) src(%dma_wait3A_74 : memref<128x64xf32, #tpu.memory_space<vmem_shared>>) dst(%dma_wait3A_72 : memref<128x64xf32, #tpu.memory_space<vmem>>)
        tpu.yield
      }) : () -> ()
      "tpu.region"() ({
        %run_scoped3A = tpu.sem_alloc : memref<!tpu.dma_semaphore, #tpu.memory_space<semaphore_mem>>
        %dma_start3A_55 = arith.constant 0 : i32
        %dma_start3A_56 = arith.constant 0 : i32
        %dma_start3A_57 = tpu.memref_slice %arg12[%dma_start3A_55, %dma_start3A_56] : memref<256x64xf32, #tpu.memory_space<vmem>> -> memref<128x64xf32, #tpu.memory_space<vmem>>
        %dma_start3A_58 = arith.constant 0 : i32
        %dma_start3A_59 = tpu.memref_slice %arg8[%arg0, %add3A_54, %dma_start3A_58] : memref<2x10240x64xf32, #tpu.memory_space<hbm>> -> memref<1x128x64xf32, #tpu.memory_space<hbm>>
        %dma_start3A_60 = tpu.memref_squeeze %dma_start3A_59 : memref<1x128x64xf32, #tpu.memory_space<hbm>> -> memref<128x64xf32, #tpu.memory_space<hbm>>
        %dma_start3A_61 = arith.constant 0 : i32
        %dma_start3A_62 = tpu.memref_slice %arg8[%arg0, %add3A_54, %dma_start3A_61] : memref<2x10240x64xf32, #tpu.memory_space<hbm>> -> memref<1x128x64xf32, #tpu.memory_space<hbm>>
        %dma_start3A_63 = tpu.memref_squeeze %dma_start3A_62 : memref<1x128x64xf32, #tpu.memory_space<hbm>> -> memref<128x64xf32, #tpu.memory_space<hbm>>
        %dma_start3A_64 = arith.constant 0 : i32
        %dma_start3A_65 = arith.constant 0 : i32
        %dma_start3A_66 = tpu.memref_slice %arg12[%dma_start3A_64, %dma_start3A_65] : memref<256x64xf32, #tpu.memory_space<vmem>> -> memref<128x64xf32, #tpu.memory_space<vmem>>
        tpu.enqueue_dma source(%dma_start3A_66 : memref<128x64xf32, #tpu.memory_space<vmem>>) target(%dma_start3A_63 : memref<128x64xf32, #tpu.memory_space<hbm>>) target_semaphore(%run_scoped3A : memref<!tpu.dma_semaphore, #tpu.memory_space<semaphore_mem>>)
        %dma_wait3A_67 = arith.constant 0 : i32
        %dma_wait3A_68 = arith.constant 0 : i32
        %dma_wait3A_69 = tpu.memref_slice %arg12[%dma_wait3A_67, %dma_wait3A_68] : memref<256x64xf32, #tpu.memory_space<vmem>> -> memref<128x64xf32, #tpu.memory_space<vmem>>
        %dma_wait3A_70 = arith.constant 0 : i32
        %dma_wait3A_71 = tpu.memref_slice %arg8[%arg0, %add3A_54, %dma_wait3A_70] : memref<2x10240x64xf32, #tpu.memory_space<hbm>> -> memref<1x128x64xf32, #tpu.memory_space<hbm>>
        %dma_wait3A_72 = tpu.memref_squeeze %dma_wait3A_71 : memref<1x128x64xf32, #tpu.memory_space<hbm>> -> memref<128x64xf32, #tpu.memory_space<hbm>>
        %dma_wait3A_73 = arith.constant 0 : i32
        %dma_wait3A_74 = tpu.memref_slice %arg8[%arg0, %add3A_54, %dma_wait3A_73] : memref<2x10240x64xf32, #tpu.memory_space<hbm>> -> memref<1x128x64xf32, #tpu.memory_space<hbm>>
        %dma_wait3A_75 = tpu.memref_squeeze %dma_wait3A_74 : memref<1x128x64xf32, #tpu.memory_space<hbm>> -> memref<128x64xf32, #tpu.memory_space<hbm>>
        %dma_wait3A_76 = arith.constant 0 : i32
        %dma_wait3A_77 = arith.constant 0 : i32
        %dma_wait3A_78 = tpu.memref_slice %arg12[%dma_wait3A_76, %dma_wait3A_77] : memref<256x64xf32, #tpu.memory_space<vmem>> -> memref<128x64xf32, #tpu.memory_space<vmem>>
        tpu.wait_dma2 semaphore(%run_scoped3A : memref<!tpu.dma_semaphore, #tpu.memory_space<semaphore_mem>>) src(%dma_wait3A_78 : memref<128x64xf32, #tpu.memory_space<vmem>>) dst(%dma_wait3A_75 : memref<128x64xf32, #tpu.memory_space<hbm>>)
        tpu.yield
      }) : () -> ()
    }
    %scan3A_47 = arith.constant 5 : i32
    return
  }
}

#map = affine_map<(d0, d1) -> (0, 0)>
#map1 = affine_map<(d0, d1) -> (0, 0, 0, 0)>
#map2 = affine_map<(d0, d1) -> (0, 0, 0)>
module attributes {stable_mosaic.version = 14 : i64} {
  func.func @body(%arg0: i32, %arg1: i32, %arg2: memref<20000x64xf32, #tpu.memory_space<hbm>>, %arg3: memref<2x16x80x256xi32, #tpu.memory_space<hbm>>, %arg4: memref<16x80x256xi32, #tpu.memory_space<hbm>>, %arg5: memref<640x64xf32, #tpu.memory_space<hbm>>, %arg6: memref<640x16xf32, #tpu.memory_space<hbm>>, %arg7: memref<256x16xf32, #tpu.memory_space<hbm>>, %arg8: memref<2x10240x64xf32, #tpu.memory_space<hbm>>, %arg9: memref<10240x16xf32, #tpu.memory_space<hbm>>, %arg10: memref<80x256xi32, #tpu.memory_space<vmem>>, %arg11: memref<80x256xi32, #tpu.memory_space<vmem>>, %arg12: memref<256x64xf32, #tpu.memory_space<vmem>>, %arg13: memref<256x64xf32, #tpu.memory_space<vmem>>, %arg14: memref<256x16xf32, #tpu.memory_space<vmem>>, %arg15: memref<10240x64xf32, #tpu.memory_space<vmem_shared>>, %arg16: memref<10240x16xf32, #tpu.memory_space<vmem_shared>>, %arg17: memref<!tpu.dma_semaphore, #tpu.memory_space<semaphore_mem>>, %arg18: memref<!tpu.dma_semaphore, #tpu.memory_space<semaphore_mem>>, %arg19: memref<!tpu.dma_semaphore, #tpu.memory_space<semaphore_mem>>) attributes {dimension_semantics = [#tpu.dimension_semantics<core_parallel>, #tpu.dimension_semantics<subcore_parallel>], iteration_bounds = array<i64: 2, 16>, scalar_prefetch = 0 : i64, scratch_operands = 10 : i64, tpu.core_type = #tpu.core_type<sc_vector_subcore>, window_params = [{transform_indices = #map}, {transform_indices = #map1}, {transform_indices = #map2}, {transform_indices = #map}, {transform_indices = #map}, {transform_indices = #map}, {transform_indices = #map2}, {transform_indices = #map}]} {
    %mul3A = arith.constant 640 : i32
    %mul3A_0 = arith.muli %arg1, %mul3A : i32
    %dma_start3A = arith.constant 0 : i32
    %dma_start3A_1 = arith.constant 0 : i32
    %dma_start3A_2 = tpu.memref_slice %arg3[%arg0, %arg1, %dma_start3A, %dma_start3A_1] : memref<2x16x80x256xi32, #tpu.memory_space<hbm>> -> memref<1x1x80x256xi32, #tpu.memory_space<hbm>>
    %dma_start3A_3 = tpu.memref_squeeze %dma_start3A_2 : memref<1x1x80x256xi32, #tpu.memory_space<hbm>> -> memref<80x256xi32, #tpu.memory_space<hbm>>
    %dma_start3A_4 = arith.constant 0 : i32
    %dma_start3A_5 = arith.constant 0 : i32
    %dma_start3A_6 = tpu.memref_slice %arg3[%arg0, %arg1, %dma_start3A_4, %dma_start3A_5] : memref<2x16x80x256xi32, #tpu.memory_space<hbm>> -> memref<1x1x80x256xi32, #tpu.memory_space<hbm>>
    %dma_start3A_7 = tpu.memref_squeeze %dma_start3A_6 : memref<1x1x80x256xi32, #tpu.memory_space<hbm>> -> memref<80x256xi32, #tpu.memory_space<hbm>>
    tpu.enqueue_dma source(%dma_start3A_7 : memref<80x256xi32, #tpu.memory_space<hbm>>) target(%arg10 : memref<80x256xi32, #tpu.memory_space<vmem>>) target_semaphore(%arg17 : memref<!tpu.dma_semaphore, #tpu.memory_space<semaphore_mem>>)
    %dma_start3A_8 = arith.constant 0 : i32
    %dma_start3A_9 = arith.constant 0 : i32
    %dma_start3A_10 = tpu.memref_slice %arg4[%arg1, %dma_start3A_8, %dma_start3A_9] : memref<16x80x256xi32, #tpu.memory_space<hbm>> -> memref<1x80x256xi32, #tpu.memory_space<hbm>>
    %dma_start3A_11 = tpu.memref_squeeze %dma_start3A_10 : memref<1x80x256xi32, #tpu.memory_space<hbm>> -> memref<80x256xi32, #tpu.memory_space<hbm>>
    %dma_start3A_12 = arith.constant 0 : i32
    %dma_start3A_13 = arith.constant 0 : i32
    %dma_start3A_14 = tpu.memref_slice %arg4[%arg1, %dma_start3A_12, %dma_start3A_13] : memref<16x80x256xi32, #tpu.memory_space<hbm>> -> memref<1x80x256xi32, #tpu.memory_space<hbm>>
    %dma_start3A_15 = tpu.memref_squeeze %dma_start3A_14 : memref<1x80x256xi32, #tpu.memory_space<hbm>> -> memref<80x256xi32, #tpu.memory_space<hbm>>
    tpu.enqueue_dma source(%dma_start3A_15 : memref<80x256xi32, #tpu.memory_space<hbm>>) target(%arg11 : memref<80x256xi32, #tpu.memory_space<vmem>>) target_semaphore(%arg17 : memref<!tpu.dma_semaphore, #tpu.memory_space<semaphore_mem>>)
    "tpu.region"() ({
      %run_scoped3A = tpu.sem_alloc : memref<!tpu.dma_semaphore, #tpu.memory_space<semaphore_mem>>
      %dma_start3A_55 = arith.constant 0 : i32
      %dma_start3A_56 = tpu.memref_slice %arg15[%mul3A_0, %dma_start3A_55] : memref<10240x64xf32, #tpu.memory_space<vmem_shared>> -> memref<640x64xf32, #tpu.memory_space<vmem_shared>>
      tpu.enqueue_dma source(%arg5 : memref<640x64xf32, #tpu.memory_space<hbm>>) target(%dma_start3A_56 : memref<640x64xf32, #tpu.memory_space<vmem_shared>>) target_semaphore(%run_scoped3A : memref<!tpu.dma_semaphore, #tpu.memory_space<semaphore_mem>>)
      %dma_wait3A_57 = arith.constant 0 : i32
      %dma_wait3A_58 = tpu.memref_slice %arg15[%mul3A_0, %dma_wait3A_57] : memref<10240x64xf32, #tpu.memory_space<vmem_shared>> -> memref<640x64xf32, #tpu.memory_space<vmem_shared>>
      tpu.wait_dma2 semaphore(%run_scoped3A : memref<!tpu.dma_semaphore, #tpu.memory_space<semaphore_mem>>) src(%arg5 : memref<640x64xf32, #tpu.memory_space<hbm>>) dst(%dma_wait3A_58 : memref<640x64xf32, #tpu.memory_space<vmem_shared>>)
      tpu.yield
    }) : () -> ()
    %eq3A = arith.constant 0 : i32
    %eq3A_16 = arith.cmpi eq, %arg0, %eq3A : i32
    %convert_element_type3A = arith.extui %eq3A_16 : i1 to i32
    %cond3A = arith.constant 0 : i32
    %cond3A_17 = arith.cmpi ne, %convert_element_type3A, %cond3A : i32
    scf.if %cond3A_17 {
      "tpu.region"() ({
        %run_scoped3A = tpu.sem_alloc : memref<!tpu.dma_semaphore, #tpu.memory_space<semaphore_mem>>
        %dma_start3A_55 = arith.constant 0 : i32
        %dma_start3A_56 = tpu.memref_slice %arg16[%mul3A_0, %dma_start3A_55] : memref<10240x16xf32, #tpu.memory_space<vmem_shared>> -> memref<640x16xf32, #tpu.memory_space<vmem_shared>>
        tpu.enqueue_dma source(%arg6 : memref<640x16xf32, #tpu.memory_space<hbm>>) target(%dma_start3A_56 : memref<640x16xf32, #tpu.memory_space<vmem_shared>>) target_semaphore(%run_scoped3A : memref<!tpu.dma_semaphore, #tpu.memory_space<semaphore_mem>>)
        %dma_wait3A_57 = arith.constant 0 : i32
        %dma_wait3A_58 = tpu.memref_slice %arg16[%mul3A_0, %dma_wait3A_57] : memref<10240x16xf32, #tpu.memory_space<vmem_shared>> -> memref<640x16xf32, #tpu.memory_space<vmem_shared>>
        tpu.wait_dma2 semaphore(%run_scoped3A : memref<!tpu.dma_semaphore, #tpu.memory_space<semaphore_mem>>) src(%arg6 : memref<640x16xf32, #tpu.memory_space<hbm>>) dst(%dma_wait3A_58 : memref<640x16xf32, #tpu.memory_space<vmem_shared>>)
        tpu.yield
      }) : () -> ()
      "tpu.region"() ({
        %run_scoped3A = tpu.sem_alloc : memref<!tpu.dma_semaphore, #tpu.memory_space<semaphore_mem>>
        tpu.enqueue_dma source(%arg7 : memref<256x16xf32, #tpu.memory_space<hbm>>) target(%arg14 : memref<256x16xf32, #tpu.memory_space<vmem>>) target_semaphore(%run_scoped3A : memref<!tpu.dma_semaphore, #tpu.memory_space<semaphore_mem>>)
        tpu.wait_dma2 semaphore(%run_scoped3A : memref<!tpu.dma_semaphore, #tpu.memory_space<semaphore_mem>>) src(%arg7 : memref<256x16xf32, #tpu.memory_space<hbm>>) dst(%arg14 : memref<256x16xf32, #tpu.memory_space<vmem>>)
        tpu.yield
      }) : () -> ()
    } else {
    }
    %dma_wait3A = arith.constant 0 : i32
    %dma_wait3A_18 = arith.constant 0 : i32
    %dma_wait3A_19 = tpu.memref_slice %arg3[%arg0, %arg1, %dma_wait3A, %dma_wait3A_18] : memref<2x16x80x256xi32, #tpu.memory_space<hbm>> -> memref<1x1x80x256xi32, #tpu.memory_space<hbm>>
    %dma_wait3A_20 = tpu.memref_squeeze %dma_wait3A_19 : memref<1x1x80x256xi32, #tpu.memory_space<hbm>> -> memref<80x256xi32, #tpu.memory_space<hbm>>
    %dma_wait3A_21 = arith.constant 0 : i32
    %dma_wait3A_22 = arith.constant 0 : i32
    %dma_wait3A_23 = tpu.memref_slice %arg3[%arg0, %arg1, %dma_wait3A_21, %dma_wait3A_22] : memref<2x16x80x256xi32, #tpu.memory_space<hbm>> -> memref<1x1x80x256xi32, #tpu.memory_space<hbm>>
    %dma_wait3A_24 = tpu.memref_squeeze %dma_wait3A_23 : memref<1x1x80x256xi32, #tpu.memory_space<hbm>> -> memref<80x256xi32, #tpu.memory_space<hbm>>
    tpu.wait_dma2 semaphore(%arg17 : memref<!tpu.dma_semaphore, #tpu.memory_space<semaphore_mem>>) src(%dma_wait3A_24 : memref<80x256xi32, #tpu.memory_space<hbm>>) dst(%arg10 : memref<80x256xi32, #tpu.memory_space<vmem>>)
    %dma_wait3A_25 = arith.constant 0 : i32
    %dma_wait3A_26 = arith.constant 0 : i32
    %dma_wait3A_27 = tpu.memref_slice %arg4[%arg1, %dma_wait3A_25, %dma_wait3A_26] : memref<16x80x256xi32, #tpu.memory_space<hbm>> -> memref<1x80x256xi32, #tpu.memory_space<hbm>>
    %dma_wait3A_28 = tpu.memref_squeeze %dma_wait3A_27 : memref<1x80x256xi32, #tpu.memory_space<hbm>> -> memref<80x256xi32, #tpu.memory_space<hbm>>
    %dma_wait3A_29 = arith.constant 0 : i32
    %dma_wait3A_30 = arith.constant 0 : i32
    %dma_wait3A_31 = tpu.memref_slice %arg4[%arg1, %dma_wait3A_29, %dma_wait3A_30] : memref<16x80x256xi32, #tpu.memory_space<hbm>> -> memref<1x80x256xi32, #tpu.memory_space<hbm>>
    %dma_wait3A_32 = tpu.memref_squeeze %dma_wait3A_31 : memref<1x80x256xi32, #tpu.memory_space<hbm>> -> memref<80x256xi32, #tpu.memory_space<hbm>>
    tpu.wait_dma2 semaphore(%arg17 : memref<!tpu.dma_semaphore, #tpu.memory_space<semaphore_mem>>) src(%dma_wait3A_32 : memref<80x256xi32, #tpu.memory_space<hbm>>) dst(%arg11 : memref<80x256xi32, #tpu.memory_space<vmem>>)
    %dma_start3A_33 = arith.constant 0 : i32
    %dma_start3A_34 = arith.constant 0 : i32
    %dma_start3A_35 = tpu.memref_slice %arg10[%dma_start3A_33, %dma_start3A_34] : memref<80x256xi32, #tpu.memory_space<vmem>> -> memref<1x256xi32, #tpu.memory_space<vmem>>
    %dma_start3A_36 = tpu.memref_squeeze %dma_start3A_35 : memref<1x256xi32, #tpu.memory_space<vmem>> -> memref<256xi32, #tpu.memory_space<vmem>>
    %dma_start3A_37 = arith.constant 0 : i32
    %dma_start3A_38 = arith.constant 0 : i32
    %dma_start3A_39 = tpu.memref_slice %arg2[%dma_start3A_37, %dma_start3A_38] : memref<20000x64xf32, #tpu.memory_space<hbm>> -> memref<20000x64xf32, #tpu.memory_space<hbm>>
    tpu.enqueue_indirect_dma source(%dma_start3A_39 : memref<20000x64xf32, #tpu.memory_space<hbm>>) target(%arg12 : memref<256x64xf32, #tpu.memory_space<vmem>>) offsets(%dma_start3A_36 : memref<256xi32, #tpu.memory_space<vmem>>) semaphore(%arg18 : memref<!tpu.dma_semaphore, #tpu.memory_space<semaphore_mem>>)
    %barrier3A = arith.constant 0 : index
    tpu.barrier barrier_id(%barrier3A)
    %scan3A = arith.constant 0 : i32
    %scan3A_40 = arith.constant 40 : i32
    %scan3A_41 = arith.addi %scan3A, %scan3A_40 : i32
    %scan3A_42 = arith.constant 1 : i32
    scf.for %scan3A_55 = %scan3A to %scan3A_41 step %scan3A_42  : i32 {
      %mul3A_56 = arith.constant 1 : i32
      %mul3A_57 = arith.muli %scan3A_55, %mul3A_56 : i32
      %add3A = arith.constant 0 : i32
      %add3A_58 = arith.addi %add3A, %mul3A_57 : i32
      %mul3A_59 = arith.constant 2 : i32
      %mul3A_60 = arith.muli %mul3A_59, %add3A_58 : i32
      %add3A_61 = arith.constant 1 : i32
      %add3A_62 = arith.addi %mul3A_60, %add3A_61 : i32
      %dma_start3A_63 = arith.constant 0 : i32
      %dma_start3A_64 = tpu.memref_slice %arg10[%add3A_62, %dma_start3A_63] : memref<80x256xi32, #tpu.memory_space<vmem>> -> memref<1x256xi32, #tpu.memory_space<vmem>>
      %dma_start3A_65 = tpu.memref_squeeze %dma_start3A_64 : memref<1x256xi32, #tpu.memory_space<vmem>> -> memref<256xi32, #tpu.memory_space<vmem>>
      %dma_start3A_66 = arith.constant 0 : i32
      %dma_start3A_67 = arith.constant 0 : i32
      %dma_start3A_68 = tpu.memref_slice %arg2[%dma_start3A_66, %dma_start3A_67] : memref<20000x64xf32, #tpu.memory_space<hbm>> -> memref<20000x64xf32, #tpu.memory_space<hbm>>
      tpu.enqueue_indirect_dma source(%dma_start3A_68 : memref<20000x64xf32, #tpu.memory_space<hbm>>) target(%arg13 : memref<256x64xf32, #tpu.memory_space<vmem>>) offsets(%dma_start3A_65 : memref<256xi32, #tpu.memory_space<vmem>>) semaphore(%arg19 : memref<!tpu.dma_semaphore, #tpu.memory_space<semaphore_mem>>)
      %dma_wait3A_69 = arith.constant 0 : i32
      %dma_wait3A_70 = tpu.memref_slice %arg10[%mul3A_60, %dma_wait3A_69] : memref<80x256xi32, #tpu.memory_space<vmem>> -> memref<1x256xi32, #tpu.memory_space<vmem>>
      %dma_wait3A_71 = tpu.memref_squeeze %dma_wait3A_70 : memref<1x256xi32, #tpu.memory_space<vmem>> -> memref<256xi32, #tpu.memory_space<vmem>>
      %dma_wait3A_72 = arith.constant 0 : i32
      %dma_wait3A_73 = arith.constant 0 : i32
      %dma_wait3A_74 = tpu.memref_slice %arg2[%dma_wait3A_72, %dma_wait3A_73] : memref<20000x64xf32, #tpu.memory_space<hbm>> -> memref<20000x64xf32, #tpu.memory_space<hbm>>
      tpu.wait_indirect_dma semaphore(%arg18 : memref<!tpu.dma_semaphore, #tpu.memory_space<semaphore_mem>>) src(%dma_wait3A_74 : memref<20000x64xf32, #tpu.memory_space<hbm>>) dst(%arg12 : memref<256x64xf32, #tpu.memory_space<vmem>>)
      "tpu.region"() ({
        %run_scoped3A = tpu.sem_alloc : memref<!tpu.dma_semaphore, #tpu.memory_space<semaphore_mem>>
        %dma_start3A_99 = arith.constant 0 : i32
        %dma_start3A_100 = tpu.memref_slice %arg11[%mul3A_60, %dma_start3A_99] : memref<80x256xi32, #tpu.memory_space<vmem>> -> memref<1x256xi32, #tpu.memory_space<vmem>>
        %dma_start3A_101 = tpu.memref_squeeze %dma_start3A_100 : memref<1x256xi32, #tpu.memory_space<vmem>> -> memref<256xi32, #tpu.memory_space<vmem>>
        %dma_start3A_102 = arith.constant 0 : i32
        %dma_start3A_103 = arith.constant 0 : i32
        %dma_start3A_104 = tpu.memref_slice %arg15[%dma_start3A_102, %dma_start3A_103] : memref<10240x64xf32, #tpu.memory_space<vmem_shared>> -> memref<10240x64xf32, #tpu.memory_space<vmem_shared>>
        tpu.enqueue_indirect_dma source(%arg12 : memref<256x64xf32, #tpu.memory_space<vmem>>) target(%dma_start3A_104 : memref<10240x64xf32, #tpu.memory_space<vmem_shared>>) offsets(%dma_start3A_101 : memref<256xi32, #tpu.memory_space<vmem>>) semaphore(%run_scoped3A : memref<!tpu.dma_semaphore, #tpu.memory_space<semaphore_mem>>) {add = true}
        %dma_wait3A_105 = arith.constant 0 : i32
        %dma_wait3A_106 = tpu.memref_slice %arg11[%mul3A_60, %dma_wait3A_105] : memref<80x256xi32, #tpu.memory_space<vmem>> -> memref<1x256xi32, #tpu.memory_space<vmem>>
        %dma_wait3A_107 = tpu.memref_squeeze %dma_wait3A_106 : memref<1x256xi32, #tpu.memory_space<vmem>> -> memref<256xi32, #tpu.memory_space<vmem>>
        %dma_wait3A_108 = arith.constant 0 : i32
        %dma_wait3A_109 = arith.constant 0 : i32
        %dma_wait3A_110 = tpu.memref_slice %arg15[%dma_wait3A_108, %dma_wait3A_109] : memref<10240x64xf32, #tpu.memory_space<vmem_shared>> -> memref<10240x64xf32, #tpu.memory_space<vmem_shared>>
        tpu.wait_indirect_dma semaphore(%run_scoped3A : memref<!tpu.dma_semaphore, #tpu.memory_space<semaphore_mem>>) src(%arg12 : memref<256x64xf32, #tpu.memory_space<vmem>>) dst(%dma_wait3A_110 : memref<10240x64xf32, #tpu.memory_space<vmem_shared>>)
        tpu.yield
      }) : () -> ()
      %eq3A_75 = arith.constant 0 : i32
      %eq3A_76 = arith.cmpi eq, %arg0, %eq3A_75 : i32
      %convert_element_type3A_77 = arith.extui %eq3A_76 : i1 to i32
      %cond3A_78 = arith.constant 0 : i32
      %cond3A_79 = arith.cmpi ne, %convert_element_type3A_77, %cond3A_78 : i32
      scf.if %cond3A_79 {
        "tpu.region"() ({
          %run_scoped3A = tpu.sem_alloc : memref<!tpu.dma_semaphore, #tpu.memory_space<semaphore_mem>>
          %dma_start3A_99 = arith.constant 0 : i32
          %dma_start3A_100 = tpu.memref_slice %arg11[%mul3A_60, %dma_start3A_99] : memref<80x256xi32, #tpu.memory_space<vmem>> -> memref<1x256xi32, #tpu.memory_space<vmem>>
          %dma_start3A_101 = tpu.memref_squeeze %dma_start3A_100 : memref<1x256xi32, #tpu.memory_space<vmem>> -> memref<256xi32, #tpu.memory_space<vmem>>
          %dma_start3A_102 = arith.constant 0 : i32
          %dma_start3A_103 = arith.constant 0 : i32
          %dma_start3A_104 = tpu.memref_slice %arg16[%dma_start3A_102, %dma_start3A_103] : memref<10240x16xf32, #tpu.memory_space<vmem_shared>> -> memref<10240x16xf32, #tpu.memory_space<vmem_shared>>
          tpu.enqueue_indirect_dma source(%arg14 : memref<256x16xf32, #tpu.memory_space<vmem>>) target(%dma_start3A_104 : memref<10240x16xf32, #tpu.memory_space<vmem_shared>>) offsets(%dma_start3A_101 : memref<256xi32, #tpu.memory_space<vmem>>) semaphore(%run_scoped3A : memref<!tpu.dma_semaphore, #tpu.memory_space<semaphore_mem>>) {add = true}
          %dma_wait3A_105 = arith.constant 0 : i32
          %dma_wait3A_106 = tpu.memref_slice %arg11[%mul3A_60, %dma_wait3A_105] : memref<80x256xi32, #tpu.memory_space<vmem>> -> memref<1x256xi32, #tpu.memory_space<vmem>>
          %dma_wait3A_107 = tpu.memref_squeeze %dma_wait3A_106 : memref<1x256xi32, #tpu.memory_space<vmem>> -> memref<256xi32, #tpu.memory_space<vmem>>
          %dma_wait3A_108 = arith.constant 0 : i32
          %dma_wait3A_109 = arith.constant 0 : i32
          %dma_wait3A_110 = tpu.memref_slice %arg16[%dma_wait3A_108, %dma_wait3A_109] : memref<10240x16xf32, #tpu.memory_space<vmem_shared>> -> memref<10240x16xf32, #tpu.memory_space<vmem_shared>>
          tpu.wait_indirect_dma semaphore(%run_scoped3A : memref<!tpu.dma_semaphore, #tpu.memory_space<semaphore_mem>>) src(%arg14 : memref<256x16xf32, #tpu.memory_space<vmem>>) dst(%dma_wait3A_110 : memref<10240x16xf32, #tpu.memory_space<vmem_shared>>)
          tpu.yield
        }) : () -> ()
      } else {
      }
      %add3A_80 = arith.constant 1 : i32
      %add3A_81 = arith.addi %add3A_58, %add3A_80 : i32
      %lt3A = arith.constant 40 : i32
      %lt3A_82 = arith.cmpi slt, %add3A_81, %lt3A : i32
      %convert_element_type3A_83 = arith.extui %lt3A_82 : i1 to i32
      %cond3A_84 = arith.constant 0 : i32
      %cond3A_85 = arith.cmpi ne, %convert_element_type3A_83, %cond3A_84 : i32
      scf.if %cond3A_85 {
        %add3A_99 = arith.constant 2 : i32
        %add3A_100 = arith.addi %mul3A_60, %add3A_99 : i32
        %dma_start3A_101 = arith.constant 0 : i32
        %dma_start3A_102 = tpu.memref_slice %arg10[%add3A_100, %dma_start3A_101] : memref<80x256xi32, #tpu.memory_space<vmem>> -> memref<1x256xi32, #tpu.memory_space<vmem>>
        %dma_start3A_103 = tpu.memref_squeeze %dma_start3A_102 : memref<1x256xi32, #tpu.memory_space<vmem>> -> memref<256xi32, #tpu.memory_space<vmem>>
        %dma_start3A_104 = arith.constant 0 : i32
        %dma_start3A_105 = arith.constant 0 : i32
        %dma_start3A_106 = tpu.memref_slice %arg2[%dma_start3A_104, %dma_start3A_105] : memref<20000x64xf32, #tpu.memory_space<hbm>> -> memref<20000x64xf32, #tpu.memory_space<hbm>>
        tpu.enqueue_indirect_dma source(%dma_start3A_106 : memref<20000x64xf32, #tpu.memory_space<hbm>>) target(%arg12 : memref<256x64xf32, #tpu.memory_space<vmem>>) offsets(%dma_start3A_103 : memref<256xi32, #tpu.memory_space<vmem>>) semaphore(%arg18 : memref<!tpu.dma_semaphore, #tpu.memory_space<semaphore_mem>>)
      } else {
      }
      %add3A_86 = arith.constant 1 : i32
      %add3A_87 = arith.addi %mul3A_60, %add3A_86 : i32
      %dma_wait3A_88 = arith.constant 0 : i32
      %dma_wait3A_89 = tpu.memref_slice %arg10[%add3A_87, %dma_wait3A_88] : memref<80x256xi32, #tpu.memory_space<vmem>> -> memref<1x256xi32, #tpu.memory_space<vmem>>
      %dma_wait3A_90 = tpu.memref_squeeze %dma_wait3A_89 : memref<1x256xi32, #tpu.memory_space<vmem>> -> memref<256xi32, #tpu.memory_space<vmem>>
      %dma_wait3A_91 = arith.constant 0 : i32
      %dma_wait3A_92 = arith.constant 0 : i32
      %dma_wait3A_93 = tpu.memref_slice %arg2[%dma_wait3A_91, %dma_wait3A_92] : memref<20000x64xf32, #tpu.memory_space<hbm>> -> memref<20000x64xf32, #tpu.memory_space<hbm>>
      tpu.wait_indirect_dma semaphore(%arg19 : memref<!tpu.dma_semaphore, #tpu.memory_space<semaphore_mem>>) src(%dma_wait3A_93 : memref<20000x64xf32, #tpu.memory_space<hbm>>) dst(%arg13 : memref<256x64xf32, #tpu.memory_space<vmem>>)
      "tpu.region"() ({
        %run_scoped3A = tpu.sem_alloc : memref<!tpu.dma_semaphore, #tpu.memory_space<semaphore_mem>>
        %dma_start3A_99 = arith.constant 0 : i32
        %dma_start3A_100 = tpu.memref_slice %arg11[%add3A_87, %dma_start3A_99] : memref<80x256xi32, #tpu.memory_space<vmem>> -> memref<1x256xi32, #tpu.memory_space<vmem>>
        %dma_start3A_101 = tpu.memref_squeeze %dma_start3A_100 : memref<1x256xi32, #tpu.memory_space<vmem>> -> memref<256xi32, #tpu.memory_space<vmem>>
        %dma_start3A_102 = arith.constant 0 : i32
        %dma_start3A_103 = arith.constant 0 : i32
        %dma_start3A_104 = tpu.memref_slice %arg15[%dma_start3A_102, %dma_start3A_103] : memref<10240x64xf32, #tpu.memory_space<vmem_shared>> -> memref<10240x64xf32, #tpu.memory_space<vmem_shared>>
        tpu.enqueue_indirect_dma source(%arg13 : memref<256x64xf32, #tpu.memory_space<vmem>>) target(%dma_start3A_104 : memref<10240x64xf32, #tpu.memory_space<vmem_shared>>) offsets(%dma_start3A_101 : memref<256xi32, #tpu.memory_space<vmem>>) semaphore(%run_scoped3A : memref<!tpu.dma_semaphore, #tpu.memory_space<semaphore_mem>>) {add = true}
        %dma_wait3A_105 = arith.constant 0 : i32
        %dma_wait3A_106 = tpu.memref_slice %arg11[%add3A_87, %dma_wait3A_105] : memref<80x256xi32, #tpu.memory_space<vmem>> -> memref<1x256xi32, #tpu.memory_space<vmem>>
        %dma_wait3A_107 = tpu.memref_squeeze %dma_wait3A_106 : memref<1x256xi32, #tpu.memory_space<vmem>> -> memref<256xi32, #tpu.memory_space<vmem>>
        %dma_wait3A_108 = arith.constant 0 : i32
        %dma_wait3A_109 = arith.constant 0 : i32
        %dma_wait3A_110 = tpu.memref_slice %arg15[%dma_wait3A_108, %dma_wait3A_109] : memref<10240x64xf32, #tpu.memory_space<vmem_shared>> -> memref<10240x64xf32, #tpu.memory_space<vmem_shared>>
        tpu.wait_indirect_dma semaphore(%run_scoped3A : memref<!tpu.dma_semaphore, #tpu.memory_space<semaphore_mem>>) src(%arg13 : memref<256x64xf32, #tpu.memory_space<vmem>>) dst(%dma_wait3A_110 : memref<10240x64xf32, #tpu.memory_space<vmem_shared>>)
        tpu.yield
      }) : () -> ()
      %eq3A_94 = arith.constant 0 : i32
      %eq3A_95 = arith.cmpi eq, %arg0, %eq3A_94 : i32
      %convert_element_type3A_96 = arith.extui %eq3A_95 : i1 to i32
      %cond3A_97 = arith.constant 0 : i32
      %cond3A_98 = arith.cmpi ne, %convert_element_type3A_96, %cond3A_97 : i32
      scf.if %cond3A_98 {
        "tpu.region"() ({
          %run_scoped3A = tpu.sem_alloc : memref<!tpu.dma_semaphore, #tpu.memory_space<semaphore_mem>>
          %dma_start3A_99 = arith.constant 0 : i32
          %dma_start3A_100 = tpu.memref_slice %arg11[%add3A_87, %dma_start3A_99] : memref<80x256xi32, #tpu.memory_space<vmem>> -> memref<1x256xi32, #tpu.memory_space<vmem>>
          %dma_start3A_101 = tpu.memref_squeeze %dma_start3A_100 : memref<1x256xi32, #tpu.memory_space<vmem>> -> memref<256xi32, #tpu.memory_space<vmem>>
          %dma_start3A_102 = arith.constant 0 : i32
          %dma_start3A_103 = arith.constant 0 : i32
          %dma_start3A_104 = tpu.memref_slice %arg16[%dma_start3A_102, %dma_start3A_103] : memref<10240x16xf32, #tpu.memory_space<vmem_shared>> -> memref<10240x16xf32, #tpu.memory_space<vmem_shared>>
          tpu.enqueue_indirect_dma source(%arg14 : memref<256x16xf32, #tpu.memory_space<vmem>>) target(%dma_start3A_104 : memref<10240x16xf32, #tpu.memory_space<vmem_shared>>) offsets(%dma_start3A_101 : memref<256xi32, #tpu.memory_space<vmem>>) semaphore(%run_scoped3A : memref<!tpu.dma_semaphore, #tpu.memory_space<semaphore_mem>>) {add = true}
          %dma_wait3A_105 = arith.constant 0 : i32
          %dma_wait3A_106 = tpu.memref_slice %arg11[%add3A_87, %dma_wait3A_105] : memref<80x256xi32, #tpu.memory_space<vmem>> -> memref<1x256xi32, #tpu.memory_space<vmem>>
          %dma_wait3A_107 = tpu.memref_squeeze %dma_wait3A_106 : memref<1x256xi32, #tpu.memory_space<vmem>> -> memref<256xi32, #tpu.memory_space<vmem>>
          %dma_wait3A_108 = arith.constant 0 : i32
          %dma_wait3A_109 = arith.constant 0 : i32
          %dma_wait3A_110 = tpu.memref_slice %arg16[%dma_wait3A_108, %dma_wait3A_109] : memref<10240x16xf32, #tpu.memory_space<vmem_shared>> -> memref<10240x16xf32, #tpu.memory_space<vmem_shared>>
          tpu.wait_indirect_dma semaphore(%run_scoped3A : memref<!tpu.dma_semaphore, #tpu.memory_space<semaphore_mem>>) src(%arg14 : memref<256x16xf32, #tpu.memory_space<vmem>>) dst(%dma_wait3A_110 : memref<10240x16xf32, #tpu.memory_space<vmem_shared>>)
          tpu.yield
        }) : () -> ()
      } else {
      }
    }
    %scan3A_43 = arith.constant 40 : i32
    %barrier3A_44 = arith.constant 0 : index
    tpu.barrier barrier_id(%barrier3A_44)
    %scan3A_45 = arith.constant 0 : i32
    %scan3A_46 = arith.constant 5 : i32
    %scan3A_47 = arith.addi %scan3A_45, %scan3A_46 : i32
    %scan3A_48 = arith.constant 1 : i32
    scf.for %scan3A_55 = %scan3A_45 to %scan3A_47 step %scan3A_48  : i32 {
      %mul3A_56 = arith.constant 1 : i32
      %mul3A_57 = arith.muli %scan3A_55, %mul3A_56 : i32
      %add3A = arith.constant 0 : i32
      %add3A_58 = arith.addi %add3A, %mul3A_57 : i32
      %mul3A_59 = arith.constant 128 : i32
      %mul3A_60 = arith.muli %add3A_58, %mul3A_59 : i32
      %add3A_61 = arith.addi %mul3A_0, %mul3A_60 : i32
      "tpu.region"() ({
        %run_scoped3A = tpu.sem_alloc : memref<!tpu.dma_semaphore, #tpu.memory_space<semaphore_mem>>
        %dma_start3A_62 = arith.constant 0 : i32
        %dma_start3A_63 = arith.constant 0 : i32
        %dma_start3A_64 = tpu.memref_slice %arg12[%dma_start3A_62, %dma_start3A_63] : memref<256x64xf32, #tpu.memory_space<vmem>> -> memref<128x64xf32, #tpu.memory_space<vmem>>
        %dma_start3A_65 = arith.constant 0 : i32
        %dma_start3A_66 = tpu.memref_slice %arg15[%add3A_61, %dma_start3A_65] : memref<10240x64xf32, #tpu.memory_space<vmem_shared>> -> memref<128x64xf32, #tpu.memory_space<vmem_shared>>
        %dma_start3A_67 = arith.constant 0 : i32
        %dma_start3A_68 = arith.constant 0 : i32
        %dma_start3A_69 = tpu.memref_slice %arg12[%dma_start3A_67, %dma_start3A_68] : memref<256x64xf32, #tpu.memory_space<vmem>> -> memref<128x64xf32, #tpu.memory_space<vmem>>
        %dma_start3A_70 = arith.constant 0 : i32
        %dma_start3A_71 = tpu.memref_slice %arg15[%add3A_61, %dma_start3A_70] : memref<10240x64xf32, #tpu.memory_space<vmem_shared>> -> memref<128x64xf32, #tpu.memory_space<vmem_shared>>
        tpu.enqueue_dma source(%dma_start3A_71 : memref<128x64xf32, #tpu.memory_space<vmem_shared>>) target(%dma_start3A_69 : memref<128x64xf32, #tpu.memory_space<vmem>>) target_semaphore(%run_scoped3A : memref<!tpu.dma_semaphore, #tpu.memory_space<semaphore_mem>>)
        %dma_wait3A_72 = arith.constant 0 : i32
        %dma_wait3A_73 = arith.constant 0 : i32
        %dma_wait3A_74 = tpu.memref_slice %arg12[%dma_wait3A_72, %dma_wait3A_73] : memref<256x64xf32, #tpu.memory_space<vmem>> -> memref<128x64xf32, #tpu.memory_space<vmem>>
        %dma_wait3A_75 = arith.constant 0 : i32
        %dma_wait3A_76 = tpu.memref_slice %arg15[%add3A_61, %dma_wait3A_75] : memref<10240x64xf32, #tpu.memory_space<vmem_shared>> -> memref<128x64xf32, #tpu.memory_space<vmem_shared>>
        %dma_wait3A_77 = arith.constant 0 : i32
        %dma_wait3A_78 = arith.constant 0 : i32
        %dma_wait3A_79 = tpu.memref_slice %arg12[%dma_wait3A_77, %dma_wait3A_78] : memref<256x64xf32, #tpu.memory_space<vmem>> -> memref<128x64xf32, #tpu.memory_space<vmem>>
        %dma_wait3A_80 = arith.constant 0 : i32
        %dma_wait3A_81 = tpu.memref_slice %arg15[%add3A_61, %dma_wait3A_80] : memref<10240x64xf32, #tpu.memory_space<vmem_shared>> -> memref<128x64xf32, #tpu.memory_space<vmem_shared>>
        tpu.wait_dma2 semaphore(%run_scoped3A : memref<!tpu.dma_semaphore, #tpu.memory_space<semaphore_mem>>) src(%dma_wait3A_81 : memref<128x64xf32, #tpu.memory_space<vmem_shared>>) dst(%dma_wait3A_79 : memref<128x64xf32, #tpu.memory_space<vmem>>)
        tpu.yield
      }) : () -> ()
      "tpu.region"() ({
        %run_scoped3A = tpu.sem_alloc : memref<!tpu.dma_semaphore, #tpu.memory_space<semaphore_mem>>
        %dma_start3A_62 = arith.constant 0 : i32
        %dma_start3A_63 = arith.constant 0 : i32
        %dma_start3A_64 = tpu.memref_slice %arg12[%dma_start3A_62, %dma_start3A_63] : memref<256x64xf32, #tpu.memory_space<vmem>> -> memref<128x64xf32, #tpu.memory_space<vmem>>
        %dma_start3A_65 = arith.constant 0 : i32
        %dma_start3A_66 = tpu.memref_slice %arg8[%arg0, %add3A_61, %dma_start3A_65] : memref<2x10240x64xf32, #tpu.memory_space<hbm>> -> memref<1x128x64xf32, #tpu.memory_space<hbm>>
        %dma_start3A_67 = tpu.memref_squeeze %dma_start3A_66 : memref<1x128x64xf32, #tpu.memory_space<hbm>> -> memref<128x64xf32, #tpu.memory_space<hbm>>
        %dma_start3A_68 = arith.constant 0 : i32
        %dma_start3A_69 = tpu.memref_slice %arg8[%arg0, %add3A_61, %dma_start3A_68] : memref<2x10240x64xf32, #tpu.memory_space<hbm>> -> memref<1x128x64xf32, #tpu.memory_space<hbm>>
        %dma_start3A_70 = tpu.memref_squeeze %dma_start3A_69 : memref<1x128x64xf32, #tpu.memory_space<hbm>> -> memref<128x64xf32, #tpu.memory_space<hbm>>
        %dma_start3A_71 = arith.constant 0 : i32
        %dma_start3A_72 = arith.constant 0 : i32
        %dma_start3A_73 = tpu.memref_slice %arg12[%dma_start3A_71, %dma_start3A_72] : memref<256x64xf32, #tpu.memory_space<vmem>> -> memref<128x64xf32, #tpu.memory_space<vmem>>
        tpu.enqueue_dma source(%dma_start3A_73 : memref<128x64xf32, #tpu.memory_space<vmem>>) target(%dma_start3A_70 : memref<128x64xf32, #tpu.memory_space<hbm>>) target_semaphore(%run_scoped3A : memref<!tpu.dma_semaphore, #tpu.memory_space<semaphore_mem>>)
        %dma_wait3A_74 = arith.constant 0 : i32
        %dma_wait3A_75 = arith.constant 0 : i32
        %dma_wait3A_76 = tpu.memref_slice %arg12[%dma_wait3A_74, %dma_wait3A_75] : memref<256x64xf32, #tpu.memory_space<vmem>> -> memref<128x64xf32, #tpu.memory_space<vmem>>
        %dma_wait3A_77 = arith.constant 0 : i32
        %dma_wait3A_78 = tpu.memref_slice %arg8[%arg0, %add3A_61, %dma_wait3A_77] : memref<2x10240x64xf32, #tpu.memory_space<hbm>> -> memref<1x128x64xf32, #tpu.memory_space<hbm>>
        %dma_wait3A_79 = tpu.memref_squeeze %dma_wait3A_78 : memref<1x128x64xf32, #tpu.memory_space<hbm>> -> memref<128x64xf32, #tpu.memory_space<hbm>>
        %dma_wait3A_80 = arith.constant 0 : i32
        %dma_wait3A_81 = tpu.memref_slice %arg8[%arg0, %add3A_61, %dma_wait3A_80] : memref<2x10240x64xf32, #tpu.memory_space<hbm>> -> memref<1x128x64xf32, #tpu.memory_space<hbm>>
        %dma_wait3A_82 = tpu.memref_squeeze %dma_wait3A_81 : memref<1x128x64xf32, #tpu.memory_space<hbm>> -> memref<128x64xf32, #tpu.memory_space<hbm>>
        %dma_wait3A_83 = arith.constant 0 : i32
        %dma_wait3A_84 = arith.constant 0 : i32
        %dma_wait3A_85 = tpu.memref_slice %arg12[%dma_wait3A_83, %dma_wait3A_84] : memref<256x64xf32, #tpu.memory_space<vmem>> -> memref<128x64xf32, #tpu.memory_space<vmem>>
        tpu.wait_dma2 semaphore(%run_scoped3A : memref<!tpu.dma_semaphore, #tpu.memory_space<semaphore_mem>>) src(%dma_wait3A_85 : memref<128x64xf32, #tpu.memory_space<vmem>>) dst(%dma_wait3A_82 : memref<128x64xf32, #tpu.memory_space<hbm>>)
        tpu.yield
      }) : () -> ()
    }
    %scan3A_49 = arith.constant 5 : i32
    %eq3A_50 = arith.constant 0 : i32
    %eq3A_51 = arith.cmpi eq, %arg0, %eq3A_50 : i32
    %convert_element_type3A_52 = arith.extui %eq3A_51 : i1 to i32
    %cond3A_53 = arith.constant 0 : i32
    %cond3A_54 = arith.cmpi ne, %convert_element_type3A_52, %cond3A_53 : i32
    scf.if %cond3A_54 {
      %scan3A_55 = arith.constant 0 : i32
      %scan3A_56 = arith.constant 5 : i32
      %scan3A_57 = arith.addi %scan3A_55, %scan3A_56 : i32
      %scan3A_58 = arith.constant 1 : i32
      scf.for %scan3A_60 = %scan3A_55 to %scan3A_57 step %scan3A_58  : i32 {
        %mul3A_61 = arith.constant 1 : i32
        %mul3A_62 = arith.muli %scan3A_60, %mul3A_61 : i32
        %add3A = arith.constant 0 : i32
        %add3A_63 = arith.addi %add3A, %mul3A_62 : i32
        %mul3A_64 = arith.constant 128 : i32
        %mul3A_65 = arith.muli %add3A_63, %mul3A_64 : i32
        %add3A_66 = arith.addi %mul3A_0, %mul3A_65 : i32
        "tpu.region"() ({
          %run_scoped3A = tpu.sem_alloc : memref<!tpu.dma_semaphore, #tpu.memory_space<semaphore_mem>>
          %dma_start3A_67 = arith.constant 0 : i32
          %dma_start3A_68 = arith.constant 0 : i32
          %dma_start3A_69 = tpu.memref_slice %arg14[%dma_start3A_67, %dma_start3A_68] : memref<256x16xf32, #tpu.memory_space<vmem>> -> memref<128x16xf32, #tpu.memory_space<vmem>>
          %dma_start3A_70 = arith.constant 0 : i32
          %dma_start3A_71 = tpu.memref_slice %arg16[%add3A_66, %dma_start3A_70] : memref<10240x16xf32, #tpu.memory_space<vmem_shared>> -> memref<128x16xf32, #tpu.memory_space<vmem_shared>>
          %dma_start3A_72 = arith.constant 0 : i32
          %dma_start3A_73 = arith.constant 0 : i32
          %dma_start3A_74 = tpu.memref_slice %arg14[%dma_start3A_72, %dma_start3A_73] : memref<256x16xf32, #tpu.memory_space<vmem>> -> memref<128x16xf32, #tpu.memory_space<vmem>>
          %dma_start3A_75 = arith.constant 0 : i32
          %dma_start3A_76 = tpu.memref_slice %arg16[%add3A_66, %dma_start3A_75] : memref<10240x16xf32, #tpu.memory_space<vmem_shared>> -> memref<128x16xf32, #tpu.memory_space<vmem_shared>>
          tpu.enqueue_dma source(%dma_start3A_76 : memref<128x16xf32, #tpu.memory_space<vmem_shared>>) target(%dma_start3A_74 : memref<128x16xf32, #tpu.memory_space<vmem>>) target_semaphore(%run_scoped3A : memref<!tpu.dma_semaphore, #tpu.memory_space<semaphore_mem>>)
          %dma_wait3A_77 = arith.constant 0 : i32
          %dma_wait3A_78 = arith.constant 0 : i32
          %dma_wait3A_79 = tpu.memref_slice %arg14[%dma_wait3A_77, %dma_wait3A_78] : memref<256x16xf32, #tpu.memory_space<vmem>> -> memref<128x16xf32, #tpu.memory_space<vmem>>
          %dma_wait3A_80 = arith.constant 0 : i32
          %dma_wait3A_81 = tpu.memref_slice %arg16[%add3A_66, %dma_wait3A_80] : memref<10240x16xf32, #tpu.memory_space<vmem_shared>> -> memref<128x16xf32, #tpu.memory_space<vmem_shared>>
          %dma_wait3A_82 = arith.constant 0 : i32
          %dma_wait3A_83 = arith.constant 0 : i32
          %dma_wait3A_84 = tpu.memref_slice %arg14[%dma_wait3A_82, %dma_wait3A_83] : memref<256x16xf32, #tpu.memory_space<vmem>> -> memref<128x16xf32, #tpu.memory_space<vmem>>
          %dma_wait3A_85 = arith.constant 0 : i32
          %dma_wait3A_86 = tpu.memref_slice %arg16[%add3A_66, %dma_wait3A_85] : memref<10240x16xf32, #tpu.memory_space<vmem_shared>> -> memref<128x16xf32, #tpu.memory_space<vmem_shared>>
          tpu.wait_dma2 semaphore(%run_scoped3A : memref<!tpu.dma_semaphore, #tpu.memory_space<semaphore_mem>>) src(%dma_wait3A_86 : memref<128x16xf32, #tpu.memory_space<vmem_shared>>) dst(%dma_wait3A_84 : memref<128x16xf32, #tpu.memory_space<vmem>>)
          tpu.yield
        }) : () -> ()
        "tpu.region"() ({
          %run_scoped3A = tpu.sem_alloc : memref<!tpu.dma_semaphore, #tpu.memory_space<semaphore_mem>>
          %dma_start3A_67 = arith.constant 0 : i32
          %dma_start3A_68 = arith.constant 0 : i32
          %dma_start3A_69 = tpu.memref_slice %arg14[%dma_start3A_67, %dma_start3A_68] : memref<256x16xf32, #tpu.memory_space<vmem>> -> memref<128x16xf32, #tpu.memory_space<vmem>>
          %dma_start3A_70 = arith.constant 0 : i32
          %dma_start3A_71 = tpu.memref_slice %arg9[%add3A_66, %dma_start3A_70] : memref<10240x16xf32, #tpu.memory_space<hbm>> -> memref<128x16xf32, #tpu.memory_space<hbm>>
          %dma_start3A_72 = arith.constant 0 : i32
          %dma_start3A_73 = tpu.memref_slice %arg9[%add3A_66, %dma_start3A_72] : memref<10240x16xf32, #tpu.memory_space<hbm>> -> memref<128x16xf32, #tpu.memory_space<hbm>>
          %dma_start3A_74 = arith.constant 0 : i32
          %dma_start3A_75 = arith.constant 0 : i32
          %dma_start3A_76 = tpu.memref_slice %arg14[%dma_start3A_74, %dma_start3A_75] : memref<256x16xf32, #tpu.memory_space<vmem>> -> memref<128x16xf32, #tpu.memory_space<vmem>>
          tpu.enqueue_dma source(%dma_start3A_76 : memref<128x16xf32, #tpu.memory_space<vmem>>) target(%dma_start3A_73 : memref<128x16xf32, #tpu.memory_space<hbm>>) target_semaphore(%run_scoped3A : memref<!tpu.dma_semaphore, #tpu.memory_space<semaphore_mem>>)
          %dma_wait3A_77 = arith.constant 0 : i32
          %dma_wait3A_78 = arith.constant 0 : i32
          %dma_wait3A_79 = tpu.memref_slice %arg14[%dma_wait3A_77, %dma_wait3A_78] : memref<256x16xf32, #tpu.memory_space<vmem>> -> memref<128x16xf32, #tpu.memory_space<vmem>>
          %dma_wait3A_80 = arith.constant 0 : i32
          %dma_wait3A_81 = tpu.memref_slice %arg9[%add3A_66, %dma_wait3A_80] : memref<10240x16xf32, #tpu.memory_space<hbm>> -> memref<128x16xf32, #tpu.memory_space<hbm>>
          %dma_wait3A_82 = arith.constant 0 : i32
          %dma_wait3A_83 = tpu.memref_slice %arg9[%add3A_66, %dma_wait3A_82] : memref<10240x16xf32, #tpu.memory_space<hbm>> -> memref<128x16xf32, #tpu.memory_space<hbm>>
          %dma_wait3A_84 = arith.constant 0 : i32
          %dma_wait3A_85 = arith.constant 0 : i32
          %dma_wait3A_86 = tpu.memref_slice %arg14[%dma_wait3A_84, %dma_wait3A_85] : memref<256x16xf32, #tpu.memory_space<vmem>> -> memref<128x16xf32, #tpu.memory_space<vmem>>
          tpu.wait_dma2 semaphore(%run_scoped3A : memref<!tpu.dma_semaphore, #tpu.memory_space<semaphore_mem>>) src(%dma_wait3A_86 : memref<128x16xf32, #tpu.memory_space<vmem>>) dst(%dma_wait3A_83 : memref<128x16xf32, #tpu.memory_space<hbm>>)
          tpu.yield
        }) : () -> ()
      }
      %scan3A_59 = arith.constant 5 : i32
    } else {
    }
    return
  }
}

#map = affine_map<(d0, d1) -> (0, 0)>
#map1 = affine_map<(d0, d1) -> (0, 0, 0, 0)>
#map2 = affine_map<(d0, d1) -> (0, 0, 0)>
module attributes {stable_mosaic.version = 14 : i64} {
  func.func @body(%arg0: i32, %arg1: i32, %arg2: memref<20000x64xf32, #tpu.memory_space<hbm>>, %arg3: memref<2x16x80x256xi32, #tpu.memory_space<hbm>>, %arg4: memref<16x80x256xi32, #tpu.memory_space<hbm>>, %arg5: memref<640x64xf32, #tpu.memory_space<hbm>>, %arg6: memref<640x16xf32, #tpu.memory_space<hbm>>, %arg7: memref<256x16xf32, #tpu.memory_space<hbm>>, %arg8: memref<2x10240x64xf32, #tpu.memory_space<hbm>>, %arg9: memref<10240x16xf32, #tpu.memory_space<hbm>>, %arg10: memref<80x256xi32, #tpu.memory_space<vmem>>, %arg11: memref<80x256xi32, #tpu.memory_space<vmem>>, %arg12: memref<256x64xf32, #tpu.memory_space<vmem>>, %arg13: memref<256x64xf32, #tpu.memory_space<vmem>>, %arg14: memref<256x16xf32, #tpu.memory_space<vmem>>, %arg15: memref<10240x64xf32, #tpu.memory_space<vmem_shared>>, %arg16: memref<10240x16xf32, #tpu.memory_space<vmem_shared>>, %arg17: memref<!tpu.dma_semaphore, #tpu.memory_space<semaphore_mem>>, %arg18: memref<!tpu.dma_semaphore, #tpu.memory_space<semaphore_mem>>, %arg19: memref<!tpu.dma_semaphore, #tpu.memory_space<semaphore_mem>>) attributes {dimension_semantics = [#tpu.dimension_semantics<core_parallel>, #tpu.dimension_semantics<subcore_parallel>], iteration_bounds = array<i64: 2, 16>, scalar_prefetch = 0 : i64, scratch_operands = 10 : i64, tpu.core_type = #tpu.core_type<sc_vector_subcore>, window_params = [{transform_indices = #map}, {transform_indices = #map1}, {transform_indices = #map2}, {transform_indices = #map}, {transform_indices = #map}, {transform_indices = #map}, {transform_indices = #map2}, {transform_indices = #map}]} {
    %mul3A = arith.constant 640 : i32
    %mul3A_0 = arith.muli %arg1, %mul3A : i32
    %dma_start3A = arith.constant 0 : i32
    %dma_start3A_1 = arith.constant 0 : i32
    %dma_start3A_2 = tpu.memref_slice %arg3[%arg0, %arg1, %dma_start3A, %dma_start3A_1] : memref<2x16x80x256xi32, #tpu.memory_space<hbm>> -> memref<1x1x80x256xi32, #tpu.memory_space<hbm>>
    %dma_start3A_3 = tpu.memref_squeeze %dma_start3A_2 : memref<1x1x80x256xi32, #tpu.memory_space<hbm>> -> memref<80x256xi32, #tpu.memory_space<hbm>>
    %dma_start3A_4 = arith.constant 0 : i32
    %dma_start3A_5 = arith.constant 0 : i32
    %dma_start3A_6 = tpu.memref_slice %arg3[%arg0, %arg1, %dma_start3A_4, %dma_start3A_5] : memref<2x16x80x256xi32, #tpu.memory_space<hbm>> -> memref<1x1x80x256xi32, #tpu.memory_space<hbm>>
    %dma_start3A_7 = tpu.memref_squeeze %dma_start3A_6 : memref<1x1x80x256xi32, #tpu.memory_space<hbm>> -> memref<80x256xi32, #tpu.memory_space<hbm>>
    tpu.enqueue_dma source(%dma_start3A_7 : memref<80x256xi32, #tpu.memory_space<hbm>>) target(%arg10 : memref<80x256xi32, #tpu.memory_space<vmem>>) target_semaphore(%arg17 : memref<!tpu.dma_semaphore, #tpu.memory_space<semaphore_mem>>)
    %dma_start3A_8 = arith.constant 0 : i32
    %dma_start3A_9 = arith.constant 0 : i32
    %dma_start3A_10 = tpu.memref_slice %arg4[%arg1, %dma_start3A_8, %dma_start3A_9] : memref<16x80x256xi32, #tpu.memory_space<hbm>> -> memref<1x80x256xi32, #tpu.memory_space<hbm>>
    %dma_start3A_11 = tpu.memref_squeeze %dma_start3A_10 : memref<1x80x256xi32, #tpu.memory_space<hbm>> -> memref<80x256xi32, #tpu.memory_space<hbm>>
    %dma_start3A_12 = arith.constant 0 : i32
    %dma_start3A_13 = arith.constant 0 : i32
    %dma_start3A_14 = tpu.memref_slice %arg4[%arg1, %dma_start3A_12, %dma_start3A_13] : memref<16x80x256xi32, #tpu.memory_space<hbm>> -> memref<1x80x256xi32, #tpu.memory_space<hbm>>
    %dma_start3A_15 = tpu.memref_squeeze %dma_start3A_14 : memref<1x80x256xi32, #tpu.memory_space<hbm>> -> memref<80x256xi32, #tpu.memory_space<hbm>>
    tpu.enqueue_dma source(%dma_start3A_15 : memref<80x256xi32, #tpu.memory_space<hbm>>) target(%arg11 : memref<80x256xi32, #tpu.memory_space<vmem>>) target_semaphore(%arg17 : memref<!tpu.dma_semaphore, #tpu.memory_space<semaphore_mem>>)
    "tpu.region"() ({
      %run_scoped3A = tpu.sem_alloc : memref<!tpu.dma_semaphore, #tpu.memory_space<semaphore_mem>>
      %dma_start3A_48 = arith.constant 0 : i32
      %dma_start3A_49 = tpu.memref_slice %arg15[%mul3A_0, %dma_start3A_48] : memref<10240x64xf32, #tpu.memory_space<vmem_shared>> -> memref<640x64xf32, #tpu.memory_space<vmem_shared>>
      tpu.enqueue_dma source(%arg5 : memref<640x64xf32, #tpu.memory_space<hbm>>) target(%dma_start3A_49 : memref<640x64xf32, #tpu.memory_space<vmem_shared>>) target_semaphore(%run_scoped3A : memref<!tpu.dma_semaphore, #tpu.memory_space<semaphore_mem>>)
      %dma_wait3A_50 = arith.constant 0 : i32
      %dma_wait3A_51 = tpu.memref_slice %arg15[%mul3A_0, %dma_wait3A_50] : memref<10240x64xf32, #tpu.memory_space<vmem_shared>> -> memref<640x64xf32, #tpu.memory_space<vmem_shared>>
      tpu.wait_dma2 semaphore(%run_scoped3A : memref<!tpu.dma_semaphore, #tpu.memory_space<semaphore_mem>>) src(%arg5 : memref<640x64xf32, #tpu.memory_space<hbm>>) dst(%dma_wait3A_51 : memref<640x64xf32, #tpu.memory_space<vmem_shared>>)
      tpu.yield
    }) : () -> ()
    %dma_wait3A = arith.constant 0 : i32
    %dma_wait3A_16 = arith.constant 0 : i32
    %dma_wait3A_17 = tpu.memref_slice %arg3[%arg0, %arg1, %dma_wait3A, %dma_wait3A_16] : memref<2x16x80x256xi32, #tpu.memory_space<hbm>> -> memref<1x1x80x256xi32, #tpu.memory_space<hbm>>
    %dma_wait3A_18 = tpu.memref_squeeze %dma_wait3A_17 : memref<1x1x80x256xi32, #tpu.memory_space<hbm>> -> memref<80x256xi32, #tpu.memory_space<hbm>>
    %dma_wait3A_19 = arith.constant 0 : i32
    %dma_wait3A_20 = arith.constant 0 : i32
    %dma_wait3A_21 = tpu.memref_slice %arg3[%arg0, %arg1, %dma_wait3A_19, %dma_wait3A_20] : memref<2x16x80x256xi32, #tpu.memory_space<hbm>> -> memref<1x1x80x256xi32, #tpu.memory_space<hbm>>
    %dma_wait3A_22 = tpu.memref_squeeze %dma_wait3A_21 : memref<1x1x80x256xi32, #tpu.memory_space<hbm>> -> memref<80x256xi32, #tpu.memory_space<hbm>>
    tpu.wait_dma2 semaphore(%arg17 : memref<!tpu.dma_semaphore, #tpu.memory_space<semaphore_mem>>) src(%dma_wait3A_22 : memref<80x256xi32, #tpu.memory_space<hbm>>) dst(%arg10 : memref<80x256xi32, #tpu.memory_space<vmem>>)
    %dma_wait3A_23 = arith.constant 0 : i32
    %dma_wait3A_24 = arith.constant 0 : i32
    %dma_wait3A_25 = tpu.memref_slice %arg4[%arg1, %dma_wait3A_23, %dma_wait3A_24] : memref<16x80x256xi32, #tpu.memory_space<hbm>> -> memref<1x80x256xi32, #tpu.memory_space<hbm>>
    %dma_wait3A_26 = tpu.memref_squeeze %dma_wait3A_25 : memref<1x80x256xi32, #tpu.memory_space<hbm>> -> memref<80x256xi32, #tpu.memory_space<hbm>>
    %dma_wait3A_27 = arith.constant 0 : i32
    %dma_wait3A_28 = arith.constant 0 : i32
    %dma_wait3A_29 = tpu.memref_slice %arg4[%arg1, %dma_wait3A_27, %dma_wait3A_28] : memref<16x80x256xi32, #tpu.memory_space<hbm>> -> memref<1x80x256xi32, #tpu.memory_space<hbm>>
    %dma_wait3A_30 = tpu.memref_squeeze %dma_wait3A_29 : memref<1x80x256xi32, #tpu.memory_space<hbm>> -> memref<80x256xi32, #tpu.memory_space<hbm>>
    tpu.wait_dma2 semaphore(%arg17 : memref<!tpu.dma_semaphore, #tpu.memory_space<semaphore_mem>>) src(%dma_wait3A_30 : memref<80x256xi32, #tpu.memory_space<hbm>>) dst(%arg11 : memref<80x256xi32, #tpu.memory_space<vmem>>)
    %dma_start3A_31 = arith.constant 0 : i32
    %dma_start3A_32 = arith.constant 0 : i32
    %dma_start3A_33 = tpu.memref_slice %arg10[%dma_start3A_31, %dma_start3A_32] : memref<80x256xi32, #tpu.memory_space<vmem>> -> memref<1x256xi32, #tpu.memory_space<vmem>>
    %dma_start3A_34 = tpu.memref_squeeze %dma_start3A_33 : memref<1x256xi32, #tpu.memory_space<vmem>> -> memref<256xi32, #tpu.memory_space<vmem>>
    %dma_start3A_35 = arith.constant 0 : i32
    %dma_start3A_36 = arith.constant 0 : i32
    %dma_start3A_37 = tpu.memref_slice %arg2[%dma_start3A_35, %dma_start3A_36] : memref<20000x64xf32, #tpu.memory_space<hbm>> -> memref<20000x64xf32, #tpu.memory_space<hbm>>
    tpu.enqueue_indirect_dma source(%dma_start3A_37 : memref<20000x64xf32, #tpu.memory_space<hbm>>) target(%arg12 : memref<256x64xf32, #tpu.memory_space<vmem>>) offsets(%dma_start3A_34 : memref<256xi32, #tpu.memory_space<vmem>>) semaphore(%arg18 : memref<!tpu.dma_semaphore, #tpu.memory_space<semaphore_mem>>)
    %barrier3A = arith.constant 0 : index
    tpu.barrier barrier_id(%barrier3A)
    %scan3A = arith.constant 0 : i32
    %scan3A_38 = arith.constant 40 : i32
    %scan3A_39 = arith.addi %scan3A, %scan3A_38 : i32
    %scan3A_40 = arith.constant 1 : i32
    scf.for %scan3A_48 = %scan3A to %scan3A_39 step %scan3A_40  : i32 {
      %mul3A_49 = arith.constant 1 : i32
      %mul3A_50 = arith.muli %scan3A_48, %mul3A_49 : i32
      %add3A = arith.constant 0 : i32
      %add3A_51 = arith.addi %add3A, %mul3A_50 : i32
      %mul3A_52 = arith.constant 2 : i32
      %mul3A_53 = arith.muli %mul3A_52, %add3A_51 : i32
      %add3A_54 = arith.constant 1 : i32
      %add3A_55 = arith.addi %mul3A_53, %add3A_54 : i32
      %dma_start3A_56 = arith.constant 0 : i32
      %dma_start3A_57 = tpu.memref_slice %arg10[%add3A_55, %dma_start3A_56] : memref<80x256xi32, #tpu.memory_space<vmem>> -> memref<1x256xi32, #tpu.memory_space<vmem>>
      %dma_start3A_58 = tpu.memref_squeeze %dma_start3A_57 : memref<1x256xi32, #tpu.memory_space<vmem>> -> memref<256xi32, #tpu.memory_space<vmem>>
      %dma_start3A_59 = arith.constant 0 : i32
      %dma_start3A_60 = arith.constant 0 : i32
      %dma_start3A_61 = tpu.memref_slice %arg2[%dma_start3A_59, %dma_start3A_60] : memref<20000x64xf32, #tpu.memory_space<hbm>> -> memref<20000x64xf32, #tpu.memory_space<hbm>>
      tpu.enqueue_indirect_dma source(%dma_start3A_61 : memref<20000x64xf32, #tpu.memory_space<hbm>>) target(%arg13 : memref<256x64xf32, #tpu.memory_space<vmem>>) offsets(%dma_start3A_58 : memref<256xi32, #tpu.memory_space<vmem>>) semaphore(%arg19 : memref<!tpu.dma_semaphore, #tpu.memory_space<semaphore_mem>>)
      %dma_wait3A_62 = arith.constant 0 : i32
      %dma_wait3A_63 = tpu.memref_slice %arg10[%mul3A_53, %dma_wait3A_62] : memref<80x256xi32, #tpu.memory_space<vmem>> -> memref<1x256xi32, #tpu.memory_space<vmem>>
      %dma_wait3A_64 = tpu.memref_squeeze %dma_wait3A_63 : memref<1x256xi32, #tpu.memory_space<vmem>> -> memref<256xi32, #tpu.memory_space<vmem>>
      %dma_wait3A_65 = arith.constant 0 : i32
      %dma_wait3A_66 = arith.constant 0 : i32
      %dma_wait3A_67 = tpu.memref_slice %arg2[%dma_wait3A_65, %dma_wait3A_66] : memref<20000x64xf32, #tpu.memory_space<hbm>> -> memref<20000x64xf32, #tpu.memory_space<hbm>>
      tpu.wait_indirect_dma semaphore(%arg18 : memref<!tpu.dma_semaphore, #tpu.memory_space<semaphore_mem>>) src(%dma_wait3A_67 : memref<20000x64xf32, #tpu.memory_space<hbm>>) dst(%arg12 : memref<256x64xf32, #tpu.memory_space<vmem>>)
      "tpu.region"() ({
        %run_scoped3A = tpu.sem_alloc : memref<!tpu.dma_semaphore, #tpu.memory_space<semaphore_mem>>
        %dma_start3A_80 = arith.constant 0 : i32
        %dma_start3A_81 = tpu.memref_slice %arg11[%mul3A_53, %dma_start3A_80] : memref<80x256xi32, #tpu.memory_space<vmem>> -> memref<1x256xi32, #tpu.memory_space<vmem>>
        %dma_start3A_82 = tpu.memref_squeeze %dma_start3A_81 : memref<1x256xi32, #tpu.memory_space<vmem>> -> memref<256xi32, #tpu.memory_space<vmem>>
        %dma_start3A_83 = arith.constant 0 : i32
        %dma_start3A_84 = arith.constant 0 : i32
        %dma_start3A_85 = tpu.memref_slice %arg15[%dma_start3A_83, %dma_start3A_84] : memref<10240x64xf32, #tpu.memory_space<vmem_shared>> -> memref<10240x64xf32, #tpu.memory_space<vmem_shared>>
        tpu.enqueue_indirect_dma source(%arg12 : memref<256x64xf32, #tpu.memory_space<vmem>>) target(%dma_start3A_85 : memref<10240x64xf32, #tpu.memory_space<vmem_shared>>) offsets(%dma_start3A_82 : memref<256xi32, #tpu.memory_space<vmem>>) semaphore(%run_scoped3A : memref<!tpu.dma_semaphore, #tpu.memory_space<semaphore_mem>>) {add = true}
        %dma_wait3A_86 = arith.constant 0 : i32
        %dma_wait3A_87 = tpu.memref_slice %arg11[%mul3A_53, %dma_wait3A_86] : memref<80x256xi32, #tpu.memory_space<vmem>> -> memref<1x256xi32, #tpu.memory_space<vmem>>
        %dma_wait3A_88 = tpu.memref_squeeze %dma_wait3A_87 : memref<1x256xi32, #tpu.memory_space<vmem>> -> memref<256xi32, #tpu.memory_space<vmem>>
        %dma_wait3A_89 = arith.constant 0 : i32
        %dma_wait3A_90 = arith.constant 0 : i32
        %dma_wait3A_91 = tpu.memref_slice %arg15[%dma_wait3A_89, %dma_wait3A_90] : memref<10240x64xf32, #tpu.memory_space<vmem_shared>> -> memref<10240x64xf32, #tpu.memory_space<vmem_shared>>
        tpu.wait_indirect_dma semaphore(%run_scoped3A : memref<!tpu.dma_semaphore, #tpu.memory_space<semaphore_mem>>) src(%arg12 : memref<256x64xf32, #tpu.memory_space<vmem>>) dst(%dma_wait3A_91 : memref<10240x64xf32, #tpu.memory_space<vmem_shared>>)
        tpu.yield
      }) : () -> ()
      %add3A_68 = arith.constant 1 : i32
      %add3A_69 = arith.addi %add3A_51, %add3A_68 : i32
      %lt3A = arith.constant 40 : i32
      %lt3A_70 = arith.cmpi slt, %add3A_69, %lt3A : i32
      %convert_element_type3A = arith.extui %lt3A_70 : i1 to i32
      %cond3A = arith.constant 0 : i32
      %cond3A_71 = arith.cmpi ne, %convert_element_type3A, %cond3A : i32
      scf.if %cond3A_71 {
        %add3A_80 = arith.constant 2 : i32
        %add3A_81 = arith.addi %mul3A_53, %add3A_80 : i32
        %dma_start3A_82 = arith.constant 0 : i32
        %dma_start3A_83 = tpu.memref_slice %arg10[%add3A_81, %dma_start3A_82] : memref<80x256xi32, #tpu.memory_space<vmem>> -> memref<1x256xi32, #tpu.memory_space<vmem>>
        %dma_start3A_84 = tpu.memref_squeeze %dma_start3A_83 : memref<1x256xi32, #tpu.memory_space<vmem>> -> memref<256xi32, #tpu.memory_space<vmem>>
        %dma_start3A_85 = arith.constant 0 : i32
        %dma_start3A_86 = arith.constant 0 : i32
        %dma_start3A_87 = tpu.memref_slice %arg2[%dma_start3A_85, %dma_start3A_86] : memref<20000x64xf32, #tpu.memory_space<hbm>> -> memref<20000x64xf32, #tpu.memory_space<hbm>>
        tpu.enqueue_indirect_dma source(%dma_start3A_87 : memref<20000x64xf32, #tpu.memory_space<hbm>>) target(%arg12 : memref<256x64xf32, #tpu.memory_space<vmem>>) offsets(%dma_start3A_84 : memref<256xi32, #tpu.memory_space<vmem>>) semaphore(%arg18 : memref<!tpu.dma_semaphore, #tpu.memory_space<semaphore_mem>>)
      } else {
      }
      %add3A_72 = arith.constant 1 : i32
      %add3A_73 = arith.addi %mul3A_53, %add3A_72 : i32
      %dma_wait3A_74 = arith.constant 0 : i32
      %dma_wait3A_75 = tpu.memref_slice %arg10[%add3A_73, %dma_wait3A_74] : memref<80x256xi32, #tpu.memory_space<vmem>> -> memref<1x256xi32, #tpu.memory_space<vmem>>
      %dma_wait3A_76 = tpu.memref_squeeze %dma_wait3A_75 : memref<1x256xi32, #tpu.memory_space<vmem>> -> memref<256xi32, #tpu.memory_space<vmem>>
      %dma_wait3A_77 = arith.constant 0 : i32
      %dma_wait3A_78 = arith.constant 0 : i32
      %dma_wait3A_79 = tpu.memref_slice %arg2[%dma_wait3A_77, %dma_wait3A_78] : memref<20000x64xf32, #tpu.memory_space<hbm>> -> memref<20000x64xf32, #tpu.memory_space<hbm>>
      tpu.wait_indirect_dma semaphore(%arg19 : memref<!tpu.dma_semaphore, #tpu.memory_space<semaphore_mem>>) src(%dma_wait3A_79 : memref<20000x64xf32, #tpu.memory_space<hbm>>) dst(%arg13 : memref<256x64xf32, #tpu.memory_space<vmem>>)
      "tpu.region"() ({
        %run_scoped3A = tpu.sem_alloc : memref<!tpu.dma_semaphore, #tpu.memory_space<semaphore_mem>>
        %dma_start3A_80 = arith.constant 0 : i32
        %dma_start3A_81 = tpu.memref_slice %arg11[%add3A_73, %dma_start3A_80] : memref<80x256xi32, #tpu.memory_space<vmem>> -> memref<1x256xi32, #tpu.memory_space<vmem>>
        %dma_start3A_82 = tpu.memref_squeeze %dma_start3A_81 : memref<1x256xi32, #tpu.memory_space<vmem>> -> memref<256xi32, #tpu.memory_space<vmem>>
        %dma_start3A_83 = arith.constant 0 : i32
        %dma_start3A_84 = arith.constant 0 : i32
        %dma_start3A_85 = tpu.memref_slice %arg15[%dma_start3A_83, %dma_start3A_84] : memref<10240x64xf32, #tpu.memory_space<vmem_shared>> -> memref<10240x64xf32, #tpu.memory_space<vmem_shared>>
        tpu.enqueue_indirect_dma source(%arg13 : memref<256x64xf32, #tpu.memory_space<vmem>>) target(%dma_start3A_85 : memref<10240x64xf32, #tpu.memory_space<vmem_shared>>) offsets(%dma_start3A_82 : memref<256xi32, #tpu.memory_space<vmem>>) semaphore(%run_scoped3A : memref<!tpu.dma_semaphore, #tpu.memory_space<semaphore_mem>>) {add = true}
        %dma_wait3A_86 = arith.constant 0 : i32
        %dma_wait3A_87 = tpu.memref_slice %arg11[%add3A_73, %dma_wait3A_86] : memref<80x256xi32, #tpu.memory_space<vmem>> -> memref<1x256xi32, #tpu.memory_space<vmem>>
        %dma_wait3A_88 = tpu.memref_squeeze %dma_wait3A_87 : memref<1x256xi32, #tpu.memory_space<vmem>> -> memref<256xi32, #tpu.memory_space<vmem>>
        %dma_wait3A_89 = arith.constant 0 : i32
        %dma_wait3A_90 = arith.constant 0 : i32
        %dma_wait3A_91 = tpu.memref_slice %arg15[%dma_wait3A_89, %dma_wait3A_90] : memref<10240x64xf32, #tpu.memory_space<vmem_shared>> -> memref<10240x64xf32, #tpu.memory_space<vmem_shared>>
        tpu.wait_indirect_dma semaphore(%run_scoped3A : memref<!tpu.dma_semaphore, #tpu.memory_space<semaphore_mem>>) src(%arg13 : memref<256x64xf32, #tpu.memory_space<vmem>>) dst(%dma_wait3A_91 : memref<10240x64xf32, #tpu.memory_space<vmem_shared>>)
        tpu.yield
      }) : () -> ()
    }
    %scan3A_41 = arith.constant 40 : i32
    %barrier3A_42 = arith.constant 0 : index
    tpu.barrier barrier_id(%barrier3A_42)
    %scan3A_43 = arith.constant 0 : i32
    %scan3A_44 = arith.constant 5 : i32
    %scan3A_45 = arith.addi %scan3A_43, %scan3A_44 : i32
    %scan3A_46 = arith.constant 1 : i32
    scf.for %scan3A_48 = %scan3A_43 to %scan3A_45 step %scan3A_46  : i32 {
      %mul3A_49 = arith.constant 1 : i32
      %mul3A_50 = arith.muli %scan3A_48, %mul3A_49 : i32
      %add3A = arith.constant 0 : i32
      %add3A_51 = arith.addi %add3A, %mul3A_50 : i32
      %mul3A_52 = arith.constant 128 : i32
      %mul3A_53 = arith.muli %add3A_51, %mul3A_52 : i32
      %add3A_54 = arith.addi %mul3A_0, %mul3A_53 : i32
      "tpu.region"() ({
        %run_scoped3A = tpu.sem_alloc : memref<!tpu.dma_semaphore, #tpu.memory_space<semaphore_mem>>
        %dma_start3A_55 = arith.constant 0 : i32
        %dma_start3A_56 = arith.constant 0 : i32
        %dma_start3A_57 = tpu.memref_slice %arg12[%dma_start3A_55, %dma_start3A_56] : memref<256x64xf32, #tpu.memory_space<vmem>> -> memref<128x64xf32, #tpu.memory_space<vmem>>
        %dma_start3A_58 = arith.constant 0 : i32
        %dma_start3A_59 = tpu.memref_slice %arg15[%add3A_54, %dma_start3A_58] : memref<10240x64xf32, #tpu.memory_space<vmem_shared>> -> memref<128x64xf32, #tpu.memory_space<vmem_shared>>
        %dma_start3A_60 = arith.constant 0 : i32
        %dma_start3A_61 = arith.constant 0 : i32
        %dma_start3A_62 = tpu.memref_slice %arg12[%dma_start3A_60, %dma_start3A_61] : memref<256x64xf32, #tpu.memory_space<vmem>> -> memref<128x64xf32, #tpu.memory_space<vmem>>
        %dma_start3A_63 = arith.constant 0 : i32
        %dma_start3A_64 = tpu.memref_slice %arg15[%add3A_54, %dma_start3A_63] : memref<10240x64xf32, #tpu.memory_space<vmem_shared>> -> memref<128x64xf32, #tpu.memory_space<vmem_shared>>
        tpu.enqueue_dma source(%dma_start3A_64 : memref<128x64xf32, #tpu.memory_space<vmem_shared>>) target(%dma_start3A_62 : memref<128x64xf32, #tpu.memory_space<vmem>>) target_semaphore(%run_scoped3A : memref<!tpu.dma_semaphore, #tpu.memory_space<semaphore_mem>>)
        %dma_wait3A_65 = arith.constant 0 : i32
        %dma_wait3A_66 = arith.constant 0 : i32
        %dma_wait3A_67 = tpu.memref_slice %arg12[%dma_wait3A_65, %dma_wait3A_66] : memref<256x64xf32, #tpu.memory_space<vmem>> -> memref<128x64xf32, #tpu.memory_space<vmem>>
        %dma_wait3A_68 = arith.constant 0 : i32
        %dma_wait3A_69 = tpu.memref_slice %arg15[%add3A_54, %dma_wait3A_68] : memref<10240x64xf32, #tpu.memory_space<vmem_shared>> -> memref<128x64xf32, #tpu.memory_space<vmem_shared>>
        %dma_wait3A_70 = arith.constant 0 : i32
        %dma_wait3A_71 = arith.constant 0 : i32
        %dma_wait3A_72 = tpu.memref_slice %arg12[%dma_wait3A_70, %dma_wait3A_71] : memref<256x64xf32, #tpu.memory_space<vmem>> -> memref<128x64xf32, #tpu.memory_space<vmem>>
        %dma_wait3A_73 = arith.constant 0 : i32
        %dma_wait3A_74 = tpu.memref_slice %arg15[%add3A_54, %dma_wait3A_73] : memref<10240x64xf32, #tpu.memory_space<vmem_shared>> -> memref<128x64xf32, #tpu.memory_space<vmem_shared>>
        tpu.wait_dma2 semaphore(%run_scoped3A : memref<!tpu.dma_semaphore, #tpu.memory_space<semaphore_mem>>) src(%dma_wait3A_74 : memref<128x64xf32, #tpu.memory_space<vmem_shared>>) dst(%dma_wait3A_72 : memref<128x64xf32, #tpu.memory_space<vmem>>)
        tpu.yield
      }) : () -> ()
      "tpu.region"() ({
        %run_scoped3A = tpu.sem_alloc : memref<!tpu.dma_semaphore, #tpu.memory_space<semaphore_mem>>
        %dma_start3A_55 = arith.constant 0 : i32
        %dma_start3A_56 = arith.constant 0 : i32
        %dma_start3A_57 = tpu.memref_slice %arg12[%dma_start3A_55, %dma_start3A_56] : memref<256x64xf32, #tpu.memory_space<vmem>> -> memref<128x64xf32, #tpu.memory_space<vmem>>
        %dma_start3A_58 = arith.constant 0 : i32
        %dma_start3A_59 = tpu.memref_slice %arg8[%arg0, %add3A_54, %dma_start3A_58] : memref<2x10240x64xf32, #tpu.memory_space<hbm>> -> memref<1x128x64xf32, #tpu.memory_space<hbm>>
        %dma_start3A_60 = tpu.memref_squeeze %dma_start3A_59 : memref<1x128x64xf32, #tpu.memory_space<hbm>> -> memref<128x64xf32, #tpu.memory_space<hbm>>
        %dma_start3A_61 = arith.constant 0 : i32
        %dma_start3A_62 = tpu.memref_slice %arg8[%arg0, %add3A_54, %dma_start3A_61] : memref<2x10240x64xf32, #tpu.memory_space<hbm>> -> memref<1x128x64xf32, #tpu.memory_space<hbm>>
        %dma_start3A_63 = tpu.memref_squeeze %dma_start3A_62 : memref<1x128x64xf32, #tpu.memory_space<hbm>> -> memref<128x64xf32, #tpu.memory_space<hbm>>
        %dma_start3A_64 = arith.constant 0 : i32
        %dma_start3A_65 = arith.constant 0 : i32
        %dma_start3A_66 = tpu.memref_slice %arg12[%dma_start3A_64, %dma_start3A_65] : memref<256x64xf32, #tpu.memory_space<vmem>> -> memref<128x64xf32, #tpu.memory_space<vmem>>
        tpu.enqueue_dma source(%dma_start3A_66 : memref<128x64xf32, #tpu.memory_space<vmem>>) target(%dma_start3A_63 : memref<128x64xf32, #tpu.memory_space<hbm>>) target_semaphore(%run_scoped3A : memref<!tpu.dma_semaphore, #tpu.memory_space<semaphore_mem>>)
        %dma_wait3A_67 = arith.constant 0 : i32
        %dma_wait3A_68 = arith.constant 0 : i32
        %dma_wait3A_69 = tpu.memref_slice %arg12[%dma_wait3A_67, %dma_wait3A_68] : memref<256x64xf32, #tpu.memory_space<vmem>> -> memref<128x64xf32, #tpu.memory_space<vmem>>
        %dma_wait3A_70 = arith.constant 0 : i32
        %dma_wait3A_71 = tpu.memref_slice %arg8[%arg0, %add3A_54, %dma_wait3A_70] : memref<2x10240x64xf32, #tpu.memory_space<hbm>> -> memref<1x128x64xf32, #tpu.memory_space<hbm>>
        %dma_wait3A_72 = tpu.memref_squeeze %dma_wait3A_71 : memref<1x128x64xf32, #tpu.memory_space<hbm>> -> memref<128x64xf32, #tpu.memory_space<hbm>>
        %dma_wait3A_73 = arith.constant 0 : i32
        %dma_wait3A_74 = tpu.memref_slice %arg8[%arg0, %add3A_54, %dma_wait3A_73] : memref<2x10240x64xf32, #tpu.memory_space<hbm>> -> memref<1x128x64xf32, #tpu.memory_space<hbm>>
        %dma_wait3A_75 = tpu.memref_squeeze %dma_wait3A_74 : memref<1x128x64xf32, #tpu.memory_space<hbm>> -> memref<128x64xf32, #tpu.memory_space<hbm>>
        %dma_wait3A_76 = arith.constant 0 : i32
        %dma_wait3A_77 = arith.constant 0 : i32
        %dma_wait3A_78 = tpu.memref_slice %arg12[%dma_wait3A_76, %dma_wait3A_77] : memref<256x64xf32, #tpu.memory_space<vmem>> -> memref<128x64xf32, #tpu.memory_space<vmem>>
        tpu.wait_dma2 semaphore(%run_scoped3A : memref<!tpu.dma_semaphore, #tpu.memory_space<semaphore_mem>>) src(%dma_wait3A_78 : memref<128x64xf32, #tpu.memory_space<vmem>>) dst(%dma_wait3A_75 : memref<128x64xf32, #tpu.memory_space<hbm>>)
        tpu.yield
      }) : () -> ()
    }
    %scan3A_47 = arith.constant 5 : i32
    return
  }
}

#map = affine_map<(d0, d1) -> (0, 0)>
#map1 = affine_map<(d0, d1) -> (0, 0, 0, 0)>
#map2 = affine_map<(d0, d1) -> (0, 0, 0)>
module attributes {stable_mosaic.version = 14 : i64} {
  func.func @body(%arg0: i32, %arg1: i32, %arg2: memref<20000x64xf32, #tpu.memory_space<hbm>>, %arg3: memref<2x16x80x256xi32, #tpu.memory_space<hbm>>, %arg4: memref<16x80x256xi32, #tpu.memory_space<hbm>>, %arg5: memref<640x64xf32, #tpu.memory_space<hbm>>, %arg6: memref<640x16xf32, #tpu.memory_space<hbm>>, %arg7: memref<256x16xf32, #tpu.memory_space<hbm>>, %arg8: memref<2x10240x64xf32, #tpu.memory_space<hbm>>, %arg9: memref<10240x16xf32, #tpu.memory_space<hbm>>, %arg10: memref<80x256xi32, #tpu.memory_space<vmem>>, %arg11: memref<80x256xi32, #tpu.memory_space<vmem>>, %arg12: memref<256x64xf32, #tpu.memory_space<vmem>>, %arg13: memref<256x64xf32, #tpu.memory_space<vmem>>, %arg14: memref<256x16xf32, #tpu.memory_space<vmem>>, %arg15: memref<10240x64xf32, #tpu.memory_space<vmem_shared>>, %arg16: memref<10240x16xf32, #tpu.memory_space<vmem_shared>>, %arg17: memref<!tpu.dma_semaphore, #tpu.memory_space<semaphore_mem>>, %arg18: memref<!tpu.dma_semaphore, #tpu.memory_space<semaphore_mem>>, %arg19: memref<!tpu.dma_semaphore, #tpu.memory_space<semaphore_mem>>) attributes {dimension_semantics = [#tpu.dimension_semantics<core_parallel>, #tpu.dimension_semantics<subcore_parallel>], iteration_bounds = array<i64: 2, 16>, scalar_prefetch = 0 : i64, scratch_operands = 10 : i64, tpu.core_type = #tpu.core_type<sc_vector_subcore>, window_params = [{transform_indices = #map}, {transform_indices = #map1}, {transform_indices = #map2}, {transform_indices = #map}, {transform_indices = #map}, {transform_indices = #map}, {transform_indices = #map2}, {transform_indices = #map}]} {
    %mul3A = arith.constant 640 : i32
    %mul3A_0 = arith.muli %arg1, %mul3A : i32
    %dma_start3A = arith.constant 0 : i32
    %dma_start3A_1 = arith.constant 0 : i32
    %dma_start3A_2 = tpu.memref_slice %arg3[%arg0, %arg1, %dma_start3A, %dma_start3A_1] : memref<2x16x80x256xi32, #tpu.memory_space<hbm>> -> memref<1x1x80x256xi32, #tpu.memory_space<hbm>>
    %dma_start3A_3 = tpu.memref_squeeze %dma_start3A_2 : memref<1x1x80x256xi32, #tpu.memory_space<hbm>> -> memref<80x256xi32, #tpu.memory_space<hbm>>
    %dma_start3A_4 = arith.constant 0 : i32
    %dma_start3A_5 = arith.constant 0 : i32
    %dma_start3A_6 = tpu.memref_slice %arg3[%arg0, %arg1, %dma_start3A_4, %dma_start3A_5] : memref<2x16x80x256xi32, #tpu.memory_space<hbm>> -> memref<1x1x80x256xi32, #tpu.memory_space<hbm>>
    %dma_start3A_7 = tpu.memref_squeeze %dma_start3A_6 : memref<1x1x80x256xi32, #tpu.memory_space<hbm>> -> memref<80x256xi32, #tpu.memory_space<hbm>>
    tpu.enqueue_dma source(%dma_start3A_7 : memref<80x256xi32, #tpu.memory_space<hbm>>) target(%arg10 : memref<80x256xi32, #tpu.memory_space<vmem>>) target_semaphore(%arg17 : memref<!tpu.dma_semaphore, #tpu.memory_space<semaphore_mem>>)
    %dma_start3A_8 = arith.constant 0 : i32
    %dma_start3A_9 = arith.constant 0 : i32
    %dma_start3A_10 = tpu.memref_slice %arg4[%arg1, %dma_start3A_8, %dma_start3A_9] : memref<16x80x256xi32, #tpu.memory_space<hbm>> -> memref<1x80x256xi32, #tpu.memory_space<hbm>>
    %dma_start3A_11 = tpu.memref_squeeze %dma_start3A_10 : memref<1x80x256xi32, #tpu.memory_space<hbm>> -> memref<80x256xi32, #tpu.memory_space<hbm>>
    %dma_start3A_12 = arith.constant 0 : i32
    %dma_start3A_13 = arith.constant 0 : i32
    %dma_start3A_14 = tpu.memref_slice %arg4[%arg1, %dma_start3A_12, %dma_start3A_13] : memref<16x80x256xi32, #tpu.memory_space<hbm>> -> memref<1x80x256xi32, #tpu.memory_space<hbm>>
    %dma_start3A_15 = tpu.memref_squeeze %dma_start3A_14 : memref<1x80x256xi32, #tpu.memory_space<hbm>> -> memref<80x256xi32, #tpu.memory_space<hbm>>
    tpu.enqueue_dma source(%dma_start3A_15 : memref<80x256xi32, #tpu.memory_space<hbm>>) target(%arg11 : memref<80x256xi32, #tpu.memory_space<vmem>>) target_semaphore(%arg17 : memref<!tpu.dma_semaphore, #tpu.memory_space<semaphore_mem>>)
    "tpu.region"() ({
      %run_scoped3A = tpu.sem_alloc : memref<!tpu.dma_semaphore, #tpu.memory_space<semaphore_mem>>
      %dma_start3A_48 = arith.constant 0 : i32
      %dma_start3A_49 = tpu.memref_slice %arg15[%mul3A_0, %dma_start3A_48] : memref<10240x64xf32, #tpu.memory_space<vmem_shared>> -> memref<640x64xf32, #tpu.memory_space<vmem_shared>>
      tpu.enqueue_dma source(%arg5 : memref<640x64xf32, #tpu.memory_space<hbm>>) target(%dma_start3A_49 : memref<640x64xf32, #tpu.memory_space<vmem_shared>>) target_semaphore(%run_scoped3A : memref<!tpu.dma_semaphore, #tpu.memory_space<semaphore_mem>>)
      %dma_wait3A_50 = arith.constant 0 : i32
      %dma_wait3A_51 = tpu.memref_slice %arg15[%mul3A_0, %dma_wait3A_50] : memref<10240x64xf32, #tpu.memory_space<vmem_shared>> -> memref<640x64xf32, #tpu.memory_space<vmem_shared>>
      tpu.wait_dma2 semaphore(%run_scoped3A : memref<!tpu.dma_semaphore, #tpu.memory_space<semaphore_mem>>) src(%arg5 : memref<640x64xf32, #tpu.memory_space<hbm>>) dst(%dma_wait3A_51 : memref<640x64xf32, #tpu.memory_space<vmem_shared>>)
      tpu.yield
    }) : () -> ()
    %dma_wait3A = arith.constant 0 : i32
    %dma_wait3A_16 = arith.constant 0 : i32
    %dma_wait3A_17 = tpu.memref_slice %arg3[%arg0, %arg1, %dma_wait3A, %dma_wait3A_16] : memref<2x16x80x256xi32, #tpu.memory_space<hbm>> -> memref<1x1x80x256xi32, #tpu.memory_space<hbm>>
    %dma_wait3A_18 = tpu.memref_squeeze %dma_wait3A_17 : memref<1x1x80x256xi32, #tpu.memory_space<hbm>> -> memref<80x256xi32, #tpu.memory_space<hbm>>
    %dma_wait3A_19 = arith.constant 0 : i32
    %dma_wait3A_20 = arith.constant 0 : i32
    %dma_wait3A_21 = tpu.memref_slice %arg3[%arg0, %arg1, %dma_wait3A_19, %dma_wait3A_20] : memref<2x16x80x256xi32, #tpu.memory_space<hbm>> -> memref<1x1x80x256xi32, #tpu.memory_space<hbm>>
    %dma_wait3A_22 = tpu.memref_squeeze %dma_wait3A_21 : memref<1x1x80x256xi32, #tpu.memory_space<hbm>> -> memref<80x256xi32, #tpu.memory_space<hbm>>
    tpu.wait_dma2 semaphore(%arg17 : memref<!tpu.dma_semaphore, #tpu.memory_space<semaphore_mem>>) src(%dma_wait3A_22 : memref<80x256xi32, #tpu.memory_space<hbm>>) dst(%arg10 : memref<80x256xi32, #tpu.memory_space<vmem>>)
    %dma_wait3A_23 = arith.constant 0 : i32
    %dma_wait3A_24 = arith.constant 0 : i32
    %dma_wait3A_25 = tpu.memref_slice %arg4[%arg1, %dma_wait3A_23, %dma_wait3A_24] : memref<16x80x256xi32, #tpu.memory_space<hbm>> -> memref<1x80x256xi32, #tpu.memory_space<hbm>>
    %dma_wait3A_26 = tpu.memref_squeeze %dma_wait3A_25 : memref<1x80x256xi32, #tpu.memory_space<hbm>> -> memref<80x256xi32, #tpu.memory_space<hbm>>
    %dma_wait3A_27 = arith.constant 0 : i32
    %dma_wait3A_28 = arith.constant 0 : i32
    %dma_wait3A_29 = tpu.memref_slice %arg4[%arg1, %dma_wait3A_27, %dma_wait3A_28] : memref<16x80x256xi32, #tpu.memory_space<hbm>> -> memref<1x80x256xi32, #tpu.memory_space<hbm>>
    %dma_wait3A_30 = tpu.memref_squeeze %dma_wait3A_29 : memref<1x80x256xi32, #tpu.memory_space<hbm>> -> memref<80x256xi32, #tpu.memory_space<hbm>>
    tpu.wait_dma2 semaphore(%arg17 : memref<!tpu.dma_semaphore, #tpu.memory_space<semaphore_mem>>) src(%dma_wait3A_30 : memref<80x256xi32, #tpu.memory_space<hbm>>) dst(%arg11 : memref<80x256xi32, #tpu.memory_space<vmem>>)
    %dma_start3A_31 = arith.constant 0 : i32
    %dma_start3A_32 = arith.constant 0 : i32
    %dma_start3A_33 = tpu.memref_slice %arg10[%dma_start3A_31, %dma_start3A_32] : memref<80x256xi32, #tpu.memory_space<vmem>> -> memref<1x256xi32, #tpu.memory_space<vmem>>
    %dma_start3A_34 = tpu.memref_squeeze %dma_start3A_33 : memref<1x256xi32, #tpu.memory_space<vmem>> -> memref<256xi32, #tpu.memory_space<vmem>>
    %dma_start3A_35 = arith.constant 0 : i32
    %dma_start3A_36 = arith.constant 0 : i32
    %dma_start3A_37 = tpu.memref_slice %arg2[%dma_start3A_35, %dma_start3A_36] : memref<20000x64xf32, #tpu.memory_space<hbm>> -> memref<20000x64xf32, #tpu.memory_space<hbm>>
    tpu.enqueue_indirect_dma source(%dma_start3A_37 : memref<20000x64xf32, #tpu.memory_space<hbm>>) target(%arg12 : memref<256x64xf32, #tpu.memory_space<vmem>>) offsets(%dma_start3A_34 : memref<256xi32, #tpu.memory_space<vmem>>) semaphore(%arg18 : memref<!tpu.dma_semaphore, #tpu.memory_space<semaphore_mem>>)
    %barrier3A = arith.constant 0 : index
    tpu.barrier barrier_id(%barrier3A)
    %scan3A = arith.constant 0 : i32
    %scan3A_38 = arith.constant 40 : i32
    %scan3A_39 = arith.addi %scan3A, %scan3A_38 : i32
    %scan3A_40 = arith.constant 1 : i32
    scf.for %scan3A_48 = %scan3A to %scan3A_39 step %scan3A_40  : i32 {
      %mul3A_49 = arith.constant 1 : i32
      %mul3A_50 = arith.muli %scan3A_48, %mul3A_49 : i32
      %add3A = arith.constant 0 : i32
      %add3A_51 = arith.addi %add3A, %mul3A_50 : i32
      %mul3A_52 = arith.constant 2 : i32
      %mul3A_53 = arith.muli %mul3A_52, %add3A_51 : i32
      %add3A_54 = arith.constant 1 : i32
      %add3A_55 = arith.addi %mul3A_53, %add3A_54 : i32
      %dma_start3A_56 = arith.constant 0 : i32
      %dma_start3A_57 = tpu.memref_slice %arg10[%add3A_55, %dma_start3A_56] : memref<80x256xi32, #tpu.memory_space<vmem>> -> memref<1x256xi32, #tpu.memory_space<vmem>>
      %dma_start3A_58 = tpu.memref_squeeze %dma_start3A_57 : memref<1x256xi32, #tpu.memory_space<vmem>> -> memref<256xi32, #tpu.memory_space<vmem>>
      %dma_start3A_59 = arith.constant 0 : i32
      %dma_start3A_60 = arith.constant 0 : i32
      %dma_start3A_61 = tpu.memref_slice %arg2[%dma_start3A_59, %dma_start3A_60] : memref<20000x64xf32, #tpu.memory_space<hbm>> -> memref<20000x64xf32, #tpu.memory_space<hbm>>
      tpu.enqueue_indirect_dma source(%dma_start3A_61 : memref<20000x64xf32, #tpu.memory_space<hbm>>) target(%arg13 : memref<256x64xf32, #tpu.memory_space<vmem>>) offsets(%dma_start3A_58 : memref<256xi32, #tpu.memory_space<vmem>>) semaphore(%arg19 : memref<!tpu.dma_semaphore, #tpu.memory_space<semaphore_mem>>)
      %dma_wait3A_62 = arith.constant 0 : i32
      %dma_wait3A_63 = tpu.memref_slice %arg10[%mul3A_53, %dma_wait3A_62] : memref<80x256xi32, #tpu.memory_space<vmem>> -> memref<1x256xi32, #tpu.memory_space<vmem>>
      %dma_wait3A_64 = tpu.memref_squeeze %dma_wait3A_63 : memref<1x256xi32, #tpu.memory_space<vmem>> -> memref<256xi32, #tpu.memory_space<vmem>>
      %dma_wait3A_65 = arith.constant 0 : i32
      %dma_wait3A_66 = arith.constant 0 : i32
      %dma_wait3A_67 = tpu.memref_slice %arg2[%dma_wait3A_65, %dma_wait3A_66] : memref<20000x64xf32, #tpu.memory_space<hbm>> -> memref<20000x64xf32, #tpu.memory_space<hbm>>
      tpu.wait_indirect_dma semaphore(%arg18 : memref<!tpu.dma_semaphore, #tpu.memory_space<semaphore_mem>>) src(%dma_wait3A_67 : memref<20000x64xf32, #tpu.memory_space<hbm>>) dst(%arg12 : memref<256x64xf32, #tpu.memory_space<vmem>>)
      "tpu.region"() ({
        %run_scoped3A = tpu.sem_alloc : memref<!tpu.dma_semaphore, #tpu.memory_space<semaphore_mem>>
        %dma_start3A_80 = arith.constant 0 : i32
        %dma_start3A_81 = tpu.memref_slice %arg11[%mul3A_53, %dma_start3A_80] : memref<80x256xi32, #tpu.memory_space<vmem>> -> memref<1x256xi32, #tpu.memory_space<vmem>>
        %dma_start3A_82 = tpu.memref_squeeze %dma_start3A_81 : memref<1x256xi32, #tpu.memory_space<vmem>> -> memref<256xi32, #tpu.memory_space<vmem>>
        %dma_start3A_83 = arith.constant 0 : i32
        %dma_start3A_84 = arith.constant 0 : i32
        %dma_start3A_85 = tpu.memref_slice %arg15[%dma_start3A_83, %dma_start3A_84] : memref<10240x64xf32, #tpu.memory_space<vmem_shared>> -> memref<10240x64xf32, #tpu.memory_space<vmem_shared>>
        tpu.enqueue_indirect_dma source(%arg12 : memref<256x64xf32, #tpu.memory_space<vmem>>) target(%dma_start3A_85 : memref<10240x64xf32, #tpu.memory_space<vmem_shared>>) offsets(%dma_start3A_82 : memref<256xi32, #tpu.memory_space<vmem>>) semaphore(%run_scoped3A : memref<!tpu.dma_semaphore, #tpu.memory_space<semaphore_mem>>) {add = true}
        %dma_wait3A_86 = arith.constant 0 : i32
        %dma_wait3A_87 = tpu.memref_slice %arg11[%mul3A_53, %dma_wait3A_86] : memref<80x256xi32, #tpu.memory_space<vmem>> -> memref<1x256xi32, #tpu.memory_space<vmem>>
        %dma_wait3A_88 = tpu.memref_squeeze %dma_wait3A_87 : memref<1x256xi32, #tpu.memory_space<vmem>> -> memref<256xi32, #tpu.memory_space<vmem>>
        %dma_wait3A_89 = arith.constant 0 : i32
        %dma_wait3A_90 = arith.constant 0 : i32
        %dma_wait3A_91 = tpu.memref_slice %arg15[%dma_wait3A_89, %dma_wait3A_90] : memref<10240x64xf32, #tpu.memory_space<vmem_shared>> -> memref<10240x64xf32, #tpu.memory_space<vmem_shared>>
        tpu.wait_indirect_dma semaphore(%run_scoped3A : memref<!tpu.dma_semaphore, #tpu.memory_space<semaphore_mem>>) src(%arg12 : memref<256x64xf32, #tpu.memory_space<vmem>>) dst(%dma_wait3A_91 : memref<10240x64xf32, #tpu.memory_space<vmem_shared>>)
        tpu.yield
      }) : () -> ()
      %add3A_68 = arith.constant 1 : i32
      %add3A_69 = arith.addi %add3A_51, %add3A_68 : i32
      %lt3A = arith.constant 40 : i32
      %lt3A_70 = arith.cmpi slt, %add3A_69, %lt3A : i32
      %convert_element_type3A = arith.extui %lt3A_70 : i1 to i32
      %cond3A = arith.constant 0 : i32
      %cond3A_71 = arith.cmpi ne, %convert_element_type3A, %cond3A : i32
      scf.if %cond3A_71 {
        %add3A_80 = arith.constant 2 : i32
        %add3A_81 = arith.addi %mul3A_53, %add3A_80 : i32
        %dma_start3A_82 = arith.constant 0 : i32
        %dma_start3A_83 = tpu.memref_slice %arg10[%add3A_81, %dma_start3A_82] : memref<80x256xi32, #tpu.memory_space<vmem>> -> memref<1x256xi32, #tpu.memory_space<vmem>>
        %dma_start3A_84 = tpu.memref_squeeze %dma_start3A_83 : memref<1x256xi32, #tpu.memory_space<vmem>> -> memref<256xi32, #tpu.memory_space<vmem>>
        %dma_start3A_85 = arith.constant 0 : i32
        %dma_start3A_86 = arith.constant 0 : i32
        %dma_start3A_87 = tpu.memref_slice %arg2[%dma_start3A_85, %dma_start3A_86] : memref<20000x64xf32, #tpu.memory_space<hbm>> -> memref<20000x64xf32, #tpu.memory_space<hbm>>
        tpu.enqueue_indirect_dma source(%dma_start3A_87 : memref<20000x64xf32, #tpu.memory_space<hbm>>) target(%arg12 : memref<256x64xf32, #tpu.memory_space<vmem>>) offsets(%dma_start3A_84 : memref<256xi32, #tpu.memory_space<vmem>>) semaphore(%arg18 : memref<!tpu.dma_semaphore, #tpu.memory_space<semaphore_mem>>)
      } else {
      }
      %add3A_72 = arith.constant 1 : i32
      %add3A_73 = arith.addi %mul3A_53, %add3A_72 : i32
      %dma_wait3A_74 = arith.constant 0 : i32
      %dma_wait3A_75 = tpu.memref_slice %arg10[%add3A_73, %dma_wait3A_74] : memref<80x256xi32, #tpu.memory_space<vmem>> -> memref<1x256xi32, #tpu.memory_space<vmem>>
      %dma_wait3A_76 = tpu.memref_squeeze %dma_wait3A_75 : memref<1x256xi32, #tpu.memory_space<vmem>> -> memref<256xi32, #tpu.memory_space<vmem>>
      %dma_wait3A_77 = arith.constant 0 : i32
      %dma_wait3A_78 = arith.constant 0 : i32
      %dma_wait3A_79 = tpu.memref_slice %arg2[%dma_wait3A_77, %dma_wait3A_78] : memref<20000x64xf32, #tpu.memory_space<hbm>> -> memref<20000x64xf32, #tpu.memory_space<hbm>>
      tpu.wait_indirect_dma semaphore(%arg19 : memref<!tpu.dma_semaphore, #tpu.memory_space<semaphore_mem>>) src(%dma_wait3A_79 : memref<20000x64xf32, #tpu.memory_space<hbm>>) dst(%arg13 : memref<256x64xf32, #tpu.memory_space<vmem>>)
      "tpu.region"() ({
        %run_scoped3A = tpu.sem_alloc : memref<!tpu.dma_semaphore, #tpu.memory_space<semaphore_mem>>
        %dma_start3A_80 = arith.constant 0 : i32
        %dma_start3A_81 = tpu.memref_slice %arg11[%add3A_73, %dma_start3A_80] : memref<80x256xi32, #tpu.memory_space<vmem>> -> memref<1x256xi32, #tpu.memory_space<vmem>>
        %dma_start3A_82 = tpu.memref_squeeze %dma_start3A_81 : memref<1x256xi32, #tpu.memory_space<vmem>> -> memref<256xi32, #tpu.memory_space<vmem>>
        %dma_start3A_83 = arith.constant 0 : i32
        %dma_start3A_84 = arith.constant 0 : i32
        %dma_start3A_85 = tpu.memref_slice %arg15[%dma_start3A_83, %dma_start3A_84] : memref<10240x64xf32, #tpu.memory_space<vmem_shared>> -> memref<10240x64xf32, #tpu.memory_space<vmem_shared>>
        tpu.enqueue_indirect_dma source(%arg13 : memref<256x64xf32, #tpu.memory_space<vmem>>) target(%dma_start3A_85 : memref<10240x64xf32, #tpu.memory_space<vmem_shared>>) offsets(%dma_start3A_82 : memref<256xi32, #tpu.memory_space<vmem>>) semaphore(%run_scoped3A : memref<!tpu.dma_semaphore, #tpu.memory_space<semaphore_mem>>) {add = true}
        %dma_wait3A_86 = arith.constant 0 : i32
        %dma_wait3A_87 = tpu.memref_slice %arg11[%add3A_73, %dma_wait3A_86] : memref<80x256xi32, #tpu.memory_space<vmem>> -> memref<1x256xi32, #tpu.memory_space<vmem>>
        %dma_wait3A_88 = tpu.memref_squeeze %dma_wait3A_87 : memref<1x256xi32, #tpu.memory_space<vmem>> -> memref<256xi32, #tpu.memory_space<vmem>>
        %dma_wait3A_89 = arith.constant 0 : i32
        %dma_wait3A_90 = arith.constant 0 : i32
        %dma_wait3A_91 = tpu.memref_slice %arg15[%dma_wait3A_89, %dma_wait3A_90] : memref<10240x64xf32, #tpu.memory_space<vmem_shared>> -> memref<10240x64xf32, #tpu.memory_space<vmem_shared>>
        tpu.wait_indirect_dma semaphore(%run_scoped3A : memref<!tpu.dma_semaphore, #tpu.memory_space<semaphore_mem>>) src(%arg13 : memref<256x64xf32, #tpu.memory_space<vmem>>) dst(%dma_wait3A_91 : memref<10240x64xf32, #tpu.memory_space<vmem_shared>>)
        tpu.yield
      }) : () -> ()
    }
    %scan3A_41 = arith.constant 40 : i32
    %barrier3A_42 = arith.constant 0 : index
    tpu.barrier barrier_id(%barrier3A_42)
    %scan3A_43 = arith.constant 0 : i32
    %scan3A_44 = arith.constant 5 : i32
    %scan3A_45 = arith.addi %scan3A_43, %scan3A_44 : i32
    %scan3A_46 = arith.constant 1 : i32
    scf.for %scan3A_48 = %scan3A_43 to %scan3A_45 step %scan3A_46  : i32 {
      %mul3A_49 = arith.constant 1 : i32
      %mul3A_50 = arith.muli %scan3A_48, %mul3A_49 : i32
      %add3A = arith.constant 0 : i32
      %add3A_51 = arith.addi %add3A, %mul3A_50 : i32
      %mul3A_52 = arith.constant 128 : i32
      %mul3A_53 = arith.muli %add3A_51, %mul3A_52 : i32
      %add3A_54 = arith.addi %mul3A_0, %mul3A_53 : i32
      "tpu.region"() ({
        %run_scoped3A = tpu.sem_alloc : memref<!tpu.dma_semaphore, #tpu.memory_space<semaphore_mem>>
        %dma_start3A_55 = arith.constant 0 : i32
        %dma_start3A_56 = arith.constant 0 : i32
        %dma_start3A_57 = tpu.memref_slice %arg12[%dma_start3A_55, %dma_start3A_56] : memref<256x64xf32, #tpu.memory_space<vmem>> -> memref<128x64xf32, #tpu.memory_space<vmem>>
        %dma_start3A_58 = arith.constant 0 : i32
        %dma_start3A_59 = tpu.memref_slice %arg15[%add3A_54, %dma_start3A_58] : memref<10240x64xf32, #tpu.memory_space<vmem_shared>> -> memref<128x64xf32, #tpu.memory_space<vmem_shared>>
        %dma_start3A_60 = arith.constant 0 : i32
        %dma_start3A_61 = arith.constant 0 : i32
        %dma_start3A_62 = tpu.memref_slice %arg12[%dma_start3A_60, %dma_start3A_61] : memref<256x64xf32, #tpu.memory_space<vmem>> -> memref<128x64xf32, #tpu.memory_space<vmem>>
        %dma_start3A_63 = arith.constant 0 : i32
        %dma_start3A_64 = tpu.memref_slice %arg15[%add3A_54, %dma_start3A_63] : memref<10240x64xf32, #tpu.memory_space<vmem_shared>> -> memref<128x64xf32, #tpu.memory_space<vmem_shared>>
        tpu.enqueue_dma source(%dma_start3A_64 : memref<128x64xf32, #tpu.memory_space<vmem_shared>>) target(%dma_start3A_62 : memref<128x64xf32, #tpu.memory_space<vmem>>) target_semaphore(%run_scoped3A : memref<!tpu.dma_semaphore, #tpu.memory_space<semaphore_mem>>)
        %dma_wait3A_65 = arith.constant 0 : i32
        %dma_wait3A_66 = arith.constant 0 : i32
        %dma_wait3A_67 = tpu.memref_slice %arg12[%dma_wait3A_65, %dma_wait3A_66] : memref<256x64xf32, #tpu.memory_space<vmem>> -> memref<128x64xf32, #tpu.memory_space<vmem>>
        %dma_wait3A_68 = arith.constant 0 : i32
        %dma_wait3A_69 = tpu.memref_slice %arg15[%add3A_54, %dma_wait3A_68] : memref<10240x64xf32, #tpu.memory_space<vmem_shared>> -> memref<128x64xf32, #tpu.memory_space<vmem_shared>>
        %dma_wait3A_70 = arith.constant 0 : i32
        %dma_wait3A_71 = arith.constant 0 : i32
        %dma_wait3A_72 = tpu.memref_slice %arg12[%dma_wait3A_70, %dma_wait3A_71] : memref<256x64xf32, #tpu.memory_space<vmem>> -> memref<128x64xf32, #tpu.memory_space<vmem>>
        %dma_wait3A_73 = arith.constant 0 : i32
        %dma_wait3A_74 = tpu.memref_slice %arg15[%add3A_54, %dma_wait3A_73] : memref<10240x64xf32, #tpu.memory_space<vmem_shared>> -> memref<128x64xf32, #tpu.memory_space<vmem_shared>>
        tpu.wait_dma2 semaphore(%run_scoped3A : memref<!tpu.dma_semaphore, #tpu.memory_space<semaphore_mem>>) src(%dma_wait3A_74 : memref<128x64xf32, #tpu.memory_space<vmem_shared>>) dst(%dma_wait3A_72 : memref<128x64xf32, #tpu.memory_space<vmem>>)
        tpu.yield
      }) : () -> ()
      "tpu.region"() ({
        %run_scoped3A = tpu.sem_alloc : memref<!tpu.dma_semaphore, #tpu.memory_space<semaphore_mem>>
        %dma_start3A_55 = arith.constant 0 : i32
        %dma_start3A_56 = arith.constant 0 : i32
        %dma_start3A_57 = tpu.memref_slice %arg12[%dma_start3A_55, %dma_start3A_56] : memref<256x64xf32, #tpu.memory_space<vmem>> -> memref<128x64xf32, #tpu.memory_space<vmem>>
        %dma_start3A_58 = arith.constant 0 : i32
        %dma_start3A_59 = tpu.memref_slice %arg8[%arg0, %add3A_54, %dma_start3A_58] : memref<2x10240x64xf32, #tpu.memory_space<hbm>> -> memref<1x128x64xf32, #tpu.memory_space<hbm>>
        %dma_start3A_60 = tpu.memref_squeeze %dma_start3A_59 : memref<1x128x64xf32, #tpu.memory_space<hbm>> -> memref<128x64xf32, #tpu.memory_space<hbm>>
        %dma_start3A_61 = arith.constant 0 : i32
        %dma_start3A_62 = tpu.memref_slice %arg8[%arg0, %add3A_54, %dma_start3A_61] : memref<2x10240x64xf32, #tpu.memory_space<hbm>> -> memref<1x128x64xf32, #tpu.memory_space<hbm>>
        %dma_start3A_63 = tpu.memref_squeeze %dma_start3A_62 : memref<1x128x64xf32, #tpu.memory_space<hbm>> -> memref<128x64xf32, #tpu.memory_space<hbm>>
        %dma_start3A_64 = arith.constant 0 : i32
        %dma_start3A_65 = arith.constant 0 : i32
        %dma_start3A_66 = tpu.memref_slice %arg12[%dma_start3A_64, %dma_start3A_65] : memref<256x64xf32, #tpu.memory_space<vmem>> -> memref<128x64xf32, #tpu.memory_space<vmem>>
        tpu.enqueue_dma source(%dma_start3A_66 : memref<128x64xf32, #tpu.memory_space<vmem>>) target(%dma_start3A_63 : memref<128x64xf32, #tpu.memory_space<hbm>>) target_semaphore(%run_scoped3A : memref<!tpu.dma_semaphore, #tpu.memory_space<semaphore_mem>>)
        %dma_wait3A_67 = arith.constant 0 : i32
        %dma_wait3A_68 = arith.constant 0 : i32
        %dma_wait3A_69 = tpu.memref_slice %arg12[%dma_wait3A_67, %dma_wait3A_68] : memref<256x64xf32, #tpu.memory_space<vmem>> -> memref<128x64xf32, #tpu.memory_space<vmem>>
        %dma_wait3A_70 = arith.constant 0 : i32
        %dma_wait3A_71 = tpu.memref_slice %arg8[%arg0, %add3A_54, %dma_wait3A_70] : memref<2x10240x64xf32, #tpu.memory_space<hbm>> -> memref<1x128x64xf32, #tpu.memory_space<hbm>>
        %dma_wait3A_72 = tpu.memref_squeeze %dma_wait3A_71 : memref<1x128x64xf32, #tpu.memory_space<hbm>> -> memref<128x64xf32, #tpu.memory_space<hbm>>
        %dma_wait3A_73 = arith.constant 0 : i32
        %dma_wait3A_74 = tpu.memref_slice %arg8[%arg0, %add3A_54, %dma_wait3A_73] : memref<2x10240x64xf32, #tpu.memory_space<hbm>> -> memref<1x128x64xf32, #tpu.memory_space<hbm>>
        %dma_wait3A_75 = tpu.memref_squeeze %dma_wait3A_74 : memref<1x128x64xf32, #tpu.memory_space<hbm>> -> memref<128x64xf32, #tpu.memory_space<hbm>>
        %dma_wait3A_76 = arith.constant 0 : i32
        %dma_wait3A_77 = arith.constant 0 : i32
        %dma_wait3A_78 = tpu.memref_slice %arg12[%dma_wait3A_76, %dma_wait3A_77] : memref<256x64xf32, #tpu.memory_space<vmem>> -> memref<128x64xf32, #tpu.memory_space<vmem>>
        tpu.wait_dma2 semaphore(%run_scoped3A : memref<!tpu.dma_semaphore, #tpu.memory_space<semaphore_mem>>) src(%dma_wait3A_78 : memref<128x64xf32, #tpu.memory_space<vmem>>) dst(%dma_wait3A_75 : memref<128x64xf32, #tpu.memory_space<hbm>>)
        tpu.yield
      }) : () -> ()
    }
    %scan3A_47 = arith.constant 5 : i32
    return
  }
}

#map = affine_map<(d0, d1) -> (0, 0)>
#map1 = affine_map<(d0, d1) -> (0, 0, 0)>
module attributes {stable_mosaic.version = 14 : i64} {
  func.func @body(%arg0: i32, %arg1: i32, %arg2: memref<10000x128xf32, #tpu.memory_space<hbm>>, %arg3: memref<10000x128xf32, #tpu.memory_space<hbm>>, %arg4: memref<32x16x256xi32, #tpu.memory_space<hbm>>, %arg5: memref<32x16x256xi32, #tpu.memory_space<hbm>>, %arg6: memref<131072x128xf32, #tpu.memory_space<hbm>>, %arg7: memref<131072x128xf32, #tpu.memory_space<hbm>>, %arg8: memref<16x256xi32, #tpu.memory_space<vmem>>, %arg9: memref<16x256xi32, #tpu.memory_space<vmem>>, %arg10: memref<256x128xf32, #tpu.memory_space<vmem>>, %arg11: memref<256x128xf32, #tpu.memory_space<vmem>>, %arg12: memref<!tpu.dma_semaphore, #tpu.memory_space<semaphore_mem>>, %arg13: memref<!tpu.dma_semaphore, #tpu.memory_space<semaphore_mem>>, %arg14: memref<!tpu.dma_semaphore, #tpu.memory_space<semaphore_mem>>) attributes {dimension_semantics = [#tpu.dimension_semantics<core_parallel>, #tpu.dimension_semantics<subcore_parallel>], iteration_bounds = array<i64: 2, 16>, scalar_prefetch = 0 : i64, scratch_operands = 7 : i64, tpu.core_type = #tpu.core_type<sc_vector_subcore>, window_params = [{transform_indices = #map}, {transform_indices = #map}, {transform_indices = #map1}, {transform_indices = #map1}, {transform_indices = #map}, {transform_indices = #map}]} {
    %mul3A = arith.constant 16 : i32
    %mul3A_0 = arith.muli %arg0, %mul3A : i32
    %add3A = arith.addi %mul3A_0, %arg1 : i32
    %mul3A_1 = arith.constant 4096 : i32
    %mul3A_2 = arith.muli %add3A, %mul3A_1 : i32
    %dma_start3A = arith.constant 0 : i32
    %dma_start3A_3 = arith.constant 0 : i32
    %dma_start3A_4 = tpu.memref_slice %arg4[%add3A, %dma_start3A, %dma_start3A_3] : memref<32x16x256xi32, #tpu.memory_space<hbm>> -> memref<1x16x256xi32, #tpu.memory_space<hbm>>
    %dma_start3A_5 = tpu.memref_squeeze %dma_start3A_4 : memref<1x16x256xi32, #tpu.memory_space<hbm>> -> memref<16x256xi32, #tpu.memory_space<hbm>>
    %dma_start3A_6 = arith.constant 0 : i32
    %dma_start3A_7 = arith.constant 0 : i32
    %dma_start3A_8 = tpu.memref_slice %arg4[%add3A, %dma_start3A_6, %dma_start3A_7] : memref<32x16x256xi32, #tpu.memory_space<hbm>> -> memref<1x16x256xi32, #tpu.memory_space<hbm>>
    %dma_start3A_9 = tpu.memref_squeeze %dma_start3A_8 : memref<1x16x256xi32, #tpu.memory_space<hbm>> -> memref<16x256xi32, #tpu.memory_space<hbm>>
    tpu.enqueue_dma source(%dma_start3A_9 : memref<16x256xi32, #tpu.memory_space<hbm>>) target(%arg8 : memref<16x256xi32, #tpu.memory_space<vmem>>) target_semaphore(%arg12 : memref<!tpu.dma_semaphore, #tpu.memory_space<semaphore_mem>>)
    %dma_start3A_10 = arith.constant 0 : i32
    %dma_start3A_11 = arith.constant 0 : i32
    %dma_start3A_12 = tpu.memref_slice %arg5[%add3A, %dma_start3A_10, %dma_start3A_11] : memref<32x16x256xi32, #tpu.memory_space<hbm>> -> memref<1x16x256xi32, #tpu.memory_space<hbm>>
    %dma_start3A_13 = tpu.memref_squeeze %dma_start3A_12 : memref<1x16x256xi32, #tpu.memory_space<hbm>> -> memref<16x256xi32, #tpu.memory_space<hbm>>
    %dma_start3A_14 = arith.constant 0 : i32
    %dma_start3A_15 = arith.constant 0 : i32
    %dma_start3A_16 = tpu.memref_slice %arg5[%add3A, %dma_start3A_14, %dma_start3A_15] : memref<32x16x256xi32, #tpu.memory_space<hbm>> -> memref<1x16x256xi32, #tpu.memory_space<hbm>>
    %dma_start3A_17 = tpu.memref_squeeze %dma_start3A_16 : memref<1x16x256xi32, #tpu.memory_space<hbm>> -> memref<16x256xi32, #tpu.memory_space<hbm>>
    tpu.enqueue_dma source(%dma_start3A_17 : memref<16x256xi32, #tpu.memory_space<hbm>>) target(%arg9 : memref<16x256xi32, #tpu.memory_space<vmem>>) target_semaphore(%arg12 : memref<!tpu.dma_semaphore, #tpu.memory_space<semaphore_mem>>)
    %dma_wait3A = arith.constant 0 : i32
    %dma_wait3A_18 = arith.constant 0 : i32
    %dma_wait3A_19 = tpu.memref_slice %arg4[%add3A, %dma_wait3A, %dma_wait3A_18] : memref<32x16x256xi32, #tpu.memory_space<hbm>> -> memref<1x16x256xi32, #tpu.memory_space<hbm>>
    %dma_wait3A_20 = tpu.memref_squeeze %dma_wait3A_19 : memref<1x16x256xi32, #tpu.memory_space<hbm>> -> memref<16x256xi32, #tpu.memory_space<hbm>>
    %dma_wait3A_21 = arith.constant 0 : i32
    %dma_wait3A_22 = arith.constant 0 : i32
    %dma_wait3A_23 = tpu.memref_slice %arg4[%add3A, %dma_wait3A_21, %dma_wait3A_22] : memref<32x16x256xi32, #tpu.memory_space<hbm>> -> memref<1x16x256xi32, #tpu.memory_space<hbm>>
    %dma_wait3A_24 = tpu.memref_squeeze %dma_wait3A_23 : memref<1x16x256xi32, #tpu.memory_space<hbm>> -> memref<16x256xi32, #tpu.memory_space<hbm>>
    tpu.wait_dma2 semaphore(%arg12 : memref<!tpu.dma_semaphore, #tpu.memory_space<semaphore_mem>>) src(%dma_wait3A_24 : memref<16x256xi32, #tpu.memory_space<hbm>>) dst(%arg8 : memref<16x256xi32, #tpu.memory_space<vmem>>)
    %dma_wait3A_25 = arith.constant 0 : i32
    %dma_wait3A_26 = arith.constant 0 : i32
    %dma_wait3A_27 = tpu.memref_slice %arg5[%add3A, %dma_wait3A_25, %dma_wait3A_26] : memref<32x16x256xi32, #tpu.memory_space<hbm>> -> memref<1x16x256xi32, #tpu.memory_space<hbm>>
    %dma_wait3A_28 = tpu.memref_squeeze %dma_wait3A_27 : memref<1x16x256xi32, #tpu.memory_space<hbm>> -> memref<16x256xi32, #tpu.memory_space<hbm>>
    %dma_wait3A_29 = arith.constant 0 : i32
    %dma_wait3A_30 = arith.constant 0 : i32
    %dma_wait3A_31 = tpu.memref_slice %arg5[%add3A, %dma_wait3A_29, %dma_wait3A_30] : memref<32x16x256xi32, #tpu.memory_space<hbm>> -> memref<1x16x256xi32, #tpu.memory_space<hbm>>
    %dma_wait3A_32 = tpu.memref_squeeze %dma_wait3A_31 : memref<1x16x256xi32, #tpu.memory_space<hbm>> -> memref<16x256xi32, #tpu.memory_space<hbm>>
    tpu.wait_dma2 semaphore(%arg12 : memref<!tpu.dma_semaphore, #tpu.memory_space<semaphore_mem>>) src(%dma_wait3A_32 : memref<16x256xi32, #tpu.memory_space<hbm>>) dst(%arg9 : memref<16x256xi32, #tpu.memory_space<vmem>>)
    %dma_start3A_33 = arith.constant 0 : i32
    %dma_start3A_34 = arith.constant 0 : i32
    %dma_start3A_35 = tpu.memref_slice %arg8[%dma_start3A_33, %dma_start3A_34] : memref<16x256xi32, #tpu.memory_space<vmem>> -> memref<1x256xi32, #tpu.memory_space<vmem>>
    %dma_start3A_36 = tpu.memref_squeeze %dma_start3A_35 : memref<1x256xi32, #tpu.memory_space<vmem>> -> memref<256xi32, #tpu.memory_space<vmem>>
    %dma_start3A_37 = arith.constant 0 : i32
    %dma_start3A_38 = arith.constant 0 : i32
    %dma_start3A_39 = tpu.memref_slice %arg2[%dma_start3A_37, %dma_start3A_38] : memref<10000x128xf32, #tpu.memory_space<hbm>> -> memref<10000x128xf32, #tpu.memory_space<hbm>>
    tpu.enqueue_indirect_dma source(%dma_start3A_39 : memref<10000x128xf32, #tpu.memory_space<hbm>>) target(%arg10 : memref<256x128xf32, #tpu.memory_space<vmem>>) offsets(%dma_start3A_36 : memref<256xi32, #tpu.memory_space<vmem>>) semaphore(%arg13 : memref<!tpu.dma_semaphore, #tpu.memory_space<semaphore_mem>>)
    %scan3A = arith.constant 0 : i32
    %scan3A_40 = arith.constant 16 : i32
    %scan3A_41 = arith.addi %scan3A, %scan3A_40 : i32
    %scan3A_42 = arith.constant 1 : i32
    scf.for %scan3A_44 = %scan3A to %scan3A_41 step %scan3A_42  : i32 {
      %mul3A_45 = arith.constant 1 : i32
      %mul3A_46 = arith.muli %scan3A_44, %mul3A_45 : i32
      %add3A_47 = arith.constant 0 : i32
      %add3A_48 = arith.addi %add3A_47, %mul3A_46 : i32
      %mul3A_49 = arith.constant 256 : i32
      %mul3A_50 = arith.muli %add3A_48, %mul3A_49 : i32
      %add3A_51 = arith.addi %mul3A_2, %mul3A_50 : i32
      %dma_start3A_52 = arith.constant 0 : i32
      %dma_start3A_53 = tpu.memref_slice %arg9[%add3A_48, %dma_start3A_52] : memref<16x256xi32, #tpu.memory_space<vmem>> -> memref<1x256xi32, #tpu.memory_space<vmem>>
      %dma_start3A_54 = tpu.memref_squeeze %dma_start3A_53 : memref<1x256xi32, #tpu.memory_space<vmem>> -> memref<256xi32, #tpu.memory_space<vmem>>
      %dma_start3A_55 = arith.constant 0 : i32
      %dma_start3A_56 = arith.constant 0 : i32
      %dma_start3A_57 = tpu.memref_slice %arg3[%dma_start3A_55, %dma_start3A_56] : memref<10000x128xf32, #tpu.memory_space<hbm>> -> memref<10000x128xf32, #tpu.memory_space<hbm>>
      tpu.enqueue_indirect_dma source(%dma_start3A_57 : memref<10000x128xf32, #tpu.memory_space<hbm>>) target(%arg11 : memref<256x128xf32, #tpu.memory_space<vmem>>) offsets(%dma_start3A_54 : memref<256xi32, #tpu.memory_space<vmem>>) semaphore(%arg14 : memref<!tpu.dma_semaphore, #tpu.memory_space<semaphore_mem>>)
      %dma_wait3A_58 = arith.constant 0 : i32
      %dma_wait3A_59 = tpu.memref_slice %arg8[%add3A_48, %dma_wait3A_58] : memref<16x256xi32, #tpu.memory_space<vmem>> -> memref<1x256xi32, #tpu.memory_space<vmem>>
      %dma_wait3A_60 = tpu.memref_squeeze %dma_wait3A_59 : memref<1x256xi32, #tpu.memory_space<vmem>> -> memref<256xi32, #tpu.memory_space<vmem>>
      %dma_wait3A_61 = arith.constant 0 : i32
      %dma_wait3A_62 = arith.constant 0 : i32
      %dma_wait3A_63 = tpu.memref_slice %arg2[%dma_wait3A_61, %dma_wait3A_62] : memref<10000x128xf32, #tpu.memory_space<hbm>> -> memref<10000x128xf32, #tpu.memory_space<hbm>>
      tpu.wait_indirect_dma semaphore(%arg13 : memref<!tpu.dma_semaphore, #tpu.memory_space<semaphore_mem>>) src(%dma_wait3A_63 : memref<10000x128xf32, #tpu.memory_space<hbm>>) dst(%arg10 : memref<256x128xf32, #tpu.memory_space<vmem>>)
      "tpu.region"() ({
        %run_scoped3A = tpu.sem_alloc : memref<!tpu.dma_semaphore, #tpu.memory_space<semaphore_mem>>
        %dma_start3A_74 = arith.constant 0 : i32
        %dma_start3A_75 = tpu.memref_slice %arg6[%add3A_51, %dma_start3A_74] : memref<131072x128xf32, #tpu.memory_space<hbm>> -> memref<256x128xf32, #tpu.memory_space<hbm>>
        %dma_start3A_76 = arith.constant 0 : i32
        %dma_start3A_77 = tpu.memref_slice %arg6[%add3A_51, %dma_start3A_76] : memref<131072x128xf32, #tpu.memory_space<hbm>> -> memref<256x128xf32, #tpu.memory_space<hbm>>
        tpu.enqueue_dma source(%arg10 : memref<256x128xf32, #tpu.memory_space<vmem>>) target(%dma_start3A_77 : memref<256x128xf32, #tpu.memory_space<hbm>>) target_semaphore(%run_scoped3A : memref<!tpu.dma_semaphore, #tpu.memory_space<semaphore_mem>>)
        %dma_wait3A_78 = arith.constant 0 : i32
        %dma_wait3A_79 = tpu.memref_slice %arg6[%add3A_51, %dma_wait3A_78] : memref<131072x128xf32, #tpu.memory_space<hbm>> -> memref<256x128xf32, #tpu.memory_space<hbm>>
        %dma_wait3A_80 = arith.constant 0 : i32
        %dma_wait3A_81 = tpu.memref_slice %arg6[%add3A_51, %dma_wait3A_80] : memref<131072x128xf32, #tpu.memory_space<hbm>> -> memref<256x128xf32, #tpu.memory_space<hbm>>
        tpu.wait_dma2 semaphore(%run_scoped3A : memref<!tpu.dma_semaphore, #tpu.memory_space<semaphore_mem>>) src(%arg10 : memref<256x128xf32, #tpu.memory_space<vmem>>) dst(%dma_wait3A_81 : memref<256x128xf32, #tpu.memory_space<hbm>>)
        tpu.yield
      }) : () -> ()
      %add3A_64 = arith.constant 1 : i32
      %add3A_65 = arith.addi %add3A_48, %add3A_64 : i32
      %lt3A = arith.constant 16 : i32
      %lt3A_66 = arith.cmpi slt, %add3A_65, %lt3A : i32
      %convert_element_type3A = arith.extui %lt3A_66 : i1 to i32
      %cond3A = arith.constant 0 : i32
      %cond3A_67 = arith.cmpi ne, %convert_element_type3A, %cond3A : i32
      scf.if %cond3A_67 {
        %add3A_74 = arith.constant 1 : i32
        %add3A_75 = arith.addi %add3A_48, %add3A_74 : i32
        %dma_start3A_76 = arith.constant 0 : i32
        %dma_start3A_77 = tpu.memref_slice %arg8[%add3A_75, %dma_start3A_76] : memref<16x256xi32, #tpu.memory_space<vmem>> -> memref<1x256xi32, #tpu.memory_space<vmem>>
        %dma_start3A_78 = tpu.memref_squeeze %dma_start3A_77 : memref<1x256xi32, #tpu.memory_space<vmem>> -> memref<256xi32, #tpu.memory_space<vmem>>
        %dma_start3A_79 = arith.constant 0 : i32
        %dma_start3A_80 = arith.constant 0 : i32
        %dma_start3A_81 = tpu.memref_slice %arg2[%dma_start3A_79, %dma_start3A_80] : memref<10000x128xf32, #tpu.memory_space<hbm>> -> memref<10000x128xf32, #tpu.memory_space<hbm>>
        tpu.enqueue_indirect_dma source(%dma_start3A_81 : memref<10000x128xf32, #tpu.memory_space<hbm>>) target(%arg10 : memref<256x128xf32, #tpu.memory_space<vmem>>) offsets(%dma_start3A_78 : memref<256xi32, #tpu.memory_space<vmem>>) semaphore(%arg13 : memref<!tpu.dma_semaphore, #tpu.memory_space<semaphore_mem>>)
      } else {
      }
      %dma_wait3A_68 = arith.constant 0 : i32
      %dma_wait3A_69 = tpu.memref_slice %arg9[%add3A_48, %dma_wait3A_68] : memref<16x256xi32, #tpu.memory_space<vmem>> -> memref<1x256xi32, #tpu.memory_space<vmem>>
      %dma_wait3A_70 = tpu.memref_squeeze %dma_wait3A_69 : memref<1x256xi32, #tpu.memory_space<vmem>> -> memref<256xi32, #tpu.memory_space<vmem>>
      %dma_wait3A_71 = arith.constant 0 : i32
      %dma_wait3A_72 = arith.constant 0 : i32
      %dma_wait3A_73 = tpu.memref_slice %arg3[%dma_wait3A_71, %dma_wait3A_72] : memref<10000x128xf32, #tpu.memory_space<hbm>> -> memref<10000x128xf32, #tpu.memory_space<hbm>>
      tpu.wait_indirect_dma semaphore(%arg14 : memref<!tpu.dma_semaphore, #tpu.memory_space<semaphore_mem>>) src(%dma_wait3A_73 : memref<10000x128xf32, #tpu.memory_space<hbm>>) dst(%arg11 : memref<256x128xf32, #tpu.memory_space<vmem>>)
      "tpu.region"() ({
        %run_scoped3A = tpu.sem_alloc : memref<!tpu.dma_semaphore, #tpu.memory_space<semaphore_mem>>
        %dma_start3A_74 = arith.constant 0 : i32
        %dma_start3A_75 = tpu.memref_slice %arg7[%add3A_51, %dma_start3A_74] : memref<131072x128xf32, #tpu.memory_space<hbm>> -> memref<256x128xf32, #tpu.memory_space<hbm>>
        %dma_start3A_76 = arith.constant 0 : i32
        %dma_start3A_77 = tpu.memref_slice %arg7[%add3A_51, %dma_start3A_76] : memref<131072x128xf32, #tpu.memory_space<hbm>> -> memref<256x128xf32, #tpu.memory_space<hbm>>
        tpu.enqueue_dma source(%arg11 : memref<256x128xf32, #tpu.memory_space<vmem>>) target(%dma_start3A_77 : memref<256x128xf32, #tpu.memory_space<hbm>>) target_semaphore(%run_scoped3A : memref<!tpu.dma_semaphore, #tpu.memory_space<semaphore_mem>>)
        %dma_wait3A_78 = arith.constant 0 : i32
        %dma_wait3A_79 = tpu.memref_slice %arg7[%add3A_51, %dma_wait3A_78] : memref<131072x128xf32, #tpu.memory_space<hbm>> -> memref<256x128xf32, #tpu.memory_space<hbm>>
        %dma_wait3A_80 = arith.constant 0 : i32
        %dma_wait3A_81 = tpu.memref_slice %arg7[%add3A_51, %dma_wait3A_80] : memref<131072x128xf32, #tpu.memory_space<hbm>> -> memref<256x128xf32, #tpu.memory_space<hbm>>
        tpu.wait_dma2 semaphore(%run_scoped3A : memref<!tpu.dma_semaphore, #tpu.memory_space<semaphore_mem>>) src(%arg11 : memref<256x128xf32, #tpu.memory_space<vmem>>) dst(%dma_wait3A_81 : memref<256x128xf32, #tpu.memory_space<hbm>>)
        tpu.yield
      }) : () -> ()
    }
    %scan3A_43 = arith.constant 16 : i32
    return
  }
}

module attributes {stable_mosaic.version = 14 : i64} {
  func.func @body(%arg0: i32, %arg1: memref<2000x128xf32, #tpu.memory_space<vmem>>, %arg2: memref<2000x64xf32, #tpu.memory_space<vmem>>, %arg3: memref<2000x64xf32, #tpu.memory_space<vmem>>, %arg4: memref<2000x16xf32, #tpu.memory_space<vmem>>, %arg5: memref<128x256xf32, #tpu.memory_space<vmem>>, %arg6: memref<1x256xf32, #tpu.memory_space<vmem>>, %arg7: memref<128x256xf32, #tpu.memory_space<vmem>>, %arg8: memref<1x256xf32, #tpu.memory_space<vmem>>, %arg9: memref<1x256xf32, #tpu.memory_space<vmem>>, %arg10: memref<2x2000x64xf32, #tpu.memory_space<vmem>>, %arg11: memref<2x2000x64xf32, #tpu.memory_space<vmem>>) attributes {dimension_semantics = [#tpu.dimension_semantics<arbitrary>], iteration_bounds = array<i64: 5>, scalar_prefetch = 0 : i64, scratch_operands = 0 : i64, tpu.core_type = #tpu.core_type<tc>, window_params = [{transform_indices = @transform_0, window_bounds = array<i64: 2000, 128>}, {transform_indices = @transform_1, window_bounds = array<i64: 2000, 64>}, {transform_indices = @transform_2, window_bounds = array<i64: 2000, 64>}, {transform_indices = @transform_3, window_bounds = array<i64: 2000, 16>}, {pipeline_mode = #tpu.pipeline_mode<synchronous>, transform_indices = @transform_4, window_bounds = array<i64: 128, 256>}, {pipeline_mode = #tpu.pipeline_mode<synchronous>, transform_indices = @transform_5, window_bounds = array<i64: 1, 256>}, {pipeline_mode = #tpu.pipeline_mode<synchronous>, transform_indices = @transform_6, window_bounds = array<i64: 128, 256>}, {pipeline_mode = #tpu.pipeline_mode<synchronous>, transform_indices = @transform_7, window_bounds = array<i64: 1, 256>}, {pipeline_mode = #tpu.pipeline_mode<synchronous>, transform_indices = @transform_8, window_bounds = array<i64: 1, 256>}, {transform_indices = @transform_9, window_bounds = array<i64: 2, 2000, 64>}, {transform_indices = @transform_10, window_bounds = array<i64: 2, 2000, 64>}]} {
    %get3A = arith.constant 0 : index
    %get3A_0 = arith.constant 0 : index
    %get3A_1 = vector.load %arg2[%get3A, %get3A_0] : memref<2000x64xf32, #tpu.memory_space<vmem>>, vector<2000x64xf32>
    %get3A_2 = arith.constant 0 : index
    %get3A_3 = arith.constant 0 : index
    %get3A_4 = vector.load %arg3[%get3A_2, %get3A_3] : memref<2000x64xf32, #tpu.memory_space<vmem>>, vector<2000x64xf32>
    %concatenate3A = tpu.concatenate %get3A_1, %get3A_4 in 1 : vector<2000x64xf32>, vector<2000x64xf32> -> vector<2000x128xf32>
    %get3A_5 = arith.constant 0 : index
    %get3A_6 = arith.constant 0 : index
    %get3A_7 = vector.load %arg4[%get3A_5, %get3A_6] : memref<2000x16xf32, #tpu.memory_space<vmem>>, vector<2000x16xf32>
    %slice3A = vector.extract_strided_slice %get3A_7 {offsets = [0, 0], sizes = [2000, 1], strides = [1, 1]} : vector<2000x16xf32> to vector<2000x1xf32>
    %max3A = arith.constant 1.000000e+00 : f32
    %max3A_8 = vector.broadcast %max3A : f32 to vector<2000x1xf32>
    %max3A_9 = arith.maximumf %slice3A, %max3A_8 : vector<2000x1xf32>
    %div3A = vector.broadcast %max3A_9 : vector<2000x1xf32> to vector<2000x128xf32>
    %div3A_10 = arith.divf %concatenate3A, %div3A : vector<2000x128xf32>
    %get3A_11 = arith.constant 0 : index
    %get3A_12 = arith.constant 0 : index
    %get3A_13 = vector.load %arg5[%get3A_11, %get3A_12] : memref<128x256xf32, #tpu.memory_space<vmem>>, vector<128x256xf32>
    %dot_general3A = arith.constant dense<0.000000e+00> : vector<2000x256xf32>
    %dot_general3A_14 = tpu.matmul %div3A_10, %get3A_13, %dot_general3A {dimension_numbers = #tpu.dot_dimension_numbers<[1], [0], [0], [1], [0, 0, 1, 1], [], []>, transpose_lhs_hint = false} : vector<2000x128xf32>, vector<128x256xf32>, vector<2000x256xf32> -> vector<2000x256xf32>
    %get3A_15 = arith.constant 0 : index
    %get3A_16 = arith.constant 0 : index
    %get3A_17 = vector.load %arg1[%get3A_15, %get3A_16] : memref<2000x128xf32, #tpu.memory_space<vmem>>, vector<2000x128xf32>
    %get3A_18 = arith.constant 0 : index
    %get3A_19 = arith.constant 0 : index
    %get3A_20 = vector.load %arg7[%get3A_18, %get3A_19] : memref<128x256xf32, #tpu.memory_space<vmem>>, vector<128x256xf32>
    %dot_general3A_21 = arith.constant dense<0.000000e+00> : vector<2000x256xf32>
    %dot_general3A_22 = tpu.matmul %get3A_17, %get3A_20, %dot_general3A_21 {dimension_numbers = #tpu.dot_dimension_numbers<[1], [0], [0], [1], [0, 0, 1, 1], [], []>, transpose_lhs_hint = false} : vector<2000x128xf32>, vector<128x256xf32>, vector<2000x256xf32> -> vector<2000x256xf32>
    %add3A = arith.addf %dot_general3A_14, %dot_general3A_22 : vector<2000x256xf32>
    %get3A_23 = arith.constant 0 : index
    %get3A_24 = arith.constant 0 : index
    %get3A_25 = vector.load %arg6[%get3A_23, %get3A_24] : memref<1x256xf32, #tpu.memory_space<vmem>>, vector<1x256xf32>
    %add3A_26 = vector.broadcast %get3A_25 : vector<1x256xf32> to vector<2000x256xf32>
    %add3A_27 = arith.addf %add3A, %add3A_26 : vector<2000x256xf32>
    %get3A_28 = arith.constant 0 : index
    %get3A_29 = arith.constant 0 : index
    %get3A_30 = vector.load %arg8[%get3A_28, %get3A_29] : memref<1x256xf32, #tpu.memory_space<vmem>>, vector<1x256xf32>
    %mul3A = arith.constant 0.999994993 : f32
    %mul3A_31 = vector.broadcast %mul3A : f32 to vector<1x256xf32>
    %mul3A_32 = arith.mulf %get3A_30, %mul3A_31 : vector<1x256xf32>
    %mul3A_33 = vector.broadcast %mul3A_32 : vector<1x256xf32> to vector<2000x256xf32>
    %mul3A_34 = arith.mulf %add3A_27, %mul3A_33 : vector<2000x256xf32>
    %get3A_35 = arith.constant 0 : index
    %get3A_36 = arith.constant 0 : index
    %get3A_37 = vector.load %arg9[%get3A_35, %get3A_36] : memref<1x256xf32, #tpu.memory_space<vmem>>, vector<1x256xf32>
    %add3A_38 = vector.broadcast %get3A_37 : vector<1x256xf32> to vector<2000x256xf32>
    %add3A_39 = arith.addf %mul3A_34, %add3A_38 : vector<2000x256xf32>
    %max3A_40 = arith.constant 0.000000e+00 : f32
    %max3A_41 = vector.broadcast %max3A_40 : f32 to vector<2000x256xf32>
    %max3A_42 = arith.maximumf %add3A_39, %max3A_41 : vector<2000x256xf32>
    %slice3A_43 = vector.extract_strided_slice %max3A_42 {offsets = [0, 0], sizes = [2000, 64], strides = [1, 1]} : vector<2000x256xf32> to vector<2000x64xf32>
    %swap3A = arith.constant 0 : index
    %swap3A_44 = arith.constant 0 : index
    %swap3A_45 = arith.constant 0 : index
    %swap3A_46 = vector.load %arg10[%swap3A, %swap3A_44, %swap3A_45] : memref<2x2000x64xf32, #tpu.memory_space<vmem>>, vector<1x2000x64xf32>
    %swap3A_47 = vector.shape_cast %swap3A_46 : vector<1x2000x64xf32> to vector<2000x64xf32>
    %swap3A_48 = vector.shape_cast %slice3A_43 : vector<2000x64xf32> to vector<1x2000x64xf32>
    tpu.vector_store %arg10[%swap3A, %swap3A_44, %swap3A_45], %swap3A_48 {strides = array<i32>} : memref<2x2000x64xf32, #tpu.memory_space<vmem>>, vector<1x2000x64xf32>,
    %slice3A_49 = vector.extract_strided_slice %max3A_42 {offsets = [0, 64], sizes = [2000, 64], strides = [1, 1]} : vector<2000x256xf32> to vector<2000x64xf32>
    %swap3A_50 = arith.constant 1 : index
    %swap3A_51 = arith.constant 0 : index
    %swap3A_52 = arith.constant 0 : index
    %swap3A_53 = vector.load %arg10[%swap3A_50, %swap3A_51, %swap3A_52] : memref<2x2000x64xf32, #tpu.memory_space<vmem>>, vector<1x2000x64xf32>
    %swap3A_54 = vector.shape_cast %swap3A_53 : vector<1x2000x64xf32> to vector<2000x64xf32>
    %swap3A_55 = vector.shape_cast %slice3A_49 : vector<2000x64xf32> to vector<1x2000x64xf32>
    tpu.vector_store %arg10[%swap3A_50, %swap3A_51, %swap3A_52], %swap3A_55 {strides = array<i32>} : memref<2x2000x64xf32, #tpu.memory_space<vmem>>, vector<1x2000x64xf32>,
    %slice3A_56 = vector.extract_strided_slice %max3A_42 {offsets = [0, 128], sizes = [2000, 64], strides = [1, 1]} : vector<2000x256xf32> to vector<2000x64xf32>
    %swap3A_57 = arith.constant 0 : index
    %swap3A_58 = arith.constant 0 : index
    %swap3A_59 = arith.constant 0 : index
    %swap3A_60 = vector.load %arg11[%swap3A_57, %swap3A_58, %swap3A_59] : memref<2x2000x64xf32, #tpu.memory_space<vmem>>, vector<1x2000x64xf32>
    %swap3A_61 = vector.shape_cast %swap3A_60 : vector<1x2000x64xf32> to vector<2000x64xf32>
    %swap3A_62 = vector.shape_cast %slice3A_56 : vector<2000x64xf32> to vector<1x2000x64xf32>
    tpu.vector_store %arg11[%swap3A_57, %swap3A_58, %swap3A_59], %swap3A_62 {strides = array<i32>} : memref<2x2000x64xf32, #tpu.memory_space<vmem>>, vector<1x2000x64xf32>,
    %slice3A_63 = vector.extract_strided_slice %max3A_42 {offsets = [0, 192], sizes = [2000, 64], strides = [1, 1]} : vector<2000x256xf32> to vector<2000x64xf32>
    %swap3A_64 = arith.constant 1 : index
    %swap3A_65 = arith.constant 0 : index
    %swap3A_66 = arith.constant 0 : index
    %swap3A_67 = vector.load %arg11[%swap3A_64, %swap3A_65, %swap3A_66] : memref<2x2000x64xf32, #tpu.memory_space<vmem>>, vector<1x2000x64xf32>
    %swap3A_68 = vector.shape_cast %swap3A_67 : vector<1x2000x64xf32> to vector<2000x64xf32>
    %swap3A_69 = vector.shape_cast %slice3A_63 : vector<2000x64xf32> to vector<1x2000x64xf32>
    tpu.vector_store %arg11[%swap3A_64, %swap3A_65, %swap3A_66], %swap3A_69 {strides = array<i32>} : memref<2x2000x64xf32, #tpu.memory_space<vmem>>, vector<1x2000x64xf32>,
    return
  }
  func.func @transform_0(%arg0: i32) -> (i32, i32) {
    %c0_i32 = arith.constant 0 : i32
    %c0_i32_0 = arith.constant 0 : i32
    return %arg0, %c0_i32 : i32, i32
  }
  func.func @transform_1(%arg0: i32) -> (i32, i32) {
    %c0_i32 = arith.constant 0 : i32
    %c0_i32_0 = arith.constant 0 : i32
    return %arg0, %c0_i32 : i32, i32
  }
  func.func @transform_2(%arg0: i32) -> (i32, i32) {
    %c0_i32 = arith.constant 0 : i32
    %c0_i32_0 = arith.constant 0 : i32
    return %arg0, %c0_i32 : i32, i32
  }
  func.func @transform_3(%arg0: i32) -> (i32, i32) {
    %c0_i32 = arith.constant 0 : i32
    %c0_i32_0 = arith.constant 0 : i32
    return %arg0, %c0_i32 : i32, i32
  }
  func.func @transform_4(%arg0: i32) -> (i32, i32) {
    %c0_i32 = arith.constant 0 : i32
    %c0_i32_0 = arith.constant 0 : i32
    %c0_i32_1 = arith.constant 0 : i32
    return %c0_i32, %c0_i32_0 : i32, i32
  }
  func.func @transform_5(%arg0: i32) -> (i32, i32) {
    %c0_i32 = arith.constant 0 : i32
    %c0_i32_0 = arith.constant 0 : i32
    %c0_i32_1 = arith.constant 0 : i32
    return %c0_i32, %c0_i32_0 : i32, i32
  }
  func.func @transform_6(%arg0: i32) -> (i32, i32) {
    %c0_i32 = arith.constant 0 : i32
    %c0_i32_0 = arith.constant 0 : i32
    %c0_i32_1 = arith.constant 0 : i32
    return %c0_i32, %c0_i32_0 : i32, i32
  }
  func.func @transform_7(%arg0: i32) -> (i32, i32) {
    %c0_i32 = arith.constant 0 : i32
    %c0_i32_0 = arith.constant 0 : i32
    %c0_i32_1 = arith.constant 0 : i32
    return %c0_i32, %c0_i32_0 : i32, i32
  }
  func.func @transform_8(%arg0: i32) -> (i32, i32) {
    %c0_i32 = arith.constant 0 : i32
    %c0_i32_0 = arith.constant 0 : i32
    %c0_i32_1 = arith.constant 0 : i32
    return %c0_i32, %c0_i32_0 : i32, i32
  }
  func.func @transform_9(%arg0: i32) -> (i32, i32, i32) {
    %c0_i32 = arith.constant 0 : i32
    %c0_i32_0 = arith.constant 0 : i32
    %c0_i32_1 = arith.constant 0 : i32
    return %c0_i32, %arg0, %c0_i32_0 : i32, i32, i32
  }
  func.func @transform_10(%arg0: i32) -> (i32, i32, i32) {
    %c0_i32 = arith.constant 0 : i32
    %c0_i32_0 = arith.constant 0 : i32
    %c0_i32_1 = arith.constant 0 : i32
    return %c0_i32, %arg0, %c0_i32_0 : i32, i32, i32
  }
}

module attributes {stable_mosaic.version = 14 : i64} {
  func.func @body(%arg0: i32, %arg1: memref<2000x64xf32, #tpu.memory_space<vmem>>, %arg2: memref<2000x64xf32, #tpu.memory_space<vmem>>, %arg3: memref<2000x64xf32, #tpu.memory_space<vmem>>, %arg4: memref<2000x64xf32, #tpu.memory_space<vmem>>, %arg5: memref<2000x64xf32, #tpu.memory_space<vmem>>, %arg6: memref<2000x64xf32, #tpu.memory_space<vmem>>, %arg7: memref<2000x64xf32, #tpu.memory_space<vmem>>, %arg8: memref<2000x64xf32, #tpu.memory_space<vmem>>, %arg9: memref<2000x16xf32, #tpu.memory_space<vmem>>, %arg10: memref<256x256xf32, #tpu.memory_space<vmem>>, %arg11: memref<1x256xf32, #tpu.memory_space<vmem>>, %arg12: memref<256x256xf32, #tpu.memory_space<vmem>>, %arg13: memref<1x256xf32, #tpu.memory_space<vmem>>, %arg14: memref<1x256xf32, #tpu.memory_space<vmem>>, %arg15: memref<256x128xf32, #tpu.memory_space<vmem>>, %arg16: memref<256x128xf32, #tpu.memory_space<vmem>>, %arg17: memref<2x2000x64xf32, #tpu.memory_space<vmem>>, %arg18: memref<2000x128xf32, #tpu.memory_space<vmem>>) attributes {dimension_semantics = [#tpu.dimension_semantics<arbitrary>], iteration_bounds = array<i64: 5>, scalar_prefetch = 0 : i64, scratch_operands = 0 : i64, tpu.core_type = #tpu.core_type<tc>, window_params = [{transform_indices = @transform_0, window_bounds = array<i64: 2000, 64>}, {transform_indices = @transform_1, window_bounds = array<i64: 2000, 64>}, {transform_indices = @transform_2, window_bounds = array<i64: 2000, 64>}, {transform_indices = @transform_3, window_bounds = array<i64: 2000, 64>}, {transform_indices = @transform_4, window_bounds = array<i64: 2000, 64>}, {transform_indices = @transform_5, window_bounds = array<i64: 2000, 64>}, {transform_indices = @transform_6, window_bounds = array<i64: 2000, 64>}, {transform_indices = @transform_7, window_bounds = array<i64: 2000, 64>}, {transform_indices = @transform_8, window_bounds = array<i64: 2000, 16>}, {pipeline_mode = #tpu.pipeline_mode<synchronous>, transform_indices = @transform_9, window_bounds = array<i64: 256, 256>}, {pipeline_mode = #tpu.pipeline_mode<synchronous>, transform_indices = @transform_10, window_bounds = array<i64: 1, 256>}, {pipeline_mode = #tpu.pipeline_mode<synchronous>, transform_indices = @transform_11, window_bounds = array<i64: 256, 256>}, {pipeline_mode = #tpu.pipeline_mode<synchronous>, transform_indices = @transform_12, window_bounds = array<i64: 1, 256>}, {pipeline_mode = #tpu.pipeline_mode<synchronous>, transform_indices = @transform_13, window_bounds = array<i64: 1, 256>}, {pipeline_mode = #tpu.pipeline_mode<synchronous>, transform_indices = @transform_14, window_bounds = array<i64: 256, 128>}, {pipeline_mode = #tpu.pipeline_mode<synchronous>, transform_indices = @transform_15, window_bounds = array<i64: 256, 128>}, {transform_indices = @transform_16, window_bounds = array<i64: 2, 2000, 64>}, {transform_indices = @transform_17, window_bounds = array<i64: 2000, 128>}]} {
    %get3A = arith.constant 0 : index
    %get3A_0 = arith.constant 0 : index
    %get3A_1 = vector.load %arg9[%get3A, %get3A_0] : memref<2000x16xf32, #tpu.memory_space<vmem>>, vector<2000x16xf32>
    %slice3A = vector.extract_strided_slice %get3A_1 {offsets = [0, 0], sizes = [2000, 1], strides = [1, 1]} : vector<2000x16xf32> to vector<2000x1xf32>
    %max3A = arith.constant 1.000000e+00 : f32
    %max3A_2 = vector.broadcast %max3A : f32 to vector<2000x1xf32>
    %max3A_3 = arith.maximumf %slice3A, %max3A_2 : vector<2000x1xf32>
    %get3A_4 = arith.constant 0 : index
    %get3A_5 = arith.constant 0 : index
    %get3A_6 = vector.load %arg5[%get3A_4, %get3A_5] : memref<2000x64xf32, #tpu.memory_space<vmem>>, vector<2000x64xf32>
    %get3A_7 = arith.constant 0 : index
    %get3A_8 = arith.constant 0 : index
    %get3A_9 = vector.load %arg6[%get3A_7, %get3A_8] : memref<2000x64xf32, #tpu.memory_space<vmem>>, vector<2000x64xf32>
    %get3A_10 = arith.constant 0 : index
    %get3A_11 = arith.constant 0 : index
    %get3A_12 = vector.load %arg7[%get3A_10, %get3A_11] : memref<2000x64xf32, #tpu.memory_space<vmem>>, vector<2000x64xf32>
    %get3A_13 = arith.constant 0 : index
    %get3A_14 = arith.constant 0 : index
    %get3A_15 = vector.load %arg8[%get3A_13, %get3A_14] : memref<2000x64xf32, #tpu.memory_space<vmem>>, vector<2000x64xf32>
    %concatenate3A = tpu.concatenate %get3A_6, %get3A_9, %get3A_12, %get3A_15 in 1 : vector<2000x64xf32>, vector<2000x64xf32>, vector<2000x64xf32>, vector<2000x64xf32> -> vector<2000x256xf32>
    %div3A = vector.broadcast %max3A_3 : vector<2000x1xf32> to vector<2000x256xf32>
    %div3A_16 = arith.divf %concatenate3A, %div3A : vector<2000x256xf32>
    %get3A_17 = arith.constant 0 : index
    %get3A_18 = arith.constant 0 : index
    %get3A_19 = vector.load %arg1[%get3A_17, %get3A_18] : memref<2000x64xf32, #tpu.memory_space<vmem>>, vector<2000x64xf32>
    %get3A_20 = arith.constant 0 : index
    %get3A_21 = arith.constant 0 : index
    %get3A_22 = vector.load %arg2[%get3A_20, %get3A_21] : memref<2000x64xf32, #tpu.memory_space<vmem>>, vector<2000x64xf32>
    %get3A_23 = arith.constant 0 : index
    %get3A_24 = arith.constant 0 : index
    %get3A_25 = vector.load %arg3[%get3A_23, %get3A_24] : memref<2000x64xf32, #tpu.memory_space<vmem>>, vector<2000x64xf32>
    %get3A_26 = arith.constant 0 : index
    %get3A_27 = arith.constant 0 : index
    %get3A_28 = vector.load %arg4[%get3A_26, %get3A_27] : memref<2000x64xf32, #tpu.memory_space<vmem>>, vector<2000x64xf32>
    %concatenate3A_29 = tpu.concatenate %get3A_19, %get3A_22, %get3A_25, %get3A_28 in 1 : vector<2000x64xf32>, vector<2000x64xf32>, vector<2000x64xf32>, vector<2000x64xf32> -> vector<2000x256xf32>
    %get3A_30 = arith.constant 0 : index
    %get3A_31 = arith.constant 0 : index
    %get3A_32 = vector.load %arg10[%get3A_30, %get3A_31] : memref<256x256xf32, #tpu.memory_space<vmem>>, vector<256x256xf32>
    %dot_general3A = arith.constant dense<0.000000e+00> : vector<2000x256xf32>
    %dot_general3A_33 = tpu.matmul %div3A_16, %get3A_32, %dot_general3A {dimension_numbers = #tpu.dot_dimension_numbers<[1], [0], [0], [1], [0, 0, 1, 1], [], []>, transpose_lhs_hint = false} : vector<2000x256xf32>, vector<256x256xf32>, vector<2000x256xf32> -> vector<2000x256xf32>
    %get3A_34 = arith.constant 0 : index
    %get3A_35 = arith.constant 0 : index
    %get3A_36 = vector.load %arg12[%get3A_34, %get3A_35] : memref<256x256xf32, #tpu.memory_space<vmem>>, vector<256x256xf32>
    %dot_general3A_37 = arith.constant dense<0.000000e+00> : vector<2000x256xf32>
    %dot_general3A_38 = tpu.matmul %concatenate3A_29, %get3A_36, %dot_general3A_37 {dimension_numbers = #tpu.dot_dimension_numbers<[1], [0], [0], [1], [0, 0, 1, 1], [], []>, transpose_lhs_hint = false} : vector<2000x256xf32>, vector<256x256xf32>, vector<2000x256xf32> -> vector<2000x256xf32>
    %add3A = arith.addf %dot_general3A_33, %dot_general3A_38 : vector<2000x256xf32>
    %get3A_39 = arith.constant 0 : index
    %get3A_40 = arith.constant 0 : index
    %get3A_41 = vector.load %arg11[%get3A_39, %get3A_40] : memref<1x256xf32, #tpu.memory_space<vmem>>, vector<1x256xf32>
    %add3A_42 = vector.broadcast %get3A_41 : vector<1x256xf32> to vector<2000x256xf32>
    %add3A_43 = arith.addf %add3A, %add3A_42 : vector<2000x256xf32>
    %get3A_44 = arith.constant 0 : index
    %get3A_45 = arith.constant 0 : index
    %get3A_46 = vector.load %arg13[%get3A_44, %get3A_45] : memref<1x256xf32, #tpu.memory_space<vmem>>, vector<1x256xf32>
    %mul3A = arith.constant 0.999994993 : f32
    %mul3A_47 = vector.broadcast %mul3A : f32 to vector<1x256xf32>
    %mul3A_48 = arith.mulf %get3A_46, %mul3A_47 : vector<1x256xf32>
    %mul3A_49 = vector.broadcast %mul3A_48 : vector<1x256xf32> to vector<2000x256xf32>
    %mul3A_50 = arith.mulf %add3A_43, %mul3A_49 : vector<2000x256xf32>
    %get3A_51 = arith.constant 0 : index
    %get3A_52 = arith.constant 0 : index
    %get3A_53 = vector.load %arg14[%get3A_51, %get3A_52] : memref<1x256xf32, #tpu.memory_space<vmem>>, vector<1x256xf32>
    %add3A_54 = vector.broadcast %get3A_53 : vector<1x256xf32> to vector<2000x256xf32>
    %add3A_55 = arith.addf %mul3A_50, %add3A_54 : vector<2000x256xf32>
    %max3A_56 = arith.constant 0.000000e+00 : f32
    %max3A_57 = vector.broadcast %max3A_56 : f32 to vector<2000x256xf32>
    %max3A_58 = arith.maximumf %add3A_55, %max3A_57 : vector<2000x256xf32>
    %get3A_59 = arith.constant 0 : index
    %get3A_60 = arith.constant 0 : index
    %get3A_61 = vector.load %arg15[%get3A_59, %get3A_60] : memref<256x128xf32, #tpu.memory_space<vmem>>, vector<256x128xf32>
    %dot_general3A_62 = arith.constant dense<0.000000e+00> : vector<2000x128xf32>
    %dot_general3A_63 = tpu.matmul %max3A_58, %get3A_61, %dot_general3A_62 {dimension_numbers = #tpu.dot_dimension_numbers<[1], [0], [0], [1], [0, 0, 1, 1], [], []>, transpose_lhs_hint = false} : vector<2000x256xf32>, vector<256x128xf32>, vector<2000x128xf32> -> vector<2000x128xf32>
    %slice3A_64 = vector.extract_strided_slice %dot_general3A_63 {offsets = [0, 0], sizes = [2000, 64], strides = [1, 1]} : vector<2000x128xf32> to vector<2000x64xf32>
    %swap3A = arith.constant 0 : index
    %swap3A_65 = arith.constant 0 : index
    %swap3A_66 = arith.constant 0 : index
    %swap3A_67 = vector.load %arg17[%swap3A, %swap3A_65, %swap3A_66] : memref<2x2000x64xf32, #tpu.memory_space<vmem>>, vector<1x2000x64xf32>
    %swap3A_68 = vector.shape_cast %swap3A_67 : vector<1x2000x64xf32> to vector<2000x64xf32>
    %swap3A_69 = vector.shape_cast %slice3A_64 : vector<2000x64xf32> to vector<1x2000x64xf32>
    tpu.vector_store %arg17[%swap3A, %swap3A_65, %swap3A_66], %swap3A_69 {strides = array<i32>} : memref<2x2000x64xf32, #tpu.memory_space<vmem>>, vector<1x2000x64xf32>,
    %slice3A_70 = vector.extract_strided_slice %dot_general3A_63 {offsets = [0, 64], sizes = [2000, 64], strides = [1, 1]} : vector<2000x128xf32> to vector<2000x64xf32>
    %swap3A_71 = arith.constant 1 : index
    %swap3A_72 = arith.constant 0 : index
    %swap3A_73 = arith.constant 0 : index
    %swap3A_74 = vector.load %arg17[%swap3A_71, %swap3A_72, %swap3A_73] : memref<2x2000x64xf32, #tpu.memory_space<vmem>>, vector<1x2000x64xf32>
    %swap3A_75 = vector.shape_cast %swap3A_74 : vector<1x2000x64xf32> to vector<2000x64xf32>
    %swap3A_76 = vector.shape_cast %slice3A_70 : vector<2000x64xf32> to vector<1x2000x64xf32>
    tpu.vector_store %arg17[%swap3A_71, %swap3A_72, %swap3A_73], %swap3A_76 {strides = array<i32>} : memref<2x2000x64xf32, #tpu.memory_space<vmem>>, vector<1x2000x64xf32>,
    %get3A_77 = arith.constant 0 : index
    %get3A_78 = arith.constant 0 : index
    %get3A_79 = vector.load %arg16[%get3A_77, %get3A_78] : memref<256x128xf32, #tpu.memory_space<vmem>>, vector<256x128xf32>
    %dot_general3A_80 = arith.constant dense<0.000000e+00> : vector<2000x128xf32>
    %dot_general3A_81 = tpu.matmul %max3A_58, %get3A_79, %dot_general3A_80 {dimension_numbers = #tpu.dot_dimension_numbers<[1], [0], [0], [1], [0, 0, 1, 1], [], []>, transpose_lhs_hint = false} : vector<2000x256xf32>, vector<256x128xf32>, vector<2000x128xf32> -> vector<2000x128xf32>
    %swap3A_82 = arith.constant 0 : index
    %swap3A_83 = arith.constant 0 : index
    %swap3A_84 = vector.load %arg18[%swap3A_82, %swap3A_83] : memref<2000x128xf32, #tpu.memory_space<vmem>>, vector<2000x128xf32>
    tpu.vector_store %arg18[%swap3A_82, %swap3A_83], %dot_general3A_81 {strides = array<i32>} : memref<2000x128xf32, #tpu.memory_space<vmem>>, vector<2000x128xf32>,
    return
  }
  func.func @transform_0(%arg0: i32) -> (i32, i32) {
    %c0_i32 = arith.constant 0 : i32
    %c0_i32_0 = arith.constant 0 : i32
    return %arg0, %c0_i32 : i32, i32
  }
  func.func @transform_1(%arg0: i32) -> (i32, i32) {
    %c0_i32 = arith.constant 0 : i32
    %c0_i32_0 = arith.constant 0 : i32
    return %arg0, %c0_i32 : i32, i32
  }
  func.func @transform_2(%arg0: i32) -> (i32, i32) {
    %c0_i32 = arith.constant 0 : i32
    %c0_i32_0 = arith.constant 0 : i32
    return %arg0, %c0_i32 : i32, i32
  }
  func.func @transform_3(%arg0: i32) -> (i32, i32) {
    %c0_i32 = arith.constant 0 : i32
    %c0_i32_0 = arith.constant 0 : i32
    return %arg0, %c0_i32 : i32, i32
  }
  func.func @transform_4(%arg0: i32) -> (i32, i32) {
    %c0_i32 = arith.constant 0 : i32
    %c0_i32_0 = arith.constant 0 : i32
    return %arg0, %c0_i32 : i32, i32
  }
  func.func @transform_5(%arg0: i32) -> (i32, i32) {
    %c0_i32 = arith.constant 0 : i32
    %c0_i32_0 = arith.constant 0 : i32
    return %arg0, %c0_i32 : i32, i32
  }
  func.func @transform_6(%arg0: i32) -> (i32, i32) {
    %c0_i32 = arith.constant 0 : i32
    %c0_i32_0 = arith.constant 0 : i32
    return %arg0, %c0_i32 : i32, i32
  }
  func.func @transform_7(%arg0: i32) -> (i32, i32) {
    %c0_i32 = arith.constant 0 : i32
    %c0_i32_0 = arith.constant 0 : i32
    return %arg0, %c0_i32 : i32, i32
  }
  func.func @transform_8(%arg0: i32) -> (i32, i32) {
    %c0_i32 = arith.constant 0 : i32
    %c0_i32_0 = arith.constant 0 : i32
    return %arg0, %c0_i32 : i32, i32
  }
  func.func @transform_9(%arg0: i32) -> (i32, i32) {
    %c0_i32 = arith.constant 0 : i32
    %c0_i32_0 = arith.constant 0 : i32
    %c0_i32_1 = arith.constant 0 : i32
    return %c0_i32, %c0_i32_0 : i32, i32
  }
  func.func @transform_10(%arg0: i32) -> (i32, i32) {
    %c0_i32 = arith.constant 0 : i32
    %c0_i32_0 = arith.constant 0 : i32
    %c0_i32_1 = arith.constant 0 : i32
    return %c0_i32, %c0_i32_0 : i32, i32
  }
  func.func @transform_11(%arg0: i32) -> (i32, i32) {
    %c0_i32 = arith.constant 0 : i32
    %c0_i32_0 = arith.constant 0 : i32
    %c0_i32_1 = arith.constant 0 : i32
    return %c0_i32, %c0_i32_0 : i32, i32
  }
  func.func @transform_12(%arg0: i32) -> (i32, i32) {
    %c0_i32 = arith.constant 0 : i32
    %c0_i32_0 = arith.constant 0 : i32
    %c0_i32_1 = arith.constant 0 : i32
    return %c0_i32, %c0_i32_0 : i32, i32
  }
  func.func @transform_13(%arg0: i32) -> (i32, i32) {
    %c0_i32 = arith.constant 0 : i32
    %c0_i32_0 = arith.constant 0 : i32
    %c0_i32_1 = arith.constant 0 : i32
    return %c0_i32, %c0_i32_0 : i32, i32
  }
  func.func @transform_14(%arg0: i32) -> (i32, i32) {
    %c0_i32 = arith.constant 0 : i32
    %c0_i32_0 = arith.constant 0 : i32
    %c0_i32_1 = arith.constant 0 : i32
    return %c0_i32, %c0_i32_0 : i32, i32
  }
  func.func @transform_15(%arg0: i32) -> (i32, i32) {
    %c0_i32 = arith.constant 0 : i32
    %c0_i32_0 = arith.constant 0 : i32
    %c0_i32_1 = arith.constant 0 : i32
    return %c0_i32, %c0_i32_0 : i32, i32
  }
  func.func @transform_16(%arg0: i32) -> (i32, i32, i32) {
    %c0_i32 = arith.constant 0 : i32
    %c0_i32_0 = arith.constant 0 : i32
    %c0_i32_1 = arith.constant 0 : i32
    return %c0_i32, %arg0, %c0_i32_0 : i32, i32, i32
  }
  func.func @transform_17(%arg0: i32) -> (i32, i32) {
    %c0_i32 = arith.constant 0 : i32
    %c0_i32_0 = arith.constant 0 : i32
    return %arg0, %c0_i32 : i32, i32
  }
}

module attributes {stable_mosaic.version = 14 : i64} {
  func.func @body(%arg0: i32, %arg1: memref<2000x64xf32, #tpu.memory_space<vmem>>, %arg2: memref<2000x64xf32, #tpu.memory_space<vmem>>, %arg3: memref<2000x16xf32, #tpu.memory_space<vmem>>, %arg4: memref<2000x128xf32, #tpu.memory_space<vmem>>, %arg5: memref<1x128xf32, #tpu.memory_space<vmem>>, %arg6: memref<128x128xf32, #tpu.memory_space<vmem>>, %arg7: memref<1x128xf32, #tpu.memory_space<vmem>>, %arg8: memref<128x4xf32, #tpu.memory_space<vmem>>, %arg9: memref<1x4xf32, #tpu.memory_space<vmem>>, %arg10: memref<128x128xf32, #tpu.memory_space<vmem>>, %arg11: memref<128x128xf32, #tpu.memory_space<vmem>>, %arg12: memref<1x128xf32, #tpu.memory_space<vmem>>, %arg13: memref<2000x128xf32, #tpu.memory_space<vmem>>, %arg14: memref<2000x4xf32, #tpu.memory_space<vmem>>, %arg15: memref<2000x128xf32, #tpu.memory_space<vmem>>, %arg16: memref<2000x128xf32, #tpu.memory_space<vmem>>) attributes {dimension_semantics = [#tpu.dimension_semantics<arbitrary>], iteration_bounds = array<i64: 5>, scalar_prefetch = 0 : i64, scratch_operands = 0 : i64, tpu.core_type = #tpu.core_type<tc>, window_params = [{transform_indices = @transform_0, window_bounds = array<i64: 2000, 64>}, {transform_indices = @transform_1, window_bounds = array<i64: 2000, 64>}, {transform_indices = @transform_2, window_bounds = array<i64: 2000, 16>}, {transform_indices = @transform_3, window_bounds = array<i64: 2000, 128>}, {pipeline_mode = #tpu.pipeline_mode<synchronous>, transform_indices = @transform_4, window_bounds = array<i64: 1, 128>}, {pipeline_mode = #tpu.pipeline_mode<synchronous>, transform_indices = @transform_5, window_bounds = array<i64: 128, 128>}, {pipeline_mode = #tpu.pipeline_mode<synchronous>, transform_indices = @transform_6, window_bounds = array<i64: 1, 128>}, {pipeline_mode = #tpu.pipeline_mode<synchronous>, transform_indices = @transform_7, window_bounds = array<i64: 128, 4>}, {pipeline_mode = #tpu.pipeline_mode<synchronous>, transform_indices = @transform_8, window_bounds = array<i64: 1, 4>}, {pipeline_mode = #tpu.pipeline_mode<synchronous>, transform_indices = @transform_9, window_bounds = array<i64: 128, 128>}, {pipeline_mode = #tpu.pipeline_mode<synchronous>, transform_indices = @transform_10, window_bounds = array<i64: 128, 128>}, {pipeline_mode = #tpu.pipeline_mode<synchronous>, transform_indices = @transform_11, window_bounds = array<i64: 1, 128>}, {transform_indices = @transform_12, window_bounds = array<i64: 2000, 128>}, {transform_indices = @transform_13, window_bounds = array<i64: 2000, 4>}, {transform_indices = @transform_14, window_bounds = array<i64: 2000, 128>}, {transform_indices = @transform_15, window_bounds = array<i64: 2000, 128>}]} {
    %get3A = arith.constant 0 : index
    %get3A_0 = arith.constant 0 : index
    %get3A_1 = vector.load %arg1[%get3A, %get3A_0] : memref<2000x64xf32, #tpu.memory_space<vmem>>, vector<2000x64xf32>
    %get3A_2 = arith.constant 0 : index
    %get3A_3 = arith.constant 0 : index
    %get3A_4 = vector.load %arg2[%get3A_2, %get3A_3] : memref<2000x64xf32, #tpu.memory_space<vmem>>, vector<2000x64xf32>
    %concatenate3A = tpu.concatenate %get3A_1, %get3A_4 in 1 : vector<2000x64xf32>, vector<2000x64xf32> -> vector<2000x128xf32>
    %get3A_5 = arith.constant 0 : index
    %get3A_6 = arith.constant 0 : index
    %get3A_7 = vector.load %arg3[%get3A_5, %get3A_6] : memref<2000x16xf32, #tpu.memory_space<vmem>>, vector<2000x16xf32>
    %slice3A = vector.extract_strided_slice %get3A_7 {offsets = [0, 0], sizes = [2000, 1], strides = [1, 1]} : vector<2000x16xf32> to vector<2000x1xf32>
    %max3A = arith.constant 1.000000e+00 : f32
    %max3A_8 = vector.broadcast %max3A : f32 to vector<2000x1xf32>
    %max3A_9 = arith.maximumf %slice3A, %max3A_8 : vector<2000x1xf32>
    %div3A = vector.broadcast %max3A_9 : vector<2000x1xf32> to vector<2000x128xf32>
    %div3A_10 = arith.divf %concatenate3A, %div3A : vector<2000x128xf32>
    %get3A_11 = arith.constant 0 : index
    %get3A_12 = arith.constant 0 : index
    %get3A_13 = vector.load %arg5[%get3A_11, %get3A_12] : memref<1x128xf32, #tpu.memory_space<vmem>>, vector<1x128xf32>
    %add3A = vector.broadcast %get3A_13 : vector<1x128xf32> to vector<2000x128xf32>
    %add3A_14 = arith.addf %div3A_10, %add3A : vector<2000x128xf32>
    %get3A_15 = arith.constant 0 : index
    %get3A_16 = arith.constant 0 : index
    %get3A_17 = vector.load %arg4[%get3A_15, %get3A_16] : memref<2000x128xf32, #tpu.memory_space<vmem>>, vector<2000x128xf32>
    %add3A_18 = arith.addf %add3A_14, %get3A_17 : vector<2000x128xf32>
    %swap3A = arith.constant 0 : index
    %swap3A_19 = arith.constant 0 : index
    %swap3A_20 = vector.load %arg13[%swap3A, %swap3A_19] : memref<2000x128xf32, #tpu.memory_space<vmem>>, vector<2000x128xf32>
    tpu.vector_store %arg13[%swap3A, %swap3A_19], %add3A_18 {strides = array<i32>} : memref<2000x128xf32, #tpu.memory_space<vmem>>, vector<2000x128xf32>,
    %get3A_21 = arith.constant 0 : index
    %get3A_22 = arith.constant 0 : index
    %get3A_23 = vector.load %arg6[%get3A_21, %get3A_22] : memref<128x128xf32, #tpu.memory_space<vmem>>, vector<128x128xf32>
    %dot_general3A = arith.constant dense<0.000000e+00> : vector<2000x128xf32>
    %dot_general3A_24 = tpu.matmul %add3A_18, %get3A_23, %dot_general3A {dimension_numbers = #tpu.dot_dimension_numbers<[1], [0], [0], [1], [0, 0, 1, 1], [], []>, transpose_lhs_hint = false} : vector<2000x128xf32>, vector<128x128xf32>, vector<2000x128xf32> -> vector<2000x128xf32>
    %get3A_25 = arith.constant 0 : index
    %get3A_26 = arith.constant 0 : index
    %get3A_27 = vector.load %arg7[%get3A_25, %get3A_26] : memref<1x128xf32, #tpu.memory_space<vmem>>, vector<1x128xf32>
    %add3A_28 = vector.broadcast %get3A_27 : vector<1x128xf32> to vector<2000x128xf32>
    %add3A_29 = arith.addf %dot_general3A_24, %add3A_28 : vector<2000x128xf32>
    %max3A_30 = arith.constant 0.000000e+00 : f32
    %max3A_31 = vector.broadcast %max3A_30 : f32 to vector<2000x128xf32>
    %max3A_32 = arith.maximumf %add3A_29, %max3A_31 : vector<2000x128xf32>
    %get3A_33 = arith.constant 0 : index
    %get3A_34 = arith.constant 0 : index
    %get3A_35 = vector.load %arg8[%get3A_33, %get3A_34] : memref<128x4xf32, #tpu.memory_space<vmem>>, vector<128x4xf32>
    %dot_general3A_36 = arith.constant dense<0.000000e+00> : vector<2000x4xf32>
    %dot_general3A_37 = tpu.matmul %max3A_32, %get3A_35, %dot_general3A_36 {dimension_numbers = #tpu.dot_dimension_numbers<[1], [0], [0], [1], [0, 0, 1, 1], [], []>, transpose_lhs_hint = false} : vector<2000x128xf32>, vector<128x4xf32>, vector<2000x4xf32> -> vector<2000x4xf32>
    %get3A_38 = arith.constant 0 : index
    %get3A_39 = arith.constant 0 : index
    %get3A_40 = vector.load %arg9[%get3A_38, %get3A_39] : memref<1x4xf32, #tpu.memory_space<vmem>>, vector<1x4xf32>
    %add3A_41 = vector.broadcast %get3A_40 : vector<1x4xf32> to vector<2000x4xf32>
    %add3A_42 = arith.addf %dot_general3A_37, %add3A_41 : vector<2000x4xf32>
    %swap3A_43 = arith.constant 0 : index
    %swap3A_44 = arith.constant 0 : index
    %swap3A_45 = vector.load %arg14[%swap3A_43, %swap3A_44] : memref<2000x4xf32, #tpu.memory_space<vmem>>, vector<2000x4xf32>
    tpu.vector_store %arg14[%swap3A_43, %swap3A_44], %add3A_42 {strides = array<i32>} : memref<2000x4xf32, #tpu.memory_space<vmem>>, vector<2000x4xf32>,
    %get3A_46 = arith.constant 0 : index
    %get3A_47 = arith.constant 0 : index
    %get3A_48 = vector.load %arg10[%get3A_46, %get3A_47] : memref<128x128xf32, #tpu.memory_space<vmem>>, vector<128x128xf32>
    %dot_general3A_49 = arith.constant dense<0.000000e+00> : vector<2000x128xf32>
    %dot_general3A_50 = tpu.matmul %add3A_18, %get3A_48, %dot_general3A_49 {dimension_numbers = #tpu.dot_dimension_numbers<[1], [0], [0], [1], [0, 0, 1, 1], [], []>, transpose_lhs_hint = false} : vector<2000x128xf32>, vector<128x128xf32>, vector<2000x128xf32> -> vector<2000x128xf32>
    %get3A_51 = arith.constant 0 : index
    %get3A_52 = arith.constant 0 : index
    %get3A_53 = vector.load %arg12[%get3A_51, %get3A_52] : memref<1x128xf32, #tpu.memory_space<vmem>>, vector<1x128xf32>
    %add3A_54 = vector.broadcast %get3A_53 : vector<1x128xf32> to vector<2000x128xf32>
    %add3A_55 = arith.addf %dot_general3A_50, %add3A_54 : vector<2000x128xf32>
    %swap3A_56 = arith.constant 0 : index
    %swap3A_57 = arith.constant 0 : index
    %swap3A_58 = vector.load %arg15[%swap3A_56, %swap3A_57] : memref<2000x128xf32, #tpu.memory_space<vmem>>, vector<2000x128xf32>
    tpu.vector_store %arg15[%swap3A_56, %swap3A_57], %add3A_55 {strides = array<i32>} : memref<2000x128xf32, #tpu.memory_space<vmem>>, vector<2000x128xf32>,
    %get3A_59 = arith.constant 0 : index
    %get3A_60 = arith.constant 0 : index
    %get3A_61 = vector.load %arg11[%get3A_59, %get3A_60] : memref<128x128xf32, #tpu.memory_space<vmem>>, vector<128x128xf32>
    %dot_general3A_62 = arith.constant dense<0.000000e+00> : vector<2000x128xf32>
    %dot_general3A_63 = tpu.matmul %add3A_18, %get3A_61, %dot_general3A_62 {dimension_numbers = #tpu.dot_dimension_numbers<[1], [0], [0], [1], [0, 0, 1, 1], [], []>, transpose_lhs_hint = false} : vector<2000x128xf32>, vector<128x128xf32>, vector<2000x128xf32> -> vector<2000x128xf32>
    %swap3A_64 = arith.constant 0 : index
    %swap3A_65 = arith.constant 0 : index
    %swap3A_66 = vector.load %arg16[%swap3A_64, %swap3A_65] : memref<2000x128xf32, #tpu.memory_space<vmem>>, vector<2000x128xf32>
    tpu.vector_store %arg16[%swap3A_64, %swap3A_65], %dot_general3A_63 {strides = array<i32>} : memref<2000x128xf32, #tpu.memory_space<vmem>>, vector<2000x128xf32>,
    return
  }
  func.func @transform_0(%arg0: i32) -> (i32, i32) {
    %c0_i32 = arith.constant 0 : i32
    %c0_i32_0 = arith.constant 0 : i32
    return %arg0, %c0_i32 : i32, i32
  }
  func.func @transform_1(%arg0: i32) -> (i32, i32) {
    %c0_i32 = arith.constant 0 : i32
    %c0_i32_0 = arith.constant 0 : i32
    return %arg0, %c0_i32 : i32, i32
  }
  func.func @transform_2(%arg0: i32) -> (i32, i32) {
    %c0_i32 = arith.constant 0 : i32
    %c0_i32_0 = arith.constant 0 : i32
    return %arg0, %c0_i32 : i32, i32
  }
  func.func @transform_3(%arg0: i32) -> (i32, i32) {
    %c0_i32 = arith.constant 0 : i32
    %c0_i32_0 = arith.constant 0 : i32
    return %arg0, %c0_i32 : i32, i32
  }
  func.func @transform_4(%arg0: i32) -> (i32, i32) {
    %c0_i32 = arith.constant 0 : i32
    %c0_i32_0 = arith.constant 0 : i32
    %c0_i32_1 = arith.constant 0 : i32
    return %c0_i32, %c0_i32_0 : i32, i32
  }
  func.func @transform_5(%arg0: i32) -> (i32, i32) {
    %c0_i32 = arith.constant 0 : i32
    %c0_i32_0 = arith.constant 0 : i32
    %c0_i32_1 = arith.constant 0 : i32
    return %c0_i32, %c0_i32_0 : i32, i32
  }
  func.func @transform_6(%arg0: i32) -> (i32, i32) {
    %c0_i32 = arith.constant 0 : i32
    %c0_i32_0 = arith.constant 0 : i32
    %c0_i32_1 = arith.constant 0 : i32
    return %c0_i32, %c0_i32_0 : i32, i32
  }
  func.func @transform_7(%arg0: i32) -> (i32, i32) {
    %c0_i32 = arith.constant 0 : i32
    %c0_i32_0 = arith.constant 0 : i32
    %c0_i32_1 = arith.constant 0 : i32
    return %c0_i32, %c0_i32_0 : i32, i32
  }
  func.func @transform_8(%arg0: i32) -> (i32, i32) {
    %c0_i32 = arith.constant 0 : i32
    %c0_i32_0 = arith.constant 0 : i32
    %c0_i32_1 = arith.constant 0 : i32
    return %c0_i32, %c0_i32_0 : i32, i32
  }
  func.func @transform_9(%arg0: i32) -> (i32, i32) {
    %c0_i32 = arith.constant 0 : i32
    %c0_i32_0 = arith.constant 0 : i32
    %c0_i32_1 = arith.constant 0 : i32
    return %c0_i32, %c0_i32_0 : i32, i32
  }
  func.func @transform_10(%arg0: i32) -> (i32, i32) {
    %c0_i32 = arith.constant 0 : i32
    %c0_i32_0 = arith.constant 0 : i32
    %c0_i32_1 = arith.constant 0 : i32
    return %c0_i32, %c0_i32_0 : i32, i32
  }
  func.func @transform_11(%arg0: i32) -> (i32, i32) {
    %c0_i32 = arith.constant 0 : i32
    %c0_i32_0 = arith.constant 0 : i32
    %c0_i32_1 = arith.constant 0 : i32
    return %c0_i32, %c0_i32_0 : i32, i32
  }
  func.func @transform_12(%arg0: i32) -> (i32, i32) {
    %c0_i32 = arith.constant 0 : i32
    %c0_i32_0 = arith.constant 0 : i32
    return %arg0, %c0_i32 : i32, i32
  }
  func.func @transform_13(%arg0: i32) -> (i32, i32) {
    %c0_i32 = arith.constant 0 : i32
    %c0_i32_0 = arith.constant 0 : i32
    return %arg0, %c0_i32 : i32, i32
  }
  func.func @transform_14(%arg0: i32) -> (i32, i32) {
    %c0_i32 = arith.constant 0 : i32
    %c0_i32_0 = arith.constant 0 : i32
    return %arg0, %c0_i32 : i32, i32
  }
  func.func @transform_15(%arg0: i32) -> (i32, i32) {
    %c0_i32 = arith.constant 0 : i32
    %c0_i32_0 = arith.constant 0 : i32
    return %arg0, %c0_i32 : i32, i32
  }
}

module attributes {stable_mosaic.version = 14 : i64} {
  func.func @body(%arg0: i32, %arg1: memref<8192x128xf32, #tpu.memory_space<vmem>>, %arg2: memref<8192x128xf32, #tpu.memory_space<vmem>>, %arg3: memref<1x128xf32, #tpu.memory_space<vmem>>, %arg4: memref<1x1xf32, #tpu.memory_space<vmem>>, %arg5: memref<64x128xf32, #tpu.memory_space<vmem>>) attributes {dimension_semantics = [#tpu.dimension_semantics<arbitrary>], iteration_bounds = array<i64: 16>, scalar_prefetch = 0 : i64, scratch_operands = 0 : i64, tpu.core_type = #tpu.core_type<tc>, window_params = [{transform_indices = @transform_0, window_bounds = array<i64: 8192, 128>}, {transform_indices = @transform_1, window_bounds = array<i64: 8192, 128>}, {pipeline_mode = #tpu.pipeline_mode<synchronous>, transform_indices = @transform_2, window_bounds = array<i64: 1, 128>}, {pipeline_mode = #tpu.pipeline_mode<synchronous>, transform_indices = @transform_3, window_bounds = array<i64: 1, 1>}, {transform_indices = @transform_4, window_bounds = array<i64: 64, 128>}]} {
    %get3A = arith.constant 0 : index
    %get3A_0 = arith.constant 0 : index
    %get3A_1 = vector.load %arg1[%get3A, %get3A_0] : memref<8192x128xf32, #tpu.memory_space<vmem>>, vector<8192x128xf32>
    %get3A_2 = arith.constant 0 : index
    %get3A_3 = arith.constant 0 : index
    %get3A_4 = vector.load %arg2[%get3A_2, %get3A_3] : memref<8192x128xf32, #tpu.memory_space<vmem>>, vector<8192x128xf32>
    %add3A = arith.addf %get3A_1, %get3A_4 : vector<8192x128xf32>
    %max3A = arith.constant 0.000000e+00 : f32
    %max3A_5 = vector.broadcast %max3A : f32 to vector<8192x128xf32>
    %max3A_6 = arith.maximumf %add3A, %max3A_5 : vector<8192x128xf32>
    %get3A_7 = arith.constant 0 : index
    %get3A_8 = arith.constant 0 : index
    %get3A_9 = vector.load %arg3[%get3A_7, %get3A_8] : memref<1x128xf32, #tpu.memory_space<vmem>>, vector<1x128xf32>
    %mul3A = vector.broadcast %get3A_9 : vector<1x128xf32> to vector<8192x128xf32>
    %mul3A_10 = arith.mulf %max3A_6, %mul3A : vector<8192x128xf32>
    %reduce_sum3A = arith.constant dense<0.000000e+00> : vector<8192xf32>
    %reduce_sum3A_11 = vector.multi_reduction <add>, %mul3A_10, %reduce_sum3A [1] : vector<8192x128xf32> to vector<8192xf32>
    %get3A_12 = arith.constant 0 : index
    %get3A_13 = arith.constant 0 : index
    %get3A_14 = vector.load %arg4[%get3A_12, %get3A_13] : memref<1x1xf32, #tpu.memory_space<vmem>>, vector<1x1xf32>
    %get3A_15 = vector.extract %get3A_14[0, 0] : f32 from vector<1x1xf32>
    %add3A_16 = vector.broadcast %get3A_15 : f32 to vector<8192xf32>
    %add3A_17 = arith.addf %reduce_sum3A_11, %add3A_16 : vector<8192xf32>
    %logistic3A = arith.negf %add3A_17 : vector<8192xf32>
    %logistic3A_18 = math.exp %logistic3A : vector<8192xf32>
    %logistic3A_19 = arith.constant 1.000000e+00 : f32
    %logistic3A_20 = vector.broadcast %logistic3A_19 : f32 to vector<8192xf32>
    %logistic3A_21 = arith.addf %logistic3A_20, %logistic3A_18 : vector<8192xf32>
    %logistic3A_22 = arith.divf %logistic3A_20, %logistic3A_21 : vector<8192xf32>
    %reshape3A = vector.shape_cast %logistic3A_22 : vector<8192xf32> to vector<64x128xf32>
    %swap3A = arith.constant 0 : index
    %swap3A_23 = arith.constant 0 : index
    %swap3A_24 = vector.load %arg5[%swap3A, %swap3A_23] : memref<64x128xf32, #tpu.memory_space<vmem>>, vector<64x128xf32>
    tpu.vector_store %arg5[%swap3A, %swap3A_23], %reshape3A {strides = array<i32>} : memref<64x128xf32, #tpu.memory_space<vmem>>, vector<64x128xf32>,
    return
  }
  func.func @transform_0(%arg0: i32) -> (i32, i32) {
    %c0_i32 = arith.constant 0 : i32
    %c0_i32_0 = arith.constant 0 : i32
    return %arg0, %c0_i32 : i32, i32
  }
  func.func @transform_1(%arg0: i32) -> (i32, i32) {
    %c0_i32 = arith.constant 0 : i32
    %c0_i32_0 = arith.constant 0 : i32
    return %arg0, %c0_i32 : i32, i32
  }
  func.func @transform_2(%arg0: i32) -> (i32, i32) {
    %c0_i32 = arith.constant 0 : i32
    %c0_i32_0 = arith.constant 0 : i32
    %c0_i32_1 = arith.constant 0 : i32
    return %c0_i32, %c0_i32_0 : i32, i32
  }
  func.func @transform_3(%arg0: i32) -> (i32, i32) {
    %c0_i32 = arith.constant 0 : i32
    %c0_i32_0 = arith.constant 0 : i32
    %c0_i32_1 = arith.constant 0 : i32
    return %c0_i32, %c0_i32_0 : i32, i32
  }
  func.func @transform_4(%arg0: i32) -> (i32, i32) {
    %c0_i32 = arith.constant 0 : i32
    %c0_i32_0 = arith.constant 0 : i32
    return %arg0, %c0_i32 : i32, i32
  }
}

</mosaic_0001>

<sc_bundles>
// kernel: kernel.11.cloned.1.call-start
scs
__scs_entry_jumppad:
0x0: {  	(pc) =	sbr.rel $0x88, $3  }
0x1: {  	(tag) =	ssettag $0x0;
	lr =	simm.s32 $0x1  }
0x2: {  	[smem:$0x3F88] =	sst lr;
	_ =	strace $0xD0000000  }
0x3: {  	_ = 	snop  }
0x4: {  	_ = 	snop  }
0x5: {  	_ = 	snop  }
0x6: {  	_ = 	snop  }
0x7: {  	_ = 	snop  }
__scs_overlays_trampoline_lowered:
0x8: {  	[smem:$0x3F97] =	sst s0  }
0x9: {  	[smem:$0x3F98] =	sst s1  }
0xa: {  	[smem:$0x3F99] =	sst s2  }
0xb: {  	[smem:$0x3F9A] =	sst s3  }
0xc: {  	[smem:$0x3F9B] =	sst s4  }
0xd: {  	[smem:$0x3F9C] =	sst s5  }
0xe: {  	[smem:$0x3F9D] =	sst s6  }
0xf: {  	[smem:$0x3F9E] =	sst s7  }
0x10: {  	[smem:$0x3F9F] =	sst s8  }
0x11: {  	[smem:$0x3FA0] =	sst s9;
	s0 =	simm.s32 @!p0 $0x0  }
0x12: {  	s1 =	sld [smem:$0x3F86];
	s0 =	simm.s32 @p0 $0x1  }
0x13: {  	[smem:$0x3FA1] =	sst s0;
	s0 =	simm.s32 @!p1 $0x0  }
0x14: {  	s2 =	sld [smem:$0x3F85];
	s0 =	simm.s32 @p1 $0x1  }
0x15: {  	[smem:$0x3FA2] =	sst s0;
	s0 =	simm.s32 @!p2 $0x0  }
0x16: {  	s3 =	sld [smem:$0x3FDB];
	s0 =	simm.s32 @p2 $0x1  }
0x17: {  	s4 =	simm.s32 $0x1BF5;
	[smem:$0x3FA4] =	sst s0  }
0x18: {  	s0 =	sld [smem:$0x3F87];
	_ =	swait.ge [sflag:s4], $0x0  }
0x19: {  	s7 =	sld [smem:$0x3F88]  }
0x1a: {  	s8 =	sadd.s32 $0xFFFFE003, lr  }
0x1b: {  	s9 =	sadd.s32 $0xFFFFFEF7, lr;
	s5 =	simm.s32 $0xFFFFFFFF;
	p2 =	slt.u32 s8, $0xFFFFF086  }
0x1c: {  	p1 =	slt.u32 s9, $0xF7A;
	s5 =	simm.s32 @!p2 $0x0  }
0x1d: {  	s5 =	simm.s32 @p1 $0x1;
	p0 =	seq.s32 s7, s2  }
0x1e: {  	s7 =	smul.u32 @!p0 $0xF7A, s2;
	p2 =	seq.s32 @!p0 s5, $0x0  }
0x1f: {  	s9 =	smul.u32 $0xF7A, s1;
	s8 =	simm.s32 @!p0 $0x1BF5;
	p2 =	por !p2, p0  }
0x20: {  	[sflag:s8] =	ssyncset.s32 @!p0 $0xFFFFF086;
	s6 =	sadd.s32 @!p0 s3, s7;
	s7 =	simm.s32 @!p0 $0x108  }
0x21: {  	s3 =	sadd.s32 s3, s9;
	s6 =	sadd.s32 @!p0 $0x88, s6;
	s7 =	simm.s32 @p2 $0x1082  }
0x22: {  	[simem:s7], [sflag:s8] =	dma.local @!p0 [hbm:s6], $0xF7A  }
0x23: {  	s9 =	sor.u32 $0xD0000000, s2;
	s6 =	simm.s32 $0x108;
	_ =	swait.ge @!p0 [sflag:s8], $0x0  }
0x24: {  	s3 =	sadd.s32 $0x88, s3;
	s6 =	simm.s32 @!p1 $0x1082;
	[sflag:s4] =	ssyncset.s32 $0xFFFFF086  }
0x25: {  	[simem:s6], [sflag:s4] =	dma.local [hbm:s3], $0xF7A  }
0x26: {  	[smem:$0x3F88] =	sst s1;
	(tag) =	ssettag s2;
	_ =	strace s9  }
0x27: {  	s1 =	sld [smem:$0x3F98]  }
0x28: {  	s2 =	sld [smem:$0x3F99]  }
0x29: {  	s4 =	sld [smem:$0x3F9B]  }
0x2a: {  	p0 =	seq.s32 s5, $0x0;
	s5 =	sld [smem:$0x3F9C]  }
0x2b: {  	s6 =	sld [smem:$0x3F9D]  }
0x2c: {  	s7 =	sld [smem:$0x3F9E]  }
0x2d: {  	s3 =	simm.s32 $0x108;
	s8 =	sld [smem:$0x3F9F]  }
0x2e: {  	s3 =	simm.s32 @!p0 $0x1082;
	s9 =	sld [smem:$0x3FA0]  }
0x2f: {  	lr =	sadd.s32 s0, s3;
	s0 =	sld [smem:$0x3F97]  }
0x30: {  	s3 =	sld [smem:$0x3F9A]  }
0x31: {  	[smem:$0x3FA3] =	sst s10  }
0x32: {  	s10 =	sld [smem:$0x3FA1];
	_ =	sdelay $0x3  }
0x33: {  	p0 =	seq.s32 s10, $0x1;
	s10 =	sld [smem:$0x3FA3];
	_ =	sdelay $0x3  }
0x34: {  	[smem:$0x3FA3] =	sst s10  }
0x35: {  	s10 =	sld [smem:$0x3FA2];
	_ =	sdelay $0x3  }
0x36: {  	p1 =	seq.s32 s10, $0x1;
	s10 =	sld [smem:$0x3FA3];
	_ =	sdelay $0x3  }
0x37: {  	[smem:$0x3FA3] =	sst s10  }
0x38: {  	s10 =	sld [smem:$0x3FA4]  }
0x39: {  	_ = 	snop;
	(pc) =	sbr.ind lr, $3  }
0x3a: {  	_ = 	snop  }
0x3b: {  	_ = 	snop  }
0x3c: {  	p2 =	seq.s32 s10, $0x1;
	s10 =	sld [smem:$0x3FA3]  }
0x3d: {  	_ =	shalt  }
0x3e: {  	_ =	shalt  }
0x3f: {  	_ =	shalt  }
0x40: {  	_ =	shalt  }
0x41: {  	_ =	shalt  }
0x42: {  	_ =	shalt  }
0x43: {  	_ =	shalt  }
0x44: {  	_ =	shalt  }
0x45: {  	_ =	shalt  }
0x46: {  	_ =	shalt  }
0x47: {  	_ =	shalt  }
0x48: {  	_ =	shalt  }
0x49: {  	_ =	shalt  }
0x4a: {  	_ =	shalt  }
0x4b: {  	_ =	shalt  }
0x4c: {  	_ =	shalt  }
0x4d: {  	_ =	shalt  }
0x4e: {  	_ =	shalt  }
0x4f: {  	_ =	shalt  }
0x50: {  	_ =	shalt  }
0x51: {  	_ =	shalt  }
0x52: {  	_ =	shalt  }
0x53: {  	_ =	shalt  }
0x54: {  	_ =	shalt  }
0x55: {  	_ =	shalt  }
0x56: {  	_ =	shalt  }
0x57: {  	_ =	shalt  }
0x58: {  	_ =	shalt  }
0x59: {  	_ =	shalt  }
0x5a: {  	_ =	shalt  }
0x5b: {  	_ =	shalt  }
0x5c: {  	_ =	shalt  }
0x5d: {  	_ =	shalt  }
0x5e: {  	_ =	shalt  }
0x5f: {  	_ =	shalt  }
0x60: {  	_ =	shalt  }
0x61: {  	_ =	shalt  }
0x62: {  	_ =	shalt  }
0x63: {  	_ =	shalt  }
0x64: {  	_ =	shalt  }
0x65: {  	_ =	shalt  }
0x66: {  	_ =	shalt  }
0x67: {  	_ =	shalt  }
0x68: {  	_ =	shalt  }
0x69: {  	_ =	shalt  }
0x6a: {  	_ =	shalt  }
0x6b: {  	_ =	shalt  }
0x6c: {  	_ =	shalt  }
0x6d: {  	_ =	shalt  }
0x6e: {  	_ =	shalt  }
0x6f: {  	_ =	shalt  }
0x70: {  	_ =	shalt  }
0x71: {  	_ =	shalt  }
0x72: {  	_ =	shalt  }
0x73: {  	_ =	shalt  }
0x74: {  	_ =	shalt  }
0x75: {  	_ =	shalt  }
0x76: {  	_ =	shalt  }
0x77: {  	_ =	shalt  }
0x78: {  	_ =	shalt  }
0x79: {  	_ =	shalt  }
0x7a: {  	_ =	shalt  }
0x7b: {  	_ =	shalt  }
0x7c: {  	_ =	shalt  }
0x7d: {  	_ =	shalt  }
0x7e: {  	_ =	shalt  }
0x7f: {  	_ =	shalt  }
0x80: {  	_ =	shalt  }
0x81: {  	_ =	shalt  }
0x82: {  	_ =	shalt  }
0x83: {  	_ =	shalt  }
0x84: {  	_ =	shalt  }
0x85: {  	_ =	shalt  }
0x86: {  	_ =	shalt  }
0x87: {  	_ =	shalt  }
.Lfunc_end0:
.L_simem_size_0:
called_computation_lowered:
.L_overlay_start_0:
0x88: {  	s2 =	sld [smem:$0x3FD9]  }
0x89: {  	s3 =	sld [smem:$0x3FFE];
	_ =	sdelay $0x1  }
0x8a: {  	s1 =	srdreg.scid  }
0x8b: {  	s0 =	sand.u32 $0x1, s1  }
0x8c: {  	s14 =	sshll.u32 s0, $0xA;
	s2 =	sadd.s32 s3, s2  }
0x8d: {  	s2 =	sadd.s32 s2, s14  }
0x8e: {  	[smem:$0x3FAF] =	sst s2  }
0x8f: {  	_ = 	snop  }
0x90: {  	s2 =	sld [smem:$0x3FD0];
	_ =	sdelay $0x2  }
0x91: {  	s15 =	simm.s32 $0xB;
	s4 =	simm.s32 $0x10  }
0x92: {  	[smem:s4], [sflag:s15] =	dma.local [hbm:s2], $0x1  }
0x93: {  	_ =	swait.eq [sflag:s15], $0x1  }
0x94: {  	[sflag:s15] =	ssyncset.done $0x0  }
0x95: {  	s16 =	sld [smem:$0x10];
	[sflag:s15] =	ssyncadd.s32 $0xFFFFFFFF  }
0x96: {  	s17 =	sld [smem:$0x11];
	(tm) =	ssettm $0x1  }
0x97: {  	s18 =	sld [smem:$0x3FFB];
	_ =	sdelay $0x3  }
0x98: {  	_ =	strace s18  }
0x99: {  	s4 =	sld [smem:$0x3FFC];
	_ =	sdelay $0x3  }
0x9a: {  	_ =	strace s4  }
0x9b: {  	s4 =	sld [smem:$0x3FFD];
	_ =	sdelay $0x3  }
0x9c: {  	_ =	strace s4  }
0x9d: {  	_ =	strace $0x8FFFFFFF  }
0x9e: {  	s19 =	sld [smem:$0x3FDB];
	_ =	sdelay $0x1  }
0x9f: {  	s5 =	simm.s32 $_scs_section_size  }
0xa0: {  	s6 =	simm.s32 $_size__tile_overlayer_lowered;
	s7 =	simm.s32 $_tile_overlayer_lowered  }
0xa1: {  	s22 =	simm.s32 $0x1BFF;
	s21 =	sshll.u32 s7, $0x1;
	s4 =	sadd.s32 s5, s19  }
0xa2: {  	s8 =	simm.s32 $0x0;
	s20 =	sshll.u32 s6, $0x1;
	s6 =	sadd.s32 s21, s4  }
0xa3: {  	[timem:s8], [sflag:s22] =	dma.local [hbm:s6], s20  }
0xa4: {  	_ =	swait.ge [sflag:s22], s20  }
0xa5: {  	s5 =	ssub.s32 $0x0, s20;
	[sflag:s22] =	ssyncset.done $0x0  }
0xa6: {  	[sflag:s22] =	ssyncadd.s32 s5;
	_ =	sdelay $0x1  }
0xa7: {  	s23 =	simm.s32 $0x1B8B  }
0xa8: {  	_ =	swait.ge [sflag:s23], $0x1  }
0xa9: {  	[sflag:s23] =	ssyncset.done $0x0  }
0xaa: {  	s25 =	simm.s32 $0x1B8E;
	s24 =	sld [smem:$0x3FFE];
	[sflag:s23] =	ssyncadd.s32 $0xFFFFFFFF  }
0xab: {  	s26 =	simm.s32 $execute0_lowered;
	[smem:$0x3FD2] =	sst s25  }
0xac: {  	s6 =	sshll.u32 s26, $0x1;
	_ =	strace $0x80000046;
	[dreg:$0x1] =	wrdreg $0xFFFFFFFF  }
0xad: {  	s28 =	simm.s32 $_size_execute0_lowered;
	s4 =	sadd.s32 s4, s6;
	[dreg:$0x0] =	wrdreg $0x0  }
0xae: {  	s6 =	sshll.u32 s28, $0x1;
	[dreg:$0x2] =	wrdreg s4  }
0xaf: {  	[dreg:$0x3] =	wrdreg s6  }
0xb0: {  	[dreg:$0x4] =	wrdreg $0xC0  }
0xb1: {  	_ =	task [dreg:s8], $0x5FFFF  }
0xb2: {  	[dreg:$0x1] =	wrdreg $0xFFFFFFFF  }
0xb3: {  	[dreg:$0x0] =	wrdreg $0x60  }
0xb4: {  	[dreg:$0x2] =	wrdreg s16  }
0xb5: {  	[dreg:$0x3] =	wrdreg s24  }
0xb6: {  	[dreg:$0x4] =	wrdreg s17  }
0xb7: {  	[dreg:$0x5] =	wrdreg $0x130000  }
0xb8: {  	[dreg:$0x6] =	wrdreg $0x1D0000  }
0xb9: {  	[dreg:$0x7] =	wrdreg $0x9  }
0xba: {  	_ =	task.clear_ibuf [dreg:s8], $0x8FFFF;
	_ =	strace $0x90000046  }
0xbb: {  	s29 =	simm.s32 $0x9;
	_ =	strace $0x80000048  }
0xbc: {  	_ =	swait.ge [sflag:s29], $0x1  }
0xbd: {  	[sflag:s29] =	ssyncadd.s32 $0xFFFFFFFF  }
0xbe: {  	_ =	strace $0x90000048  }
0xbf: {  	_ =	sfence  }
0xc0: {  	s30 =	sld [smem:$0x0];
	_ =	sdelay $0x2  }
0xc1: {  	s31 =	sshll.u32 s1, $0xD;
	s1 =	sshrl.u32 s1, $0x2  }
0xc2: {  	s3 =	sand.u32 $0x4000, s31;
	s1 =	sadd.s32 s1, s30  }
0xc3: {  	s0 =	sor.u32 s3, s0;
	s1 =	sshll.u32 s1, $0x11  }
0xc4: {  	s0 =	sor.u32 s1, s0  }
0xc5: {  	s0 =	sadd.s32 $0x8F2B, s0  }
0xc6: {  	[sflag:s0] =	ssyncadd.remote.s32 $0x1  }
0xc7: {  	_ =	sfence.sel $0xFFFF  }
0xc8: {  	[dreg:$0x0] =	wrdreg $0xFFFFFFFF;
	(pc) =	sbr.abs _section_cstart, $3  }
0xc9: {  	[dreg:$0x1] =	wrdreg $0xFFFFFFFF  }
0xca: {  	_ =	task.clear_ibuf [dreg:s8], $0x2FFFF;
	_ =	strace $0x9FFFFFFF  }
0xcb: {  	(tm) =	ssettm $0x7FFFFFFF  }
tec
execute0_lowered:
.L_overlay_start_1:
0x0: {  	(tag) =	ssettag $0x1  }
0x1: {  	s1 =	rddreg [dreg:$0x0]  }
0x2: {  	s2 =	rddreg [dreg:$0x1]  }
0x3: {  	s3 =	rddreg [dreg:$0x3]  }
0x4: {  	s21 =	stileid.u32;
	s0 =	srdreg.scid  }
0x5: {  	s4 =	simm.s32 $0x0;
	s5 =	smul.u32 $0x5000, s21;
	s6 =	sand.u32 $0x1, s0  }
0x6: {  	s0 =	smul.u32 $0xA000, s21;
	[smem:$0x7FF] =	sst s4;
	s7 =	sadd.s32 $0x26000, s2  }
0x7: {  	s9 =	sadd.s32 $0x4E000, s2;
	s8 =	smul.u32 $0xA0000, s6;
	s10 =	ssub.s32 $0x2, s6  }
0x8: {  	p0 =	sne.s32 s6, $0x0;
	s11 =	sadd.s32 $0x2000, s0;
	s12 =	sshrl.u32 s10, $0x1  }
0x9: {  	s16 =	sadd.s32 $0x8000, s0;
	s13 =	sadd.s32 s8, s0;
	s14 =	sadd.s32 s8, s11  }
0xa: {  	s10 =	ssub.s32 s10, s12;
	s28 =	sadd.s32 s16, s3;
	s23 =	sshrl.u32 s13, $0x3  }
0xb: {  	s24 =	sshrl.u32 s14, $0x3;
	s14 =	smul.u32 $0x2800, s21;
	s12 =	sadd.s32 s7, s23  }
0xc: {  	s13 =	sadd.s32 $0x6000, s0;
	s25 =	sadd.s32 s7, s24;
	[dreg:$0x6] =	wrdreg s12  }
0xd: {  	s17 =	sadd.s32 s8, s13;
	[dreg:$0x7] =	wrdreg s25;
	s12 =	sadd.s32 $0x4000, s0  }
0xe: {  	s17 =	sshrl.u32 s17, $0x3;
	s25 =	smul.u32 $0x28000, s21;
	s15 =	sadd.s32 s8, s12  }
0xf: {  	s8 =	sadd.s32 s8, s16;
	s26 =	sadd.s32 s7, s17;
	s17 =	sadd.s32 $0x1000, s14  }
0x10: {  	s16 =	simm.s32 $0x0;
	s15 =	sshrl.u32 s15, $0x3;
	s8 =	sshrl.u32 s8, $0x3  }
0x11: {  	[dreg:$0x9] =	wrdreg s26;
	s19 =	sshrl.u32 s17, $0x3;
	s26 =	sadd.s32 $0x24A00, s2  }
0x12: {  	s15 =	sadd.s32 s7, s15;
	s7 =	sadd.s32 s7, s8;
	s8 =	sadd.s32 $0x800, s14  }
0x13: {  	s20 =	sadd.s32 s9, s19;
	[dreg:$0x8] =	wrdreg s15;
	s15 =	sshrl.u32 s14, $0x3  }
0x14: {  	[dreg:$0xa] =	wrdreg s7;
	s18 =	sshrl.u32 s8, $0x3;
	s7 =	sadd.s32 s9, s15  }
0x15: {  	s19 =	sadd.s32 $0x2000, s14;
	[dreg:$0xb] =	wrdreg s7;
	s7 =	sadd.s32 s9, s18  }
0x16: {  	s18 =	smul.u32 $0x50000, s6;
	[dreg:$0xc] =	wrdreg s7;
	s7 =	sadd.s32 $0x1800, s14  }
0x17: {  	[dreg:$0xd] =	wrdreg s20;
	s20 =	sshrl.u32 s19, $0x3;
	s22 =	sshrl.u32 s7, $0x3  }
0x18: {  	s23 =	sadd.s32 s5, s18;
	s5 =	sshrl.u32 s5, $0x3;
	s15 =	sadd.s32 s9, s22  }
0x19: {  	s9 =	sadd.s32 s9, s20;
	s24 =	sshrl.u32 s23, $0x3;
	s5 =	sadd.s32 s5, s2  }
0x1a: {  	s20 =	sshrl.u32 s25, $0x2;
	s22 =	sshll.u32 s21, $0x6;
	[dreg:$0xe] =	wrdreg s15  }
0x1b: {  	s23 =	sshrl.u32 s0, $0x2;
	s0 =	sadd.s32 s0, s3;
	s15 =	rddreg [dreg:$0x4]  }
0x1c: {  	s25 =	sadd.s32 s11, s3;
	[dreg:$0xf] =	wrdreg s9;
	s6 =	sadd.s32 s24, s2  }
0x1d: {  	s2 =	sadd.s32 $0x25E00, s2;
	_ =	strace $0x80000047;
	[dreg:$0x10] =	wrdreg s26  }
0x1e: {  	s11 =	simm.s32 $0x2;
	s18 =	sadd.s32 $0x1AA00, s5;
	[dreg:$0x11] =	wrdreg s2  }
0x1f: {  	s21 =	sor.u32 $0x1C04, s22;
	s24 =	smax.u32 s10, $0x1;
	[dreg:$0x13] =	wrdreg s18  }
0x20: {  	s9 =	simm.s32 $0xA000;
	s10 =	simm.s32 $0xE000;
	[dreg:$0x14] =	wrdreg s24  }
0x21: {  	s6 =	sadd.s32 $0x6A00, s6;
	s2 =	sadd.s32 s20, s3;
	[dreg:$0x15] =	wrdreg s0  }
0x22: {  	s5 =	sadd.s32 s23, s15;
	[dreg:$0x16] =	wrdreg s25;
	s26 =	sadd.s32 s12, s3  }
0x23: {  	s29 =	sadd.s32 s14, s15;
	s30 =	sadd.s32 s8, s15;
	s31 =	sadd.s32 s17, s15  }
0x24: {  	s0 =	sadd.s32 s19, s15;
	s8 =	simm.s32 $0x100;
	[dreg:$0x12] =	wrdreg s6  }
0x25: {  	s12 =	simm.s32 $0x5;
	s14 =	simm.s32 $0x3;
	[dreg:$0x17] =	wrdreg s26  }
0x26: {  	s26 =	sadd.s32 s13, s3;
	s13 =	sadd.s32 s7, s15;
	s2 =	sshrl.u32 s2, $0x3  }
0x27: {  	s5 =	sshrl.u32 @!p0 s5, $0x3;
	s6 =	simm.s32 $0x4;
	s7 =	simm.s32 $0x1  }
.LBB2_1:
0x28: {  	s17 =	rddreg [dreg:$0x12]  }
0x29: {  	s22 =	rddreg [dreg:$0x13]  }
0x2a: {  	[tilespmem:s4], [sflag:$0x1] =	stream.linear.gather [hbm4b:s17+s4], $0x5000, $0x38;
	[tilespmem:$0x1F800] =	vst v63  }
0x2b: {  	s18 =	simm.s32 $0x5000;
	s23 =	rddreg [dreg:$0x10]  }
0x2c: {  	[tilespmem:s18], [sflag:$0x1] =	stream.linear.gather [hbm4b:s22+s4], $0x5000, $0x38;
	[tilespmem:$0x1F800] =	vst v63  }
0x2d: {  	[spmem:s2], [sflag:s21] =	dma.local [hbm:s23], $0x1400  }
0x2e: {  	_ =	swait.ge [sflag:s6], $0x1400  }
0x2f: {  	[sflag:s6] =	ssyncset.done $0x0  }
0x30: {  	[sflag:s6] =	ssyncadd.s32 $0xFFFFEC00  }
0x31: {  	s17 =	rddreg [dreg:$0x2]  }
0x32: {  	[spmem:s5], [sflag:s21] =	dma.local @!p0 [hbm:s17], $0x500  }
0x33: {  	s17 =	simm.s32 @!p0 $0x4  }
0x34: {  	_ =	swait.ge @!p0 [sflag:s17], $0x500  }
0x35: {  	s19 =	simm.s32 @!p0 $0x0;
	[sflag:s17] =	ssyncset.done @!p0 $0x0  }
0x36: {  	s18 =	simm.s32 @!p0 $0x12000;
	s20 =	rddreg [dreg:$0x11];
	[sflag:s17] =	ssyncadd.s32 @!p0 $0xFFFFFB00  }
0x37: {  	[tilespmem:s18], [sflag:$0x4] =	stream.linear.gather @!p0 [hbm4b:s20+s19], $0x1000, $0x38;
	[tilespmem:$0x1F800] =	vst v63  }
0x38: {  	_ =	swait.ge @!p0 [sflag:s17], $0x1000  }
0x39: {  	[sflag:s17] =	ssyncset.done @!p0 $0x0  }
0x3a: {  	[sflag:s17] =	ssyncadd.s32 @!p0 $0xFFFFF000  }
0x3b: {  	_ =	swait.ge [sflag:s7], $0x5000  }
0x3c: {  	[sflag:s7] =	ssyncset.done $0x0  }
0x3d: {  	[sflag:s7] =	ssyncadd.s32 $0xFFFFB000  }
0x3e: {  	_ =	swait.ge [sflag:s7], $0x5000  }
0x3f: {  	[sflag:s7] =	ssyncset.done $0x0  }
0x40: {  	[sflag:s7] =	ssyncadd.s32 $0xFFFFB000  }
0x41: {  	[tilespmem:s9], [sflag:$0x2] =	stream.indirect.gather [hbm4b:s1+s8], $0x40, s4, s8, $0xb8;
	[tilespmem:$0x1F800] =	vst v63  }
0x42: {  	s24 =	simm.s32 $0x100;
	[bflag:$0x0] =	sbarrier.arrive $0xFFFF  }
0x43: {  	[tilespmem:s10], [sflag:$0x3] =	stream.indirect.gather [hbm4b:s1+s8], $0x40, s24, s8, $0xb8;
	[tilespmem:$0x1F800] =	vst v63  }
0x44: {  	_ =	swait.ge [sflag:s11], $0x4000  }
0x45: {  	[sflag:s11] =	ssyncset.done $0x0  }
0x46: {  	s22 =	simm.s32 $0x5000;
	[sflag:s11] =	ssyncadd.s32 $0xFFFFC000  }
0x47: {  	[spmem:s3] =	stream.indirect.scatter.add.f32 [tilespmem:s9], [sflag:$0x5], $0x40, s22, s8, $0xb8;
	[tilespmem:$0x1F800] =	vst v63  }
0x48: {  	_ =	swait.ge [sflag:s12], $0x4000  }
0x49: {  	[sflag:s12] =	ssyncset.done $0x0  }
0x4a: {  	s19 =	simm.s32 @!p0 $0x100;
	s20 =	simm.s32 @!p0 $0x5;
	[sflag:s12] =	ssyncadd.s32 $0xFFFFC000  }
0x4b: {  	[spmem:s15] =	stream.indirect.scatter.add.f32 @!p0 [tilespmem:s18], [sflag:$0x5], $0x10, s22, s19, $0xb8;
	[tilespmem:$0x1F800] =	vst v63  }
0x4c: {  	_ =	swait.ge @!p0 [sflag:s20], $0x1000  }
0x4d: {  	[sflag:s20] =	ssyncset.done @!p0 $0x0  }
0x4e: {  	s25 =	simm.s32 $0x200;
	[sflag:s20] =	ssyncadd.s32 @!p0 $0xFFFFF000  }
0x4f: {  	[tilespmem:s9], [sflag:$0x2] =	stream.indirect.gather [hbm4b:s1+s8], $0x40, s25, s8, $0xb8;
	[tilespmem:$0x1F800] =	vst v63  }
0x50: {  	_ =	swait.ge [sflag:s14], $0x4000  }
0x51: {  	[sflag:s14] =	ssyncset.done $0x0  }
0x52: {  	s22 =	simm.s32 $0x5100;
	[sflag:s14] =	ssyncadd.s32 $0xFFFFC000  }
0x53: {  	[spmem:s3] =	stream.indirect.scatter.add.f32 [tilespmem:s10], [sflag:$0x5], $0x40, s22, s8, $0xb8;
	[tilespmem:$0x1F800] =	vst v63  }
0x54: {  	_ =	swait.ge [sflag:s12], $0x4000  }
0x55: {  	[sflag:s12] =	ssyncset.done $0x0  }
0x56: {  	[sflag:s12] =	ssyncadd.s32 $0xFFFFC000  }
0x57: {  	[spmem:s15] =	stream.indirect.scatter.add.f32 @!p0 [tilespmem:s18], [sflag:$0x4], $0x10, s22, s19, $0xb8;
	[tilespmem:$0x1F800] =	vst v63  }
0x58: {  	_ =	swait.ge @!p0 [sflag:s17], $0x1000  }
0x59: {  	s23 =	simm.s32 $0x1000;
	s22 =	simm.s32 $0x200;
	[sflag:s17] =	ssyncset.done @!p0 $0x0  }
.LBB2_2:
0x5a: {  	s24 =	sadd.s32 $0x100, s22  }
0x5b: {  	[sflag:s17] =	ssyncadd.s32 @!p0 $0xFFFFF000;
	s25 =	smov.u32 s23;
	s23 =	sadd.s32 $0x800, s23  }
0x5c: {  	[tilespmem:s10], [sflag:$0x3] =	stream.indirect.gather [hbm4b:s1+s8], $0x40, s24, s8, $0xb8;
	[tilespmem:$0x1F800] =	vst v63  }
0x5d: {  	p1 =	sne.s32 s23, $0x13800;
	_ =	swait.ge [sflag:s11], $0x4000  }
0x5e: {  	[sflag:s11] =	ssyncset.done $0x0  }
0x5f: {  	s24 =	sadd.s32 $0x5000, s22;
	[sflag:s11] =	ssyncadd.s32 $0xFFFFC000  }
0x60: {  	[spmem:s3] =	stream.indirect.scatter.add.f32 [tilespmem:s9], [sflag:$0x5], $0x40, s24, s8, $0xb8;
	[tilespmem:$0x1F800] =	vst v63  }
0x61: {  	_ =	swait.ge [sflag:s12], $0x4000  }
0x62: {  	[sflag:s12] =	ssyncset.done $0x0  }
0x63: {  	[sflag:s12] =	ssyncadd.s32 $0xFFFFC000  }
0x64: {  	[spmem:s15] =	stream.indirect.scatter.add.f32 @!p0 [tilespmem:s18], [sflag:$0x5], $0x10, s24, s19, $0xb8;
	[tilespmem:$0x1F800] =	vst v63  }
0x65: {  	_ =	swait.ge @!p0 [sflag:s20], $0x1000  }
0x66: {  	[sflag:s20] =	ssyncset.done @!p0 $0x0  }
0x67: {  	s24 =	sadd.s32 $0x200, s22;
	[sflag:s20] =	ssyncadd.s32 @!p0 $0xFFFFF000  }
0x68: {  	[tilespmem:s9], [sflag:$0x2] =	stream.indirect.gather [hbm4b:s1+s8], $0x40, s24, s8, $0xb8;
	[tilespmem:$0x1F800] =	vst v63  }
0x69: {  	_ =	swait.ge [sflag:s14], $0x4000  }
0x6a: {  	[sflag:s14] =	ssyncset.done $0x0  }
0x6b: {  	s22 =	sadd.s32 $0x5100, s22;
	[sflag:s14] =	ssyncadd.s32 $0xFFFFC000  }
0x6c: {  	[spmem:s3] =	stream.indirect.scatter.add.f32 [tilespmem:s10], [sflag:$0x5], $0x40, s22, s8, $0xb8;
	[tilespmem:$0x1F800] =	vst v63  }
0x6d: {  	_ =	swait.ge [sflag:s12], $0x4000  }
.Ltmp0:
0x6e: {  	[sflag:s12] =	ssyncset.done $0x0;
	(pc) =	sbr.rel @p1 .LBB2_2-.Ltmp0, $4  }
0x6f: {  	[sflag:s12] =	ssyncadd.s32 $0xFFFFC000  }
0x70: {  	[spmem:s15] =	stream.indirect.scatter.add.f32 @!p0 [tilespmem:s18], [sflag:$0x4], $0x10, s22, s19, $0xb8;
	[tilespmem:$0x1F800] =	vst v63  }
0x71: {  	_ =	swait.ge @!p0 [sflag:s17], $0x1000  }
0x72: {  	s22 =	sshra.s32 s25, $0x2;
	[sflag:s17] =	ssyncset.done @!p0 $0x0  }
0x73: {  	s19 =	sadd.s32 $0x100, s22;
	[sflag:s17] =	ssyncadd.s32 @!p0 $0xFFFFF000  }
0x74: {  	[tilespmem:s10], [sflag:$0x3] =	stream.indirect.gather [hbm4b:s1+s8], $0x40, s19, s8, $0xb8;
	[tilespmem:$0x1F800] =	vst v63  }
0x75: {  	_ =	swait.ge [sflag:s11], $0x4000  }
0x76: {  	[sflag:s11] =	ssyncset.done $0x0  }
0x77: {  	s19 =	sadd.s32 $0x5000, s22;
	[sflag:s11] =	ssyncadd.s32 $0xFFFFC000  }
0x78: {  	[spmem:s3] =	stream.indirect.scatter.add.f32 [tilespmem:s9], [sflag:$0x5], $0x40, s19, s8, $0xb8;
	[tilespmem:$0x1F800] =	vst v63  }
0x79: {  	_ =	swait.ge [sflag:s12], $0x4000  }
0x7a: {  	[sflag:s12] =	ssyncset.done $0x0  }
0x7b: {  	s20 =	simm.s32 @!p0 $0x100;
	s23 =	simm.s32 @!p0 $0x5;
	[sflag:s12] =	ssyncadd.s32 $0xFFFFC000  }
0x7c: {  	[spmem:s15] =	stream.indirect.scatter.add.f32 @!p0 [tilespmem:s18], [sflag:$0x5], $0x10, s19, s20, $0xb8;
	[tilespmem:$0x1F800] =	vst v63  }
0x7d: {  	_ =	swait.ge @!p0 [sflag:s23], $0x1000  }
0x7e: {  	[sflag:s23] =	ssyncset.done @!p0 $0x0  }
0x7f: {  	s25 =	sadd.s32 $0x200, s22;
	[sflag:s23] =	ssyncadd.s32 @!p0 $0xFFFFF000  }
0x80: {  	[tilespmem:s9], [sflag:$0x2] =	stream.indirect.gather [hbm4b:s1+s8], $0x40, s25, s8, $0xb8;
	[tilespmem:$0x1F800] =	vst v63  }
0x81: {  	_ =	swait.ge [sflag:s14], $0x4000  }
0x82: {  	[sflag:s14] =	ssyncset.done $0x0  }
0x83: {  	s19 =	sadd.s32 $0x5100, s22;
	[sflag:s14] =	ssyncadd.s32 $0xFFFFC000  }
0x84: {  	[spmem:s3] =	stream.indirect.scatter.add.f32 [tilespmem:s10], [sflag:$0x5], $0x40, s19, s8, $0xb8;
	[tilespmem:$0x1F800] =	vst v63  }
0x85: {  	_ =	swait.ge [sflag:s12], $0x4000  }
0x86: {  	[sflag:s12] =	ssyncset.done $0x0  }
0x87: {  	[sflag:s12] =	ssyncadd.s32 $0xFFFFC000  }
0x88: {  	[spmem:s15] =	stream.indirect.scatter.add.f32 @!p0 [tilespmem:s18], [sflag:$0x4], $0x10, s19, s20, $0xb8;
	[tilespmem:$0x1F800] =	vst v63  }
0x89: {  	_ =	swait.ge @!p0 [sflag:s17], $0x1000  }
0x8a: {  	[sflag:s17] =	ssyncset.done @!p0 $0x0  }
0x8b: {  	s18 =	simm.s32 $0x4F00;
	[sflag:s17] =	ssyncadd.s32 @!p0 $0xFFFFF000  }
0x8c: {  	[tilespmem:s10], [sflag:$0x3] =	stream.indirect.gather [hbm4b:s1+s8], $0x40, s18, s8, $0xb8;
	[tilespmem:$0x1F800] =	vst v63  }
0x8d: {  	_ =	swait.ge [sflag:s11], $0x4000  }
0x8e: {  	[sflag:s11] =	ssyncset.done $0x0  }
0x8f: {  	s19 =	simm.s32 $0x9E00;
	[sflag:s11] =	ssyncadd.s32 $0xFFFFC000  }
0x90: {  	[spmem:s3] =	stream.indirect.scatter.add.f32 [tilespmem:s9], [sflag:$0x5], $0x40, s19, s8, $0xb8;
	[tilespmem:$0x1F800] =	vst v63  }
0x91: {  	_ =	swait.ge [sflag:s12], $0x4000  }
0x92: {  	[sflag:s12] =	ssyncset.done $0x0  }
0x93: {  	s17 =	simm.s32 @p0 $0x3;
	[sflag:s12] =	ssyncadd.s32 $0xFFFFC000  }
0x94: {  	_ =	swait.ge @p0 [sflag:s17], $0x4000  }
0x95: {  	s18 =	simm.s32 @p0 $0x9F00;
	[sflag:s17] =	ssyncset.done @p0 $0x0  }
0x96: {  	s19 =	simm.s32 @p0 $0xE000;
	[sflag:s17] =	ssyncadd.s32 @p0 $0xFFFFC000;
	s17 =	simm.s32 @p0 $0x100  }
0x97: {  	[spmem:s3] =	stream.indirect.scatter.add.f32 @p0 [tilespmem:s19], [sflag:$0x5], $0x40, s18, s17, $0xb8;
	[tilespmem:$0x1F800] =	vst v63  }
0x98: {  	s17 =	simm.s32 @p0 $0x5  }
0x99: {  	_ =	swait.ge @p0 [sflag:s17], $0x4000  }
0x9a: {  	[sflag:s17] =	ssyncset.done @p0 $0x0  }
0x9b: {  	s18 =	simm.s32 @!p0 $0x9E00;
	[sflag:s17] =	ssyncadd.s32 @p0 $0xFFFFC000;
	s17 =	simm.s32 @!p0 $0x12000  }
0x9c: {  	[spmem:s15] =	stream.indirect.scatter.add.f32 @!p0 [tilespmem:s17], [sflag:$0x5], $0x10, s18, s20, $0xb8;
	[tilespmem:$0x1F800] =	vst v63  }
0x9d: {  	_ =	swait.ge @!p0 [sflag:s23], $0x1000  }
0x9e: {  	[sflag:s23] =	ssyncset.done @!p0 $0x0  }
0x9f: {  	s18 =	simm.s32 @!p0 $0x3;
	[sflag:s23] =	ssyncadd.s32 @!p0 $0xFFFFF000  }
0xa0: {  	_ =	swait.ge @!p0 [sflag:s18], $0x4000  }
0xa1: {  	[sflag:s18] =	ssyncset.done @!p0 $0x0  }
0xa2: {  	s19 =	simm.s32 @!p0 $0xE000;
	[sflag:s18] =	ssyncadd.s32 @!p0 $0xFFFFC000;
	s18 =	simm.s32 @!p0 $0x9F00  }
0xa3: {  	[spmem:s3] =	stream.indirect.scatter.add.f32 @!p0 [tilespmem:s19], [sflag:$0x5], $0x40, s18, s20, $0xb8;
	[tilespmem:$0x1F800] =	vst v63  }
0xa4: {  	_ =	swait.ge @!p0 [sflag:s23], $0x4000  }
0xa5: {  	[sflag:s23] =	ssyncset.done @!p0 $0x0  }
0xa6: {  	[sflag:s23] =	ssyncadd.s32 @!p0 $0xFFFFC000  }
0xa7: {  	[spmem:s15] =	stream.indirect.scatter.add.f32 @!p0 [tilespmem:s17], [sflag:$0x4], $0x10, s18, s20, $0xb8;
	[tilespmem:$0x1F800] =	vst v63  }
0xa8: {  	s18 =	simm.s32 @!p0 $0x4  }
0xa9: {  	_ =	swait.ge @!p0 [sflag:s18], $0x1000  }
0xaa: {  	[sflag:s18] =	ssyncset.done @!p0 $0x0  }
0xab: {  	[sflag:s18] =	ssyncadd.s32 @!p0 $0xFFFFF000  }
0xac: {  	[bflag:$0x0] =	sbarrier.arrive $0xFFFF  }
0xad: {  	s22 =	rddreg [dreg:$0x15]  }
0xae: {  	[tilespmem:s9], [sflag:$0x4] =	stream.linear.gather [spmem:s22], $0x2000, $0x38;
	[tilespmem:$0x1F800] =	vst v63  }
0xaf: {  	_ =	swait.ge [sflag:s6], $0x2000  }
0xb0: {  	[sflag:s6] =	ssyncset.done $0x0  }
0xb1: {  	s23 =	rddreg [dreg:$0x6];
	[sflag:s6] =	ssyncadd.s32 $0xFFFFE000  }
0xb2: {  	[hbm4b:s23+s4] =	stream.linear.scatter [tilespmem:s9], [sflag:$0x4], $0x2000, $0x38;
	[tilespmem:$0x1F800] =	vst v63  }
0xb3: {  	_ =	swait.ge [sflag:s6], $0x2000  }
0xb4: {  	[sflag:s6] =	ssyncset.done $0x0  }
0xb5: {  	s24 =	rddreg [dreg:$0x16];
	[sflag:s6] =	ssyncadd.s32 $0xFFFFE000  }
0xb6: {  	[tilespmem:s9], [sflag:$0x4] =	stream.linear.gather [spmem:s24], $0x2000, $0x38;
	[tilespmem:$0x1F800] =	vst v63  }
0xb7: {  	_ =	swait.ge [sflag:s6], $0x2000  }
0xb8: {  	[sflag:s6] =	ssyncset.done $0x0  }
0xb9: {  	s25 =	rddreg [dreg:$0x7];
	[sflag:s6] =	ssyncadd.s32 $0xFFFFE000  }
0xba: {  	[hbm4b:s25+s4] =	stream.linear.scatter [tilespmem:s9], [sflag:$0x4], $0x2000, $0x38;
	[tilespmem:$0x1F800] =	vst v63  }
0xbb: {  	_ =	swait.ge [sflag:s6], $0x2000  }
0xbc: {  	[sflag:s6] =	ssyncset.done $0x0  }
0xbd: {  	s20 =	rddreg [dreg:$0x17];
	[sflag:s6] =	ssyncadd.s32 $0xFFFFE000  }
0xbe: {  	[tilespmem:s9], [sflag:$0x4] =	stream.linear.gather [spmem:s20], $0x2000, $0x38;
	[tilespmem:$0x1F800] =	vst v63  }
0xbf: {  	_ =	swait.ge [sflag:s6], $0x2000  }
0xc0: {  	[sflag:s6] =	ssyncset.done $0x0  }
0xc1: {  	s22 =	rddreg [dreg:$0x8];
	[sflag:s6] =	ssyncadd.s32 $0xFFFFE000  }
0xc2: {  	[hbm4b:s22+s4] =	stream.linear.scatter [tilespmem:s9], [sflag:$0x4], $0x2000, $0x38;
	[tilespmem:$0x1F800] =	vst v63  }
0xc3: {  	_ =	swait.ge [sflag:s6], $0x2000  }
0xc4: {  	[sflag:s6] =	ssyncset.done $0x0  }
0xc5: {  	[sflag:s6] =	ssyncadd.s32 $0xFFFFE000  }
0xc6: {  	[tilespmem:s9], [sflag:$0x4] =	stream.linear.gather [spmem:s26], $0x2000, $0x38;
	[tilespmem:$0x1F800] =	vst v63  }
0xc7: {  	_ =	swait.ge [sflag:s6], $0x2000  }
0xc8: {  	[sflag:s6] =	ssyncset.done $0x0  }
0xc9: {  	s23 =	rddreg [dreg:$0x9];
	[sflag:s6] =	ssyncadd.s32 $0xFFFFE000  }
0xca: {  	[hbm4b:s23+s4] =	stream.linear.scatter [tilespmem:s9], [sflag:$0x4], $0x2000, $0x38;
	[tilespmem:$0x1F800] =	vst v63  }
0xcb: {  	_ =	swait.ge [sflag:s6], $0x2000  }
0xcc: {  	[sflag:s6] =	ssyncset.done $0x0  }
0xcd: {  	[sflag:s6] =	ssyncadd.s32 $0xFFFFE000  }
0xce: {  	[tilespmem:s9], [sflag:$0x4] =	stream.linear.gather [spmem:s28], $0x2000, $0x38;
	[tilespmem:$0x1F800] =	vst v63  }
0xcf: {  	_ =	swait.ge [sflag:s6], $0x2000  }
0xd0: {  	[sflag:s6] =	ssyncset.done $0x0  }
0xd1: {  	s24 =	rddreg [dreg:$0xa];
	[sflag:s6] =	ssyncadd.s32 $0xFFFFE000  }
0xd2: {  	[hbm4b:s24+s4] =	stream.linear.scatter [tilespmem:s9], [sflag:$0x4], $0x2000, $0x38;
	[tilespmem:$0x1F800] =	vst v63  }
0xd3: {  	_ =	swait.ge [sflag:s6], $0x2000  }
0xd4: {  	[sflag:s6] =	ssyncset.done $0x0  }
0xd5: {  	[sflag:s6] =	ssyncadd.s32 $0xFFFFE000  }
0xd6: {  	[tilespmem:s17], [sflag:$0x4] =	stream.linear.gather @!p0 [spmem:s29], $0x800, $0x38;
	[tilespmem:$0x1F800] =	vst v63  }
0xd7: {  	_ =	swait.ge @!p0 [sflag:s18], $0x800  }
0xd8: {  	[sflag:s18] =	ssyncset.done @!p0 $0x0  }
0xd9: {  	s19 =	simm.s32 @!p0 $0x0;
	s20 =	rddreg [dreg:$0xb];
	[sflag:s18] =	ssyncadd.s32 @!p0 $0xFFFFF800  }
0xda: {  	[hbm4b:s20+s19] =	stream.linear.scatter @!p0 [tilespmem:s17], [sflag:$0x4], $0x800, $0x38;
	[tilespmem:$0x1F800] =	vst v63  }
0xdb: {  	_ =	swait.ge @!p0 [sflag:s18], $0x800  }
0xdc: {  	[sflag:s18] =	ssyncset.done @!p0 $0x0  }
0xdd: {  	[sflag:s18] =	ssyncadd.s32 @!p0 $0xFFFFF800  }
0xde: {  	[tilespmem:s17], [sflag:$0x4] =	stream.linear.gather @!p0 [spmem:s30], $0x800, $0x38;
	[tilespmem:$0x1F800] =	vst v63  }
0xdf: {  	_ =	swait.ge @!p0 [sflag:s18], $0x800  }
0xe0: {  	[sflag:s18] =	ssyncset.done @!p0 $0x0  }
0xe1: {  	s20 =	rddreg [dreg:$0xc];
	[sflag:s18] =	ssyncadd.s32 @!p0 $0xFFFFF800  }
0xe2: {  	[hbm4b:s20+s19] =	stream.linear.scatter @!p0 [tilespmem:s17], [sflag:$0x4], $0x800, $0x38;
	[tilespmem:$0x1F800] =	vst v63  }
0xe3: {  	_ =	swait.ge @!p0 [sflag:s18], $0x800  }
0xe4: {  	[sflag:s18] =	ssyncset.done @!p0 $0x0  }
0xe5: {  	[sflag:s18] =	ssyncadd.s32 @!p0 $0xFFFFF800  }
0xe6: {  	[tilespmem:s17], [sflag:$0x4] =	stream.linear.gather @!p0 [spmem:s31], $0x800, $0x38;
	[tilespmem:$0x1F800] =	vst v63  }
0xe7: {  	_ =	swait.ge @!p0 [sflag:s18], $0x800  }
0xe8: {  	[sflag:s18] =	ssyncset.done @!p0 $0x0  }
0xe9: {  	s20 =	rddreg [dreg:$0xd];
	[sflag:s18] =	ssyncadd.s32 @!p0 $0xFFFFF800  }
0xea: {  	[hbm4b:s20+s19] =	stream.linear.scatter @!p0 [tilespmem:s17], [sflag:$0x4], $0x800, $0x38;
	[tilespmem:$0x1F800] =	vst v63  }
0xeb: {  	_ =	swait.ge @!p0 [sflag:s18], $0x800  }
0xec: {  	[sflag:s18] =	ssyncset.done @!p0 $0x0  }
0xed: {  	[sflag:s18] =	ssyncadd.s32 @!p0 $0xFFFFF800  }
0xee: {  	[tilespmem:s17], [sflag:$0x4] =	stream.linear.gather @!p0 [spmem:s13], $0x800, $0x38;
	[tilespmem:$0x1F800] =	vst v63  }
0xef: {  	_ =	swait.ge @!p0 [sflag:s18], $0x800  }
0xf0: {  	[sflag:s18] =	ssyncset.done @!p0 $0x0  }
0xf1: {  	s20 =	rddreg [dreg:$0xe];
	[sflag:s18] =	ssyncadd.s32 @!p0 $0xFFFFF800  }
0xf2: {  	[hbm4b:s20+s19] =	stream.linear.scatter @!p0 [tilespmem:s17], [sflag:$0x4], $0x800, $0x38;
	[tilespmem:$0x1F800] =	vst v63  }
0xf3: {  	_ =	swait.ge @!p0 [sflag:s18], $0x800  }
0xf4: {  	[sflag:s18] =	ssyncset.done @!p0 $0x0  }
0xf5: {  	[sflag:s18] =	ssyncadd.s32 @!p0 $0xFFFFF800  }
0xf6: {  	[tilespmem:s17], [sflag:$0x4] =	stream.linear.gather @!p0 [spmem:s0], $0x800, $0x38;
	[tilespmem:$0x1F800] =	vst v63  }
0xf7: {  	_ =	swait.ge @!p0 [sflag:s18], $0x800  }
0xf8: {  	[sflag:s18] =	ssyncset.done @!p0 $0x0  }
0xf9: {  	s20 =	rddreg [dreg:$0xf];
	[sflag:s18] =	ssyncadd.s32 @!p0 $0xFFFFF800  }
0xfa: {  	[hbm4b:s20+s19] =	stream.linear.scatter @!p0 [tilespmem:s17], [sflag:$0x4], $0x800, $0x38;
	[tilespmem:$0x1F800] =	vst v63  }
0xfb: {  	_ =	swait.ge @!p0 [sflag:s18], $0x800  }
0xfc: {  	s16 =	sadd.s32 $0x1, s16;
	s25 =	rddreg [dreg:$0x14]  }
0xfd: {  	p1 =	sne.s32 s16, s25  }
.Ltmp1:
0xfe: {  	_ = 	snop;
	(pc) =	sbr.rel @p1 .LBB2_1-.Ltmp1, $3  }
0xff: {  	_ =	sdelay $0x1  }
0x100: {  	[sflag:s18] =	ssyncset.done @!p0 $0x0  }
0x101: {  	[sflag:s18] =	ssyncadd.s32 @!p0 $0xFFFFF800  }
0x102: {  	_ =	sfence.sel $0x180000  }
0x103: {  	[bflag:$0x0] =	sbarrier.arrive $0xFFFF  }
0x104: {  	_ =	strace $0x90000047  }
0x105: {  	s0 =	stileid.u32;
	[bflag:$0x2] =	sbarrier.arrive $0xFFFF  }
0x106: {  	p0 =	sne.s32 s0, $0x0;
	s0 =	rddreg [dreg:$0x5]  }
0x107: {  	s0 =	sadd.s32 @!p0 $0x100000, s0  }
0x108: {  	[sflag:s0] =	ssyncadd.tile.s32 @!p0 $0x1;
	_ =	shalt  }
.Lfunc_end2:
_tile_overlayer_lowered:
.L_overlay_start_2:
0x109: {  	(tag) =	ssettag $0x2  }
0x10a: {  	s0 =	rddreg [dreg:$0x0];
	s2 =	stileid.u32  }
0x10b: {  	s1 =	rddreg [dreg:$0x1];
	p0 =	sne.s32 s2, $0x0  }
0x10c: {  	s3 =	rddreg [dreg:$0x2];
	[bflag:$0x3] =	sbarrier.arrive $0xFFFF;
	s2 =	simm.s32 @!p0 $0x1C04  }
0x10d: {  	[timem:s3], [sflag:s2] =	dma.local @!p0 [hbm:s0], s1  }
0x10e: {  	s0 =	simm.s32 @!p0 $0x4  }
0x10f: {  	_ =	swait.ge @!p0 [sflag:s0], s1  }
0x110: {  	s1 =	ssub.s32 @!p0 $0x0, s1;
	[sflag:s0] =	ssyncset.done @!p0 $0x0  }
0x111: {  	[sflag:s0] =	ssyncadd.s32 @!p0 s1  }
0x112: {  	[bflag:$0x3] =	sbarrier.arrive $0xFFFF  }
0x113: {  	_ =	shalt  }

// kernel: kernel.14.cloned.1.call-start
scs
__scs_entry_jumppad:
0x0: {  	(pc) =	sbr.rel $0x88, $3  }
0x1: {  	(tag) =	ssettag $0x0;
	lr =	simm.s32 $0x1  }
0x2: {  	[smem:$0x3F88] =	sst lr;
	_ =	strace $0xD0000000  }
0x3: {  	_ = 	snop  }
0x4: {  	_ = 	snop  }
0x5: {  	_ = 	snop  }
0x6: {  	_ = 	snop  }
0x7: {  	_ = 	snop  }
__scs_overlays_trampoline_lowered:
0x8: {  	[smem:$0x3F97] =	sst s0  }
0x9: {  	[smem:$0x3F98] =	sst s1  }
0xa: {  	[smem:$0x3F99] =	sst s2  }
0xb: {  	[smem:$0x3F9A] =	sst s3  }
0xc: {  	[smem:$0x3F9B] =	sst s4  }
0xd: {  	[smem:$0x3F9C] =	sst s5  }
0xe: {  	[smem:$0x3F9D] =	sst s6  }
0xf: {  	[smem:$0x3F9E] =	sst s7  }
0x10: {  	[smem:$0x3F9F] =	sst s8  }
0x11: {  	[smem:$0x3FA0] =	sst s9;
	s0 =	simm.s32 @!p0 $0x0  }
0x12: {  	s1 =	sld [smem:$0x3F86];
	s0 =	simm.s32 @p0 $0x1  }
0x13: {  	[smem:$0x3FA1] =	sst s0;
	s0 =	simm.s32 @!p1 $0x0  }
0x14: {  	s2 =	sld [smem:$0x3F85];
	s0 =	simm.s32 @p1 $0x1  }
0x15: {  	[smem:$0x3FA2] =	sst s0;
	s0 =	simm.s32 @!p2 $0x0  }
0x16: {  	s3 =	sld [smem:$0x3FDB];
	s0 =	simm.s32 @p2 $0x1  }
0x17: {  	s4 =	simm.s32 $0x1BF5;
	[smem:$0x3FA4] =	sst s0  }
0x18: {  	s0 =	sld [smem:$0x3F87];
	_ =	swait.ge [sflag:s4], $0x0  }
0x19: {  	s7 =	sld [smem:$0x3F88]  }
0x1a: {  	s8 =	sadd.s32 $0xFFFFE003, lr  }
0x1b: {  	s9 =	sadd.s32 $0xFFFFFEF7, lr;
	s5 =	simm.s32 $0xFFFFFFFF;
	p2 =	slt.u32 s8, $0xFFFFF086  }
0x1c: {  	p1 =	slt.u32 s9, $0xF7A;
	s5 =	simm.s32 @!p2 $0x0  }
0x1d: {  	s5 =	simm.s32 @p1 $0x1;
	p0 =	seq.s32 s7, s2  }
0x1e: {  	s7 =	smul.u32 @!p0 $0xF7A, s2;
	p2 =	seq.s32 @!p0 s5, $0x0  }
0x1f: {  	s9 =	smul.u32 $0xF7A, s1;
	s8 =	simm.s32 @!p0 $0x1BF5;
	p2 =	por !p2, p0  }
0x20: {  	[sflag:s8] =	ssyncset.s32 @!p0 $0xFFFFF086;
	s6 =	sadd.s32 @!p0 s3, s7;
	s7 =	simm.s32 @!p0 $0x108  }
0x21: {  	s3 =	sadd.s32 s3, s9;
	s6 =	sadd.s32 @!p0 $0x88, s6;
	s7 =	simm.s32 @p2 $0x1082  }
0x22: {  	[simem:s7], [sflag:s8] =	dma.local @!p0 [hbm:s6], $0xF7A  }
0x23: {  	s9 =	sor.u32 $0xD0000000, s2;
	s6 =	simm.s32 $0x108;
	_ =	swait.ge @!p0 [sflag:s8], $0x0  }
0x24: {  	s3 =	sadd.s32 $0x88, s3;
	s6 =	simm.s32 @!p1 $0x1082;
	[sflag:s4] =	ssyncset.s32 $0xFFFFF086  }
0x25: {  	[simem:s6], [sflag:s4] =	dma.local [hbm:s3], $0xF7A  }
0x26: {  	[smem:$0x3F88] =	sst s1;
	(tag) =	ssettag s2;
	_ =	strace s9  }
0x27: {  	s1 =	sld [smem:$0x3F98]  }
0x28: {  	s2 =	sld [smem:$0x3F99]  }
0x29: {  	s4 =	sld [smem:$0x3F9B]  }
0x2a: {  	p0 =	seq.s32 s5, $0x0;
	s5 =	sld [smem:$0x3F9C]  }
0x2b: {  	s6 =	sld [smem:$0x3F9D]  }
0x2c: {  	s7 =	sld [smem:$0x3F9E]  }
0x2d: {  	s3 =	simm.s32 $0x108;
	s8 =	sld [smem:$0x3F9F]  }
0x2e: {  	s3 =	simm.s32 @!p0 $0x1082;
	s9 =	sld [smem:$0x3FA0]  }
0x2f: {  	lr =	sadd.s32 s0, s3;
	s0 =	sld [smem:$0x3F97]  }
0x30: {  	s3 =	sld [smem:$0x3F9A]  }
0x31: {  	[smem:$0x3FA3] =	sst s10  }
0x32: {  	s10 =	sld [smem:$0x3FA1];
	_ =	sdelay $0x3  }
0x33: {  	p0 =	seq.s32 s10, $0x1;
	s10 =	sld [smem:$0x3FA3];
	_ =	sdelay $0x3  }
0x34: {  	[smem:$0x3FA3] =	sst s10  }
0x35: {  	s10 =	sld [smem:$0x3FA2];
	_ =	sdelay $0x3  }
0x36: {  	p1 =	seq.s32 s10, $0x1;
	s10 =	sld [smem:$0x3FA3];
	_ =	sdelay $0x3  }
0x37: {  	[smem:$0x3FA3] =	sst s10  }
0x38: {  	s10 =	sld [smem:$0x3FA4]  }
0x39: {  	_ = 	snop;
	(pc) =	sbr.ind lr, $3  }
0x3a: {  	_ = 	snop  }
0x3b: {  	_ = 	snop  }
0x3c: {  	p2 =	seq.s32 s10, $0x1;
	s10 =	sld [smem:$0x3FA3]  }
0x3d: {  	_ =	shalt  }
0x3e: {  	_ =	shalt  }
0x3f: {  	_ =	shalt  }
0x40: {  	_ =	shalt  }
0x41: {  	_ =	shalt  }
0x42: {  	_ =	shalt  }
0x43: {  	_ =	shalt  }
0x44: {  	_ =	shalt  }
0x45: {  	_ =	shalt  }
0x46: {  	_ =	shalt  }
0x47: {  	_ =	shalt  }
0x48: {  	_ =	shalt  }
0x49: {  	_ =	shalt  }
0x4a: {  	_ =	shalt  }
0x4b: {  	_ =	shalt  }
0x4c: {  	_ =	shalt  }
0x4d: {  	_ =	shalt  }
0x4e: {  	_ =	shalt  }
0x4f: {  	_ =	shalt  }
0x50: {  	_ =	shalt  }
0x51: {  	_ =	shalt  }
0x52: {  	_ =	shalt  }
0x53: {  	_ =	shalt  }
0x54: {  	_ =	shalt  }
0x55: {  	_ =	shalt  }
0x56: {  	_ =	shalt  }
0x57: {  	_ =	shalt  }
0x58: {  	_ =	shalt  }
0x59: {  	_ =	shalt  }
0x5a: {  	_ =	shalt  }
0x5b: {  	_ =	shalt  }
0x5c: {  	_ =	shalt  }
0x5d: {  	_ =	shalt  }
0x5e: {  	_ =	shalt  }
0x5f: {  	_ =	shalt  }
0x60: {  	_ =	shalt  }
0x61: {  	_ =	shalt  }
0x62: {  	_ =	shalt  }
0x63: {  	_ =	shalt  }
0x64: {  	_ =	shalt  }
0x65: {  	_ =	shalt  }
0x66: {  	_ =	shalt  }
0x67: {  	_ =	shalt  }
0x68: {  	_ =	shalt  }
0x69: {  	_ =	shalt  }
0x6a: {  	_ =	shalt  }
0x6b: {  	_ =	shalt  }
0x6c: {  	_ =	shalt  }
0x6d: {  	_ =	shalt  }
0x6e: {  	_ =	shalt  }
0x6f: {  	_ =	shalt  }
0x70: {  	_ =	shalt  }
0x71: {  	_ =	shalt  }
0x72: {  	_ =	shalt  }
0x73: {  	_ =	shalt  }
0x74: {  	_ =	shalt  }
0x75: {  	_ =	shalt  }
0x76: {  	_ =	shalt  }
0x77: {  	_ =	shalt  }
0x78: {  	_ =	shalt  }
0x79: {  	_ =	shalt  }
0x7a: {  	_ =	shalt  }
0x7b: {  	_ =	shalt  }
0x7c: {  	_ =	shalt  }
0x7d: {  	_ =	shalt  }
0x7e: {  	_ =	shalt  }
0x7f: {  	_ =	shalt  }
0x80: {  	_ =	shalt  }
0x81: {  	_ =	shalt  }
0x82: {  	_ =	shalt  }
0x83: {  	_ =	shalt  }
0x84: {  	_ =	shalt  }
0x85: {  	_ =	shalt  }
0x86: {  	_ =	shalt  }
0x87: {  	_ =	shalt  }
.Lfunc_end0:
.L_simem_size_0:
called_computation.1_lowered:
.L_overlay_start_0:
0x88: {  	s2 =	sld [smem:$0x3FD9]  }
0x89: {  	s3 =	sld [smem:$0x3FFE];
	_ =	sdelay $0x1  }
0x8a: {  	s1 =	srdreg.scid  }
0x8b: {  	s0 =	sand.u32 $0x1, s1  }
0x8c: {  	s17 =	sshll.u32 s0, $0xA;
	s2 =	sadd.s32 s3, s2  }
0x8d: {  	s2 =	sadd.s32 s2, s17  }
0x8e: {  	[smem:$0x3FAF] =	sst s2  }
0x8f: {  	_ = 	snop  }
0x90: {  	(tm) =	ssettm $0x1  }
0x91: {  	s18 =	sld [smem:$0x3FFB];
	_ =	sdelay $0x3  }
0x92: {  	_ =	strace s18  }
0x93: {  	s2 =	sld [smem:$0x3FFC];
	_ =	sdelay $0x3  }
0x94: {  	_ =	strace s2  }
0x95: {  	s2 =	sld [smem:$0x3FFD];
	_ =	sdelay $0x3  }
0x96: {  	_ =	strace s2  }
0x97: {  	_ =	strace $0x8FFFFFFF  }
0x98: {  	s19 =	sld [smem:$0x3FDB];
	_ =	sdelay $0x1  }
0x99: {  	s20 =	simm.s32 $_scs_section_size  }
0x9a: {  	s4 =	simm.s32 $_size__tile_overlayer_lowered;
	s5 =	simm.s32 $_tile_overlayer_lowered  }
0x9b: {  	s6 =	simm.s32 $0x1BFF;
	s21 =	sshll.u32 s5, $0x1;
	s3 =	sadd.s32 s20, s19  }
0x9c: {  	s22 =	simm.s32 $0x0;
	s4 =	sshll.u32 s4, $0x1;
	s5 =	sadd.s32 s21, s3  }
0x9d: {  	[timem:s22], [sflag:s6] =	dma.local [hbm:s5], s4  }
0x9e: {  	_ =	swait.ge [sflag:s6], s4  }
0x9f: {  	s4 =	ssub.s32 $0x0, s4;
	[sflag:s6] =	ssyncset.done $0x0  }
0xa0: {  	[sflag:s6] =	ssyncadd.s32 s4;
	_ =	sdelay $0x1  }
0xa1: {  	s23 =	simm.s32 $0x1B8B  }
0xa2: {  	_ =	swait.ge [sflag:s23], $0x1  }
0xa3: {  	[sflag:s23] =	ssyncset.done $0x0  }
0xa4: {  	[sflag:s23] =	ssyncadd.s32 $0xFFFFFFFF  }
0xa5: {  	s4 =	sld [smem:$0x0]  }
0xa6: {  	s5 =	sand.u32 $0xFFFFFFFE, s1  }
0xa7: {  	p0 =	sne.s32 s1, s5  }
0xa8: {  	s5 =	sshll.u32 @p0 s5, $0xE  }
0xa9: {  	s5 =	sadd.s32 @p0 $0x11B8D, s5;
	s6 =	sshll.u32 @p0 s4, $0x11  }
0xaa: {  	s5 =	sor.u32 @p0 s6, s5  }
0xab: {  	[sflag:s5] =	ssyncadd.remote.s32 @p0 $0x1;
	_ =	sdelay $0x1  }
0xac: {  	s5 =	simm.s32 @p0 $0x1B8D  }
0xad: {  	_ =	swait.eq @p0 [sflag:s5], $0x1  }
0xae: {  	[sflag:s5] =	ssyncadd.s32 @p0 $0xFFFFFFFF  }
0xaf: {  	s6 =	sshll.u32 @!p0 s1, $0xE  }
0xb0: {  	s6 =	sor.u32 @!p0 $0x4000, s6;
	s5 =	simm.s32 @!p0 $0x1B8D  }
0xb1: {  	s4 =	sshll.u32 @!p0 s4, $0x11;
	s6 =	sadd.s32 @!p0 $0x11B8D, s6;
	_ =	swait.eq @!p0 [sflag:s5], $0x1  }
0xb2: {  	s4 =	sor.u32 @!p0 s4, s6;
	[sflag:s5] =	ssyncadd.s32 @!p0 $0xFFFFFFFF  }
0xb3: {  	s25 =	simm.s32 $0x1B8E;
	s24 =	sld [smem:$0x3FFE];
	[sflag:s4] =	ssyncadd.remote.s32 @!p0 $0x1  }
0xb4: {  	s26 =	simm.s32 $execute0_lowered;
	[smem:$0x3FD2] =	sst s25  }
0xb5: {  	s5 =	sshll.u32 s26, $0x1;
	_ =	strace $0x8000004C;
	[dreg:$0x1] =	wrdreg $0xFFFFFFFF  }
0xb6: {  	s28 =	simm.s32 $_size_execute0_lowered;
	s3 =	sadd.s32 s3, s5;
	[dreg:$0x0] =	wrdreg $0x0  }
0xb7: {  	s5 =	sshll.u32 s28, $0x1;
	[dreg:$0x2] =	wrdreg s3  }
0xb8: {  	[dreg:$0x3] =	wrdreg s5  }
0xb9: {  	[dreg:$0x4] =	wrdreg $0xC0  }
0xba: {  	_ =	task [dreg:s22], $0x5FFFF  }
0xbb: {  	[dreg:$0x1] =	wrdreg $0xFFFFFFFF  }
0xbc: {  	[dreg:$0x0] =	wrdreg $0x60  }
0xbd: {  	[dreg:$0x2] =	wrdreg s24  }
0xbe: {  	[dreg:$0x3] =	wrdreg $0x120000  }
0xbf: {  	[dreg:$0x4] =	wrdreg $0x9  }
0xc0: {  	_ =	task.clear_ibuf [dreg:s22], $0x5FFFF;
	_ =	strace $0x9000004C  }
0xc1: {  	s29 =	simm.s32 $0x9;
	_ =	strace $0x8000004E  }
0xc2: {  	_ =	swait.ge [sflag:s29], $0x1  }
0xc3: {  	[sflag:s29] =	ssyncadd.s32 $0xFFFFFFFF  }
0xc4: {  	_ =	strace $0x9000004E  }
0xc5: {  	_ =	sfence  }
0xc6: {  	s30 =	sld [smem:$0x0];
	_ =	sdelay $0x2  }
0xc7: {  	s31 =	sshll.u32 s1, $0xD;
	s1 =	sshrl.u32 s1, $0x2  }
0xc8: {  	s4 =	sand.u32 $0x4000, s31;
	s1 =	sadd.s32 s1, s30  }
0xc9: {  	s0 =	sor.u32 s4, s0;
	s1 =	sshll.u32 s1, $0x11  }
0xca: {  	s0 =	sor.u32 s1, s0  }
0xcb: {  	s0 =	sadd.s32 $0x8F2B, s0  }
0xcc: {  	[sflag:s0] =	ssyncadd.remote.s32 $0x1  }
0xcd: {  	_ =	sfence.sel $0xFFFF  }
0xce: {  	[dreg:$0x0] =	wrdreg $0xFFFFFFFF;
	(pc) =	sbr.abs _section_cstart, $3  }
0xcf: {  	[dreg:$0x1] =	wrdreg $0xFFFFFFFF  }
0xd0: {  	_ =	task.clear_ibuf [dreg:s22], $0x2FFFF;
	_ =	strace $0x9FFFFFFF  }
0xd1: {  	(tm) =	ssettm $0x7FFFFFFF  }
tec
execute0_lowered:
.L_overlay_start_1:
0x0: {  	(tag) =	ssettag $0x1  }
0x1: {  	s0 =	rddreg [dreg:$0x0];
	s1 =	srdreg.scid  }
0x2: {  	s12 =	stileid.u32;
	s2 =	rddreg [dreg:$0x1];
	s3 =	simm.s32 $0x0  }
0x3: {  	s22 =	simm.s32 $0x4;
	s28 =	simm.s32 $0x2;
	s5 =	smul.u32 $0x5000, s12  }
0x4: {  	s29 =	simm.s32 $0x3;
	s1 =	sand.u32 $0x1, s1;
	s10 =	smul.u32 $0x28000, s12  }
0x5: {  	[smem:$0x7FF] =	sst s3;
	s23 =	sadd.s32 $0x24A00, s0;
	s15 =	smul.u32 $0xA000, s12  }
0x6: {  	s25 =	sshll.u32 s12, $0x6;
	s4 =	smul.u32 $0x50000, s1;
	_ =	strace $0x8000004D  }
0x7: {  	s8 =	ssub.s32 $0x2, s1;
	[dreg:$0x3] =	wrdreg s23;
	s1 =	smul.u32 $0xA0000, s1  }
0x8: {  	s23 =	simm.s32 $0x1;
	s9 =	sshrl.u32 s8, $0x1;
	s24 =	sshrl.u32 s10, $0x2  }
0x9: {  	s30 =	sadd.s32 $0x2000, s15;
	s16 =	sadd.s32 $0x4000, s15;
	s17 =	sadd.s32 $0x6000, s15  }
0xa: {  	s19 =	sadd.s32 $0x8000, s15;
	s6 =	sadd.s32 s5, s4;
	s4 =	sadd.s32 $0x4D200, s0  }
0xb: {  	s5 =	sshrl.u32 s5, $0x3;
	s11 =	ssub.s32 s8, s9;
	s20 =	sadd.s32 s24, s2  }
0xc: {  	s8 =	sor.u32 $0x1C04, s25;
	s26 =	sadd.s32 s1, s15;
	s9 =	sadd.s32 s15, s2  }
0xd: {  	s14 =	sadd.s32 s1, s30;
	s12 =	sadd.s32 s30, s2;
	s18 =	sadd.s32 s1, s17  }
0xe: {  	s24 =	simm.s32 $0x100;
	s25 =	simm.s32 $0xA000;
	s6 =	sshrl.u32 s6, $0x3  }
0xf: {  	s7 =	sadd.s32 s5, s0;
	s13 =	sshrl.u32 s26, $0x3;
	s10 =	smax.u32 s11, $0x1  }
0x10: {  	s31 =	sshrl.u32 s14, $0x3;
	s14 =	sadd.s32 s16, s2;
	s16 =	sadd.s32 s1, s16  }
0x11: {  	s18 =	sshrl.u32 s18, $0x3;
	s1 =	sadd.s32 s1, s19;
	s21 =	sshrl.u32 s20, $0x3  }
0x12: {  	s26 =	simm.s32 $0xE000;
	s6 =	sadd.s32 s6, s0;
	s0 =	sadd.s32 $0x13D800, s0  }
0x13: {  	s7 =	sadd.s32 $0x1AA00, s7;
	s16 =	sshrl.u32 s16, $0x3;
	s1 =	sshrl.u32 s1, $0x3  }
0x14: {  	s6 =	sadd.s32 $0x6A00, s6;
	s11 =	sadd.s32 s0, s13;
	s13 =	sadd.s32 s0, s31  }
0x15: {  	s15 =	sadd.s32 s0, s16;
	s16 =	sadd.s32 s17, s2;
	s17 =	sadd.s32 s0, s18  }
0x16: {  	s18 =	sadd.s32 s19, s2;
	s19 =	sadd.s32 s0, s1;
	s0 =	simm.s32 $0x0  }
.LBB2_1:
0x17: {  	[tilespmem:s3], [sflag:$0x1] =	stream.linear.gather [hbm4b:s6+s3], $0x5000, $0x38;
	[tilespmem:$0x1C000] =	vst v63  }
0x18: {  	s1 =	simm.s32 $0x5000;
	s31 =	rddreg [dreg:$0x3]  }
0x19: {  	[tilespmem:s1], [sflag:$0x1] =	stream.linear.gather [hbm4b:s7+s3], $0x5000, $0x38;
	[tilespmem:$0x1C000] =	vst v63  }
0x1a: {  	[spmem:s21], [sflag:s8] =	dma.local [hbm:s31], $0x1400  }
0x1b: {  	_ =	swait.ge [sflag:s22], $0x1400  }
0x1c: {  	[sflag:s22] =	ssyncset.done $0x0  }
0x1d: {  	[sflag:s22] =	ssyncadd.s32 $0xFFFFEC00  }
0x1e: {  	_ =	swait.ge [sflag:s23], $0x5000  }
0x1f: {  	[sflag:s23] =	ssyncset.done $0x0  }
0x20: {  	[sflag:s23] =	ssyncadd.s32 $0xFFFFB000  }
0x21: {  	_ =	swait.ge [sflag:s23], $0x5000  }
0x22: {  	[sflag:s23] =	ssyncset.done $0x0  }
0x23: {  	[sflag:s23] =	ssyncadd.s32 $0xFFFFB000  }
0x24: {  	[tilespmem:s25], [sflag:$0x2] =	stream.indirect.gather [hbm4b:s4+s24], $0x40, s3, s24, $0xb8;
	[tilespmem:$0x1C000] =	vst v63  }
0x25: {  	s20 =	simm.s32 $0x100;
	[bflag:$0x0] =	sbarrier.arrive $0xFFFF  }
0x26: {  	[tilespmem:s26], [sflag:$0x3] =	stream.indirect.gather [hbm4b:s4+s24], $0x40, s20, s24, $0xb8;
	[tilespmem:$0x1C000] =	vst v63  }
0x27: {  	_ =	swait.ge [sflag:s28], $0x4000  }
0x28: {  	[sflag:s28] =	ssyncset.done $0x0  }
0x29: {  	s1 =	simm.s32 $0x5000;
	[sflag:s28] =	ssyncadd.s32 $0xFFFFC000  }
0x2a: {  	[spmem:s2] =	stream.indirect.scatter.add.f32 [tilespmem:s25], [sflag:$0x4], $0x40, s1, s24, $0xb8;
	[tilespmem:$0x1C000] =	vst v63  }
0x2b: {  	_ =	swait.ge [sflag:s22], $0x4000  }
0x2c: {  	[sflag:s22] =	ssyncset.done $0x0  }
0x2d: {  	s5 =	simm.s32 $0x200;
	[sflag:s22] =	ssyncadd.s32 $0xFFFFC000  }
0x2e: {  	[tilespmem:s25], [sflag:$0x2] =	stream.indirect.gather [hbm4b:s4+s24], $0x40, s5, s24, $0xb8;
	[tilespmem:$0x1C000] =	vst v63  }
0x2f: {  	_ =	swait.ge [sflag:s29], $0x4000  }
0x30: {  	[sflag:s29] =	ssyncset.done $0x0  }
0x31: {  	s31 =	simm.s32 $0x5100;
	[sflag:s29] =	ssyncadd.s32 $0xFFFFC000  }
0x32: {  	[spmem:s2] =	stream.indirect.scatter.add.f32 [tilespmem:s26], [sflag:$0x4], $0x40, s31, s24, $0xb8;
	[tilespmem:$0x1C000] =	vst v63  }
0x33: {  	_ =	swait.ge [sflag:s22], $0x4000  }
0x34: {  	s30 =	simm.s32 $0x1000;
	s20 =	simm.s32 $0x200;
	[sflag:s22] =	ssyncset.done $0x0  }
.LBB2_2:
0x35: {  	s31 =	sadd.s32 $0x100, s20  }
0x36: {  	[sflag:s22] =	ssyncadd.s32 $0xFFFFC000;
	s1 =	smov.u32 s30;
	s5 =	sadd.s32 $0x800, s30  }
0x37: {  	[tilespmem:s26], [sflag:$0x3] =	stream.indirect.gather [hbm4b:s4+s24], $0x40, s31, s24, $0xb8;
	[tilespmem:$0x1C000] =	vst v63  }
0x38: {  	p0 =	sne.s32 s30, $0x13000;
	_ =	swait.ge [sflag:s28], $0x4000  }
0x39: {  	[sflag:s28] =	ssyncset.done $0x0  }
0x3a: {  	s30 =	sadd.s32 $0x5000, s20;
	[sflag:s28] =	ssyncadd.s32 $0xFFFFC000  }
0x3b: {  	[spmem:s2] =	stream.indirect.scatter.add.f32 [tilespmem:s25], [sflag:$0x4], $0x40, s30, s24, $0xb8;
	[tilespmem:$0x1C000] =	vst v63  }
0x3c: {  	_ =	swait.ge [sflag:s22], $0x4000  }
0x3d: {  	[sflag:s22] =	ssyncset.done $0x0  }
0x3e: {  	s30 =	sadd.s32 $0x200, s20;
	[sflag:s22] =	ssyncadd.s32 $0xFFFFC000  }
0x3f: {  	[tilespmem:s25], [sflag:$0x2] =	stream.indirect.gather [hbm4b:s4+s24], $0x40, s30, s24, $0xb8;
	[tilespmem:$0x1C000] =	vst v63  }
0x40: {  	_ =	swait.ge [sflag:s29], $0x4000  }
.Ltmp0:
0x41: {  	[sflag:s29] =	ssyncset.done $0x0;
	(pc) =	sbr.rel @p0 .LBB2_2-.Ltmp0, $4  }
0x42: {  	s20 =	sadd.s32 $0x5100, s20;
	[sflag:s29] =	ssyncadd.s32 $0xFFFFC000  }
0x43: {  	[spmem:s2] =	stream.indirect.scatter.add.f32 [tilespmem:s26], [sflag:$0x4], $0x40, s20, s24, $0xb8;
	[tilespmem:$0x1C000] =	vst v63  }
0x44: {  	_ =	swait.ge [sflag:s22], $0x4000  }
0x45: {  	s30 =	smov.u32 s5;
	s20 =	sshra.s32 s1, $0x2;
	[sflag:s22] =	ssyncset.done $0x0  }
0x46: {  	s1 =	sadd.s32 $0x100, s20;
	[sflag:s22] =	ssyncadd.s32 $0xFFFFC000  }
0x47: {  	[tilespmem:s26], [sflag:$0x3] =	stream.indirect.gather [hbm4b:s4+s24], $0x40, s1, s24, $0xb8;
	[tilespmem:$0x1C000] =	vst v63  }
0x48: {  	_ =	swait.ge [sflag:s28], $0x4000  }
0x49: {  	[sflag:s28] =	ssyncset.done $0x0  }
0x4a: {  	s30 =	sadd.s32 $0x5000, s20;
	[sflag:s28] =	ssyncadd.s32 $0xFFFFC000  }
0x4b: {  	[spmem:s2] =	stream.indirect.scatter.add.f32 [tilespmem:s25], [sflag:$0x4], $0x40, s30, s24, $0xb8;
	[tilespmem:$0x1C000] =	vst v63  }
0x4c: {  	_ =	swait.ge [sflag:s22], $0x4000  }
0x4d: {  	[sflag:s22] =	ssyncset.done $0x0  }
0x4e: {  	s31 =	sadd.s32 $0x200, s20;
	[sflag:s22] =	ssyncadd.s32 $0xFFFFC000  }
0x4f: {  	[tilespmem:s25], [sflag:$0x2] =	stream.indirect.gather [hbm4b:s4+s24], $0x40, s31, s24, $0xb8;
	[tilespmem:$0x1C000] =	vst v63  }
0x50: {  	_ =	swait.ge [sflag:s29], $0x4000  }
0x51: {  	[sflag:s29] =	ssyncset.done $0x0  }
0x52: {  	s5 =	sadd.s32 $0x5100, s20;
	[sflag:s29] =	ssyncadd.s32 $0xFFFFC000  }
0x53: {  	[spmem:s2] =	stream.indirect.scatter.add.f32 [tilespmem:s26], [sflag:$0x4], $0x40, s5, s24, $0xb8;
	[tilespmem:$0x1C000] =	vst v63  }
0x54: {  	_ =	swait.ge [sflag:s22], $0x4000  }
0x55: {  	[sflag:s22] =	ssyncset.done $0x0  }
0x56: {  	s20 =	simm.s32 $0x4F00;
	[sflag:s22] =	ssyncadd.s32 $0xFFFFC000  }
0x57: {  	[tilespmem:s26], [sflag:$0x3] =	stream.indirect.gather [hbm4b:s4+s24], $0x40, s20, s24, $0xb8;
	[tilespmem:$0x1C000] =	vst v63  }
0x58: {  	_ =	swait.ge [sflag:s28], $0x4000  }
0x59: {  	[sflag:s28] =	ssyncset.done $0x0  }
0x5a: {  	s30 =	simm.s32 $0x9E00;
	[sflag:s28] =	ssyncadd.s32 $0xFFFFC000  }
0x5b: {  	[spmem:s2] =	stream.indirect.scatter.add.f32 [tilespmem:s25], [sflag:$0x4], $0x40, s30, s24, $0xb8;
	[tilespmem:$0x1C000] =	vst v63  }
0x5c: {  	_ =	swait.ge [sflag:s22], $0x4000  }
0x5d: {  	[sflag:s22] =	ssyncset.done $0x0  }
0x5e: {  	[sflag:s22] =	ssyncadd.s32 $0xFFFFC000  }
0x5f: {  	_ =	swait.ge [sflag:s29], $0x4000  }
0x60: {  	[sflag:s29] =	ssyncset.done $0x0  }
0x61: {  	s31 =	simm.s32 $0x9F00;
	[sflag:s29] =	ssyncadd.s32 $0xFFFFC000  }
0x62: {  	[spmem:s2] =	stream.indirect.scatter.add.f32 [tilespmem:s26], [sflag:$0x4], $0x40, s31, s24, $0xb8;
	[tilespmem:$0x1C000] =	vst v63  }
0x63: {  	_ =	swait.ge [sflag:s22], $0x4000  }
0x64: {  	[sflag:s22] =	ssyncset.done $0x0  }
0x65: {  	[sflag:s22] =	ssyncadd.s32 $0xFFFFC000  }
0x66: {  	[bflag:$0x0] =	sbarrier.arrive $0xFFFF  }
0x67: {  	[tilespmem:s25], [sflag:$0x4] =	stream.linear.gather [spmem:s9], $0x2000, $0x38;
	[tilespmem:$0x1C000] =	vst v63  }
0x68: {  	_ =	swait.ge [sflag:s22], $0x2000  }
0x69: {  	[sflag:s22] =	ssyncset.done $0x0  }
0x6a: {  	[sflag:s22] =	ssyncadd.s32 $0xFFFFE000  }
0x6b: {  	[hbm4b:s11+s3] =	stream.linear.scatter [tilespmem:s25], [sflag:$0x4], $0x2000, $0x38;
	[tilespmem:$0x1C000] =	vst v63  }
0x6c: {  	_ =	swait.ge [sflag:s22], $0x2000  }
0x6d: {  	[sflag:s22] =	ssyncset.done $0x0  }
0x6e: {  	[sflag:s22] =	ssyncadd.s32 $0xFFFFE000  }
0x6f: {  	[tilespmem:s25], [sflag:$0x4] =	stream.linear.gather [spmem:s12], $0x2000, $0x38;
	[tilespmem:$0x1C000] =	vst v63  }
0x70: {  	_ =	swait.ge [sflag:s22], $0x2000  }
0x71: {  	[sflag:s22] =	ssyncset.done $0x0  }
0x72: {  	[sflag:s22] =	ssyncadd.s32 $0xFFFFE000  }
0x73: {  	[hbm4b:s13+s3] =	stream.linear.scatter [tilespmem:s25], [sflag:$0x4], $0x2000, $0x38;
	[tilespmem:$0x1C000] =	vst v63  }
0x74: {  	_ =	swait.ge [sflag:s22], $0x2000  }
0x75: {  	[sflag:s22] =	ssyncset.done $0x0  }
0x76: {  	[sflag:s22] =	ssyncadd.s32 $0xFFFFE000  }
0x77: {  	[tilespmem:s25], [sflag:$0x4] =	stream.linear.gather [spmem:s14], $0x2000, $0x38;
	[tilespmem:$0x1C000] =	vst v63  }
0x78: {  	_ =	swait.ge [sflag:s22], $0x2000  }
0x79: {  	[sflag:s22] =	ssyncset.done $0x0  }
0x7a: {  	[sflag:s22] =	ssyncadd.s32 $0xFFFFE000  }
0x7b: {  	[hbm4b:s15+s3] =	stream.linear.scatter [tilespmem:s25], [sflag:$0x4], $0x2000, $0x38;
	[tilespmem:$0x1C000] =	vst v63  }
0x7c: {  	_ =	swait.ge [sflag:s22], $0x2000  }
0x7d: {  	[sflag:s22] =	ssyncset.done $0x0  }
0x7e: {  	[sflag:s22] =	ssyncadd.s32 $0xFFFFE000  }
0x7f: {  	[tilespmem:s25], [sflag:$0x4] =	stream.linear.gather [spmem:s16], $0x2000, $0x38;
	[tilespmem:$0x1C000] =	vst v63  }
0x80: {  	_ =	swait.ge [sflag:s22], $0x2000  }
0x81: {  	[sflag:s22] =	ssyncset.done $0x0  }
0x82: {  	[sflag:s22] =	ssyncadd.s32 $0xFFFFE000  }
0x83: {  	[hbm4b:s17+s3] =	stream.linear.scatter [tilespmem:s25], [sflag:$0x4], $0x2000, $0x38;
	[tilespmem:$0x1C000] =	vst v63  }
0x84: {  	_ =	swait.ge [sflag:s22], $0x2000  }
0x85: {  	[sflag:s22] =	ssyncset.done $0x0  }
0x86: {  	[sflag:s22] =	ssyncadd.s32 $0xFFFFE000  }
0x87: {  	[tilespmem:s25], [sflag:$0x4] =	stream.linear.gather [spmem:s18], $0x2000, $0x38;
	[tilespmem:$0x1C000] =	vst v63  }
0x88: {  	s0 =	sadd.s32 $0x1, s0;
	_ =	swait.ge [sflag:s22], $0x2000  }
0x89: {  	p0 =	sne.s32 s0, s10;
	[sflag:s22] =	ssyncset.done $0x0  }
.Ltmp1:
0x8a: {  	[sflag:s22] =	ssyncadd.s32 $0xFFFFE000;
	(pc) =	sbr.rel @p0 .LBB2_1-.Ltmp1, $4  }
0x8b: {  	[hbm4b:s19+s3] =	stream.linear.scatter [tilespmem:s25], [sflag:$0x4], $0x2000, $0x38;
	[tilespmem:$0x1C000] =	vst v63  }
0x8c: {  	_ =	swait.ge [sflag:s22], $0x2000  }
0x8d: {  	[sflag:s22] =	ssyncset.done $0x0  }
0x8e: {  	[sflag:s22] =	ssyncadd.s32 $0xFFFFE000  }
0x8f: {  	_ =	sfence.sel $0x180000  }
0x90: {  	[bflag:$0x0] =	sbarrier.arrive $0xFFFF  }
0x91: {  	_ =	strace $0x9000004D  }
0x92: {  	s0 =	stileid.u32;
	[bflag:$0x2] =	sbarrier.arrive $0xFFFF  }
0x93: {  	p0 =	sne.s32 s0, $0x0;
	s0 =	rddreg [dreg:$0x2]  }
0x94: {  	s0 =	sadd.s32 @!p0 $0x100000, s0  }
0x95: {  	[sflag:s0] =	ssyncadd.tile.s32 @!p0 $0x1;
	_ =	shalt  }
.Lfunc_end2:
_tile_overlayer_lowered:
.L_overlay_start_2:
0x96: {  	(tag) =	ssettag $0x2  }
0x97: {  	s0 =	rddreg [dreg:$0x0];
	s2 =	stileid.u32  }
0x98: {  	s1 =	rddreg [dreg:$0x1];
	p0 =	sne.s32 s2, $0x0  }
0x99: {  	s3 =	rddreg [dreg:$0x2];
	[bflag:$0x3] =	sbarrier.arrive $0xFFFF;
	s2 =	simm.s32 @!p0 $0x1C04  }
0x9a: {  	[timem:s3], [sflag:s2] =	dma.local @!p0 [hbm:s0], s1  }
0x9b: {  	s0 =	simm.s32 @!p0 $0x4  }
0x9c: {  	_ =	swait.ge @!p0 [sflag:s0], s1  }
0x9d: {  	s1 =	ssub.s32 @!p0 $0x0, s1;
	[sflag:s0] =	ssyncset.done @!p0 $0x0  }
0x9e: {  	[sflag:s0] =	ssyncadd.s32 @!p0 s1  }
0x9f: {  	[bflag:$0x3] =	sbarrier.arrive $0xFFFF  }
0xa0: {  	_ =	shalt  }

// kernel: kernel.17.cloned.1.call-start
scs
__scs_entry_jumppad:
0x0: {  	(pc) =	sbr.rel $0x88, $3  }
0x1: {  	(tag) =	ssettag $0x0;
	lr =	simm.s32 $0x1  }
0x2: {  	[smem:$0x3F88] =	sst lr;
	_ =	strace $0xD0000000  }
0x3: {  	_ = 	snop  }
0x4: {  	_ = 	snop  }
0x5: {  	_ = 	snop  }
0x6: {  	_ = 	snop  }
0x7: {  	_ = 	snop  }
__scs_overlays_trampoline_lowered:
0x8: {  	[smem:$0x3F97] =	sst s0  }
0x9: {  	[smem:$0x3F98] =	sst s1  }
0xa: {  	[smem:$0x3F99] =	sst s2  }
0xb: {  	[smem:$0x3F9A] =	sst s3  }
0xc: {  	[smem:$0x3F9B] =	sst s4  }
0xd: {  	[smem:$0x3F9C] =	sst s5  }
0xe: {  	[smem:$0x3F9D] =	sst s6  }
0xf: {  	[smem:$0x3F9E] =	sst s7  }
0x10: {  	[smem:$0x3F9F] =	sst s8  }
0x11: {  	[smem:$0x3FA0] =	sst s9;
	s0 =	simm.s32 @!p0 $0x0  }
0x12: {  	s1 =	sld [smem:$0x3F86];
	s0 =	simm.s32 @p0 $0x1  }
0x13: {  	[smem:$0x3FA1] =	sst s0;
	s0 =	simm.s32 @!p1 $0x0  }
0x14: {  	s2 =	sld [smem:$0x3F85];
	s0 =	simm.s32 @p1 $0x1  }
0x15: {  	[smem:$0x3FA2] =	sst s0;
	s0 =	simm.s32 @!p2 $0x0  }
0x16: {  	s3 =	sld [smem:$0x3FDB];
	s0 =	simm.s32 @p2 $0x1  }
0x17: {  	s4 =	simm.s32 $0x1BF5;
	[smem:$0x3FA4] =	sst s0  }
0x18: {  	s0 =	sld [smem:$0x3F87];
	_ =	swait.ge [sflag:s4], $0x0  }
0x19: {  	s7 =	sld [smem:$0x3F88]  }
0x1a: {  	s8 =	sadd.s32 $0xFFFFE003, lr  }
0x1b: {  	s9 =	sadd.s32 $0xFFFFFEF7, lr;
	s5 =	simm.s32 $0xFFFFFFFF;
	p2 =	slt.u32 s8, $0xFFFFF086  }
0x1c: {  	p1 =	slt.u32 s9, $0xF7A;
	s5 =	simm.s32 @!p2 $0x0  }
0x1d: {  	s5 =	simm.s32 @p1 $0x1;
	p0 =	seq.s32 s7, s2  }
0x1e: {  	s7 =	smul.u32 @!p0 $0xF7A, s2;
	p2 =	seq.s32 @!p0 s5, $0x0  }
0x1f: {  	s9 =	smul.u32 $0xF7A, s1;
	s8 =	simm.s32 @!p0 $0x1BF5;
	p2 =	por !p2, p0  }
0x20: {  	[sflag:s8] =	ssyncset.s32 @!p0 $0xFFFFF086;
	s6 =	sadd.s32 @!p0 s3, s7;
	s7 =	simm.s32 @!p0 $0x108  }
0x21: {  	s3 =	sadd.s32 s3, s9;
	s6 =	sadd.s32 @!p0 $0x88, s6;
	s7 =	simm.s32 @p2 $0x1082  }
0x22: {  	[simem:s7], [sflag:s8] =	dma.local @!p0 [hbm:s6], $0xF7A  }
0x23: {  	s9 =	sor.u32 $0xD0000000, s2;
	s6 =	simm.s32 $0x108;
	_ =	swait.ge @!p0 [sflag:s8], $0x0  }
0x24: {  	s3 =	sadd.s32 $0x88, s3;
	s6 =	simm.s32 @!p1 $0x1082;
	[sflag:s4] =	ssyncset.s32 $0xFFFFF086  }
0x25: {  	[simem:s6], [sflag:s4] =	dma.local [hbm:s3], $0xF7A  }
0x26: {  	[smem:$0x3F88] =	sst s1;
	(tag) =	ssettag s2;
	_ =	strace s9  }
0x27: {  	s1 =	sld [smem:$0x3F98]  }
0x28: {  	s2 =	sld [smem:$0x3F99]  }
0x29: {  	s4 =	sld [smem:$0x3F9B]  }
0x2a: {  	p0 =	seq.s32 s5, $0x0;
	s5 =	sld [smem:$0x3F9C]  }
0x2b: {  	s6 =	sld [smem:$0x3F9D]  }
0x2c: {  	s7 =	sld [smem:$0x3F9E]  }
0x2d: {  	s3 =	simm.s32 $0x108;
	s8 =	sld [smem:$0x3F9F]  }
0x2e: {  	s3 =	simm.s32 @!p0 $0x1082;
	s9 =	sld [smem:$0x3FA0]  }
0x2f: {  	lr =	sadd.s32 s0, s3;
	s0 =	sld [smem:$0x3F97]  }
0x30: {  	s3 =	sld [smem:$0x3F9A]  }
0x31: {  	[smem:$0x3FA3] =	sst s10  }
0x32: {  	s10 =	sld [smem:$0x3FA1];
	_ =	sdelay $0x3  }
0x33: {  	p0 =	seq.s32 s10, $0x1;
	s10 =	sld [smem:$0x3FA3];
	_ =	sdelay $0x3  }
0x34: {  	[smem:$0x3FA3] =	sst s10  }
0x35: {  	s10 =	sld [smem:$0x3FA2];
	_ =	sdelay $0x3  }
0x36: {  	p1 =	seq.s32 s10, $0x1;
	s10 =	sld [smem:$0x3FA3];
	_ =	sdelay $0x3  }
0x37: {  	[smem:$0x3FA3] =	sst s10  }
0x38: {  	s10 =	sld [smem:$0x3FA4]  }
0x39: {  	_ = 	snop;
	(pc) =	sbr.ind lr, $3  }
0x3a: {  	_ = 	snop  }
0x3b: {  	_ = 	snop  }
0x3c: {  	p2 =	seq.s32 s10, $0x1;
	s10 =	sld [smem:$0x3FA3]  }
0x3d: {  	_ =	shalt  }
0x3e: {  	_ =	shalt  }
0x3f: {  	_ =	shalt  }
0x40: {  	_ =	shalt  }
0x41: {  	_ =	shalt  }
0x42: {  	_ =	shalt  }
0x43: {  	_ =	shalt  }
0x44: {  	_ =	shalt  }
0x45: {  	_ =	shalt  }
0x46: {  	_ =	shalt  }
0x47: {  	_ =	shalt  }
0x48: {  	_ =	shalt  }
0x49: {  	_ =	shalt  }
0x4a: {  	_ =	shalt  }
0x4b: {  	_ =	shalt  }
0x4c: {  	_ =	shalt  }
0x4d: {  	_ =	shalt  }
0x4e: {  	_ =	shalt  }
0x4f: {  	_ =	shalt  }
0x50: {  	_ =	shalt  }
0x51: {  	_ =	shalt  }
0x52: {  	_ =	shalt  }
0x53: {  	_ =	shalt  }
0x54: {  	_ =	shalt  }
0x55: {  	_ =	shalt  }
0x56: {  	_ =	shalt  }
0x57: {  	_ =	shalt  }
0x58: {  	_ =	shalt  }
0x59: {  	_ =	shalt  }
0x5a: {  	_ =	shalt  }
0x5b: {  	_ =	shalt  }
0x5c: {  	_ =	shalt  }
0x5d: {  	_ =	shalt  }
0x5e: {  	_ =	shalt  }
0x5f: {  	_ =	shalt  }
0x60: {  	_ =	shalt  }
0x61: {  	_ =	shalt  }
0x62: {  	_ =	shalt  }
0x63: {  	_ =	shalt  }
0x64: {  	_ =	shalt  }
0x65: {  	_ =	shalt  }
0x66: {  	_ =	shalt  }
0x67: {  	_ =	shalt  }
0x68: {  	_ =	shalt  }
0x69: {  	_ =	shalt  }
0x6a: {  	_ =	shalt  }
0x6b: {  	_ =	shalt  }
0x6c: {  	_ =	shalt  }
0x6d: {  	_ =	shalt  }
0x6e: {  	_ =	shalt  }
0x6f: {  	_ =	shalt  }
0x70: {  	_ =	shalt  }
0x71: {  	_ =	shalt  }
0x72: {  	_ =	shalt  }
0x73: {  	_ =	shalt  }
0x74: {  	_ =	shalt  }
0x75: {  	_ =	shalt  }
0x76: {  	_ =	shalt  }
0x77: {  	_ =	shalt  }
0x78: {  	_ =	shalt  }
0x79: {  	_ =	shalt  }
0x7a: {  	_ =	shalt  }
0x7b: {  	_ =	shalt  }
0x7c: {  	_ =	shalt  }
0x7d: {  	_ =	shalt  }
0x7e: {  	_ =	shalt  }
0x7f: {  	_ =	shalt  }
0x80: {  	_ =	shalt  }
0x81: {  	_ =	shalt  }
0x82: {  	_ =	shalt  }
0x83: {  	_ =	shalt  }
0x84: {  	_ =	shalt  }
0x85: {  	_ =	shalt  }
0x86: {  	_ =	shalt  }
0x87: {  	_ =	shalt  }
.Lfunc_end0:
.L_simem_size_0:
called_computation.2_lowered:
.L_overlay_start_0:
0x88: {  	s2 =	sld [smem:$0x3FD9]  }
0x89: {  	s3 =	sld [smem:$0x3FFE];
	_ =	sdelay $0x1  }
0x8a: {  	s1 =	srdreg.scid  }
0x8b: {  	s0 =	sand.u32 $0x1, s1  }
0x8c: {  	s16 =	sshll.u32 s0, $0xA;
	s2 =	sadd.s32 s3, s2  }
0x8d: {  	s2 =	sadd.s32 s2, s16  }
0x8e: {  	[smem:$0x3FAF] =	sst s2  }
0x8f: {  	_ = 	snop  }
0x90: {  	(tm) =	ssettm $0x1  }
0x91: {  	s17 =	sld [smem:$0x3FFB];
	_ =	sdelay $0x3  }
0x92: {  	_ =	strace s17  }
0x93: {  	s2 =	sld [smem:$0x3FFC];
	_ =	sdelay $0x3  }
0x94: {  	_ =	strace s2  }
0x95: {  	s2 =	sld [smem:$0x3FFD];
	_ =	sdelay $0x3  }
0x96: {  	_ =	strace s2  }
0x97: {  	_ =	strace $0x8FFFFFFF  }
0x98: {  	s18 =	sld [smem:$0x3FDB];
	_ =	sdelay $0x1  }
0x99: {  	s19 =	simm.s32 $_scs_section_size  }
0x9a: {  	s4 =	simm.s32 $_size__tile_overlayer_lowered;
	s5 =	simm.s32 $_tile_overlayer_lowered  }
0x9b: {  	s22 =	simm.s32 $0x1BFF;
	s21 =	sshll.u32 s5, $0x1;
	s2 =	sadd.s32 s19, s18  }
0x9c: {  	s6 =	simm.s32 $0x0;
	s20 =	sshll.u32 s4, $0x1;
	s4 =	sadd.s32 s21, s2  }
0x9d: {  	[timem:s6], [sflag:s22] =	dma.local [hbm:s4], s20  }
0x9e: {  	_ =	swait.ge [sflag:s22], s20  }
0x9f: {  	s3 =	ssub.s32 $0x0, s20;
	[sflag:s22] =	ssyncset.done $0x0  }
0xa0: {  	[sflag:s22] =	ssyncadd.s32 s3;
	_ =	sdelay $0x1  }
0xa1: {  	s23 =	simm.s32 $0x1B8B  }
0xa2: {  	_ =	swait.ge [sflag:s23], $0x1  }
0xa3: {  	[sflag:s23] =	ssyncset.done $0x0  }
0xa4: {  	s25 =	simm.s32 $0x1B8E;
	s24 =	sld [smem:$0x3FFE];
	[sflag:s23] =	ssyncadd.s32 $0xFFFFFFFF  }
0xa5: {  	s26 =	simm.s32 $execute0_lowered;
	[smem:$0x3FD2] =	sst s25  }
0xa6: {  	s4 =	sshll.u32 s26, $0x1;
	_ =	strace $0x80000049;
	[dreg:$0x1] =	wrdreg $0xFFFFFFFF  }
0xa7: {  	s28 =	simm.s32 $_size_execute0_lowered;
	s2 =	sadd.s32 s2, s4;
	[dreg:$0x0] =	wrdreg $0x0  }
0xa8: {  	s4 =	sshll.u32 s28, $0x1;
	[dreg:$0x2] =	wrdreg s2  }
0xa9: {  	[dreg:$0x3] =	wrdreg s4  }
0xaa: {  	[dreg:$0x4] =	wrdreg $0xC0  }
0xab: {  	_ =	task [dreg:s6], $0x5FFFF  }
0xac: {  	[dreg:$0x1] =	wrdreg $0xFFFFFFFF  }
0xad: {  	[dreg:$0x0] =	wrdreg $0x60  }
0xae: {  	[dreg:$0x2] =	wrdreg s24  }
0xaf: {  	[dreg:$0x3] =	wrdreg $0x120000  }
0xb0: {  	[dreg:$0x4] =	wrdreg $0xA  }
0xb1: {  	_ =	task.clear_ibuf [dreg:s6], $0x5FFFF;
	_ =	strace $0x90000049  }
0xb2: {  	s29 =	simm.s32 $0xA;
	_ =	strace $0x8000004B  }
0xb3: {  	_ =	swait.ge [sflag:s29], $0x1  }
0xb4: {  	[sflag:s29] =	ssyncadd.s32 $0xFFFFFFFF  }
0xb5: {  	_ =	strace $0x9000004B  }
0xb6: {  	_ =	sfence  }
0xb7: {  	s30 =	sld [smem:$0x0];
	_ =	sdelay $0x2  }
0xb8: {  	s31 =	sshll.u32 s1, $0xD;
	s1 =	sshrl.u32 s1, $0x2  }
0xb9: {  	s3 =	sand.u32 $0x4000, s31;
	s1 =	sadd.s32 s1, s30  }
0xba: {  	s0 =	sor.u32 s3, s0;
	s1 =	sshll.u32 s1, $0x11  }
0xbb: {  	s0 =	sor.u32 s1, s0  }
0xbc: {  	s0 =	sadd.s32 $0x8F2B, s0  }
0xbd: {  	[sflag:s0] =	ssyncadd.remote.s32 $0x1  }
0xbe: {  	_ =	sfence.sel $0xFFFF  }
0xbf: {  	[dreg:$0x0] =	wrdreg $0xFFFFFFFF;
	(pc) =	sbr.abs _section_cstart, $3  }
0xc0: {  	[dreg:$0x1] =	wrdreg $0xFFFFFFFF  }
0xc1: {  	_ =	task.clear_ibuf [dreg:s6], $0x2FFFF;
	_ =	strace $0x9FFFFFFF  }
0xc2: {  	(tm) =	ssettm $0x7FFFFFFF  }
0xc3: {  	_ =	shalt  }
tec
execute0_lowered:
.L_overlay_start_1:
0x0: {  	(tag) =	ssettag $0x1  }
0x1: {  	s0 =	rddreg [dreg:$0x0];
	s1 =	srdreg.scid  }
0x2: {  	s12 =	stileid.u32;
	s2 =	rddreg [dreg:$0x1];
	s3 =	simm.s32 $0x0  }
0x3: {  	s22 =	simm.s32 $0x4;
	s28 =	simm.s32 $0x2;
	s5 =	smul.u32 $0x5000, s12  }
0x4: {  	s29 =	simm.s32 $0x3;
	s1 =	sand.u32 $0x1, s1;
	s10 =	smul.u32 $0x28000, s12  }
0x5: {  	[smem:$0x7FF] =	sst s3;
	s23 =	sadd.s32 $0x24A00, s0;
	s15 =	smul.u32 $0xA000, s12  }
0x6: {  	s25 =	sshll.u32 s12, $0x6;
	s4 =	smul.u32 $0x50000, s1;
	_ =	strace $0x8000004A  }
0x7: {  	s8 =	ssub.s32 $0x2, s1;
	[dreg:$0x3] =	wrdreg s23;
	s1 =	smul.u32 $0xA0000, s1  }
0x8: {  	s23 =	simm.s32 $0x1;
	s9 =	sshrl.u32 s8, $0x1;
	s24 =	sshrl.u32 s10, $0x2  }
0x9: {  	s30 =	sadd.s32 $0x2000, s15;
	s16 =	sadd.s32 $0x4000, s15;
	s17 =	sadd.s32 $0x6000, s15  }
0xa: {  	s19 =	sadd.s32 $0x8000, s15;
	s6 =	sadd.s32 s5, s4;
	s4 =	sadd.s32 $0xE9600, s0  }
0xb: {  	s5 =	sshrl.u32 s5, $0x3;
	s11 =	ssub.s32 s8, s9;
	s20 =	sadd.s32 s24, s2  }
0xc: {  	s8 =	sor.u32 $0x1C04, s25;
	s26 =	sadd.s32 s1, s15;
	s9 =	sadd.s32 s15, s2  }
0xd: {  	s14 =	sadd.s32 s1, s30;
	s12 =	sadd.s32 s30, s2;
	s18 =	sadd.s32 s1, s17  }
0xe: {  	s24 =	simm.s32 $0x100;
	s25 =	simm.s32 $0xA000;
	s6 =	sshrl.u32 s6, $0x3  }
0xf: {  	s7 =	sadd.s32 s5, s0;
	s13 =	sshrl.u32 s26, $0x3;
	s10 =	smax.u32 s11, $0x1  }
0x10: {  	s31 =	sshrl.u32 s14, $0x3;
	s14 =	sadd.s32 s16, s2;
	s16 =	sadd.s32 s1, s16  }
0x11: {  	s18 =	sshrl.u32 s18, $0x3;
	s1 =	sadd.s32 s1, s19;
	s21 =	sshrl.u32 s20, $0x3  }
0x12: {  	s26 =	simm.s32 $0xE000;
	s6 =	sadd.s32 s6, s0;
	s0 =	sadd.s32 $0x115800, s0  }
0x13: {  	s7 =	sadd.s32 $0x1AA00, s7;
	s16 =	sshrl.u32 s16, $0x3;
	s1 =	sshrl.u32 s1, $0x3  }
0x14: {  	s6 =	sadd.s32 $0x6A00, s6;
	s11 =	sadd.s32 s0, s13;
	s13 =	sadd.s32 s0, s31  }
0x15: {  	s15 =	sadd.s32 s0, s16;
	s16 =	sadd.s32 s17, s2;
	s17 =	sadd.s32 s0, s18  }
0x16: {  	s18 =	sadd.s32 s19, s2;
	s19 =	sadd.s32 s0, s1;
	s0 =	simm.s32 $0x0  }
.LBB2_1:
0x17: {  	[tilespmem:s3], [sflag:$0x1] =	stream.linear.gather [hbm4b:s6+s3], $0x5000, $0x38;
	[tilespmem:$0x1C000] =	vst v63  }
0x18: {  	s1 =	simm.s32 $0x5000;
	s31 =	rddreg [dreg:$0x3]  }
0x19: {  	[tilespmem:s1], [sflag:$0x1] =	stream.linear.gather [hbm4b:s7+s3], $0x5000, $0x38;
	[tilespmem:$0x1C000] =	vst v63  }
0x1a: {  	[spmem:s21], [sflag:s8] =	dma.local [hbm:s31], $0x1400  }
0x1b: {  	_ =	swait.ge [sflag:s22], $0x1400  }
0x1c: {  	[sflag:s22] =	ssyncset.done $0x0  }
0x1d: {  	[sflag:s22] =	ssyncadd.s32 $0xFFFFEC00  }
0x1e: {  	_ =	swait.ge [sflag:s23], $0x5000  }
0x1f: {  	[sflag:s23] =	ssyncset.done $0x0  }
0x20: {  	[sflag:s23] =	ssyncadd.s32 $0xFFFFB000  }
0x21: {  	_ =	swait.ge [sflag:s23], $0x5000  }
0x22: {  	[sflag:s23] =	ssyncset.done $0x0  }
0x23: {  	[sflag:s23] =	ssyncadd.s32 $0xFFFFB000  }
0x24: {  	[tilespmem:s25], [sflag:$0x2] =	stream.indirect.gather [hbm4b:s4+s24], $0x40, s3, s24, $0xb8;
	[tilespmem:$0x1C000] =	vst v63  }
0x25: {  	s20 =	simm.s32 $0x100;
	[bflag:$0x0] =	sbarrier.arrive $0xFFFF  }
0x26: {  	[tilespmem:s26], [sflag:$0x3] =	stream.indirect.gather [hbm4b:s4+s24], $0x40, s20, s24, $0xb8;
	[tilespmem:$0x1C000] =	vst v63  }
0x27: {  	_ =	swait.ge [sflag:s28], $0x4000  }
0x28: {  	[sflag:s28] =	ssyncset.done $0x0  }
0x29: {  	s1 =	simm.s32 $0x5000;
	[sflag:s28] =	ssyncadd.s32 $0xFFFFC000  }
0x2a: {  	[spmem:s2] =	stream.indirect.scatter.add.f32 [tilespmem:s25], [sflag:$0x4], $0x40, s1, s24, $0xb8;
	[tilespmem:$0x1C000] =	vst v63  }
0x2b: {  	_ =	swait.ge [sflag:s22], $0x4000  }
0x2c: {  	[sflag:s22] =	ssyncset.done $0x0  }
0x2d: {  	s5 =	simm.s32 $0x200;
	[sflag:s22] =	ssyncadd.s32 $0xFFFFC000  }
0x2e: {  	[tilespmem:s25], [sflag:$0x2] =	stream.indirect.gather [hbm4b:s4+s24], $0x40, s5, s24, $0xb8;
	[tilespmem:$0x1C000] =	vst v63  }
0x2f: {  	_ =	swait.ge [sflag:s29], $0x4000  }
0x30: {  	[sflag:s29] =	ssyncset.done $0x0  }
0x31: {  	s31 =	simm.s32 $0x5100;
	[sflag:s29] =	ssyncadd.s32 $0xFFFFC000  }
0x32: {  	[spmem:s2] =	stream.indirect.scatter.add.f32 [tilespmem:s26], [sflag:$0x4], $0x40, s31, s24, $0xb8;
	[tilespmem:$0x1C000] =	vst v63  }
0x33: {  	_ =	swait.ge [sflag:s22], $0x4000  }
0x34: {  	s30 =	simm.s32 $0x1000;
	s20 =	simm.s32 $0x200;
	[sflag:s22] =	ssyncset.done $0x0  }
.LBB2_2:
0x35: {  	s31 =	sadd.s32 $0x100, s20  }
0x36: {  	[sflag:s22] =	ssyncadd.s32 $0xFFFFC000;
	s1 =	smov.u32 s30;
	s5 =	sadd.s32 $0x800, s30  }
0x37: {  	[tilespmem:s26], [sflag:$0x3] =	stream.indirect.gather [hbm4b:s4+s24], $0x40, s31, s24, $0xb8;
	[tilespmem:$0x1C000] =	vst v63  }
0x38: {  	p0 =	sne.s32 s30, $0x13000;
	_ =	swait.ge [sflag:s28], $0x4000  }
0x39: {  	[sflag:s28] =	ssyncset.done $0x0  }
0x3a: {  	s30 =	sadd.s32 $0x5000, s20;
	[sflag:s28] =	ssyncadd.s32 $0xFFFFC000  }
0x3b: {  	[spmem:s2] =	stream.indirect.scatter.add.f32 [tilespmem:s25], [sflag:$0x4], $0x40, s30, s24, $0xb8;
	[tilespmem:$0x1C000] =	vst v63  }
0x3c: {  	_ =	swait.ge [sflag:s22], $0x4000  }
0x3d: {  	[sflag:s22] =	ssyncset.done $0x0  }
0x3e: {  	s30 =	sadd.s32 $0x200, s20;
	[sflag:s22] =	ssyncadd.s32 $0xFFFFC000  }
0x3f: {  	[tilespmem:s25], [sflag:$0x2] =	stream.indirect.gather [hbm4b:s4+s24], $0x40, s30, s24, $0xb8;
	[tilespmem:$0x1C000] =	vst v63  }
0x40: {  	_ =	swait.ge [sflag:s29], $0x4000  }
.Ltmp0:
0x41: {  	[sflag:s29] =	ssyncset.done $0x0;
	(pc) =	sbr.rel @p0 .LBB2_2-.Ltmp0, $4  }
0x42: {  	s20 =	sadd.s32 $0x5100, s20;
	[sflag:s29] =	ssyncadd.s32 $0xFFFFC000  }
0x43: {  	[spmem:s2] =	stream.indirect.scatter.add.f32 [tilespmem:s26], [sflag:$0x4], $0x40, s20, s24, $0xb8;
	[tilespmem:$0x1C000] =	vst v63  }
0x44: {  	_ =	swait.ge [sflag:s22], $0x4000  }
0x45: {  	s30 =	smov.u32 s5;
	s20 =	sshra.s32 s1, $0x2;
	[sflag:s22] =	ssyncset.done $0x0  }
0x46: {  	s1 =	sadd.s32 $0x100, s20;
	[sflag:s22] =	ssyncadd.s32 $0xFFFFC000  }
0x47: {  	[tilespmem:s26], [sflag:$0x3] =	stream.indirect.gather [hbm4b:s4+s24], $0x40, s1, s24, $0xb8;
	[tilespmem:$0x1C000] =	vst v63  }
0x48: {  	_ =	swait.ge [sflag:s28], $0x4000  }
0x49: {  	[sflag:s28] =	ssyncset.done $0x0  }
0x4a: {  	s30 =	sadd.s32 $0x5000, s20;
	[sflag:s28] =	ssyncadd.s32 $0xFFFFC000  }
0x4b: {  	[spmem:s2] =	stream.indirect.scatter.add.f32 [tilespmem:s25], [sflag:$0x4], $0x40, s30, s24, $0xb8;
	[tilespmem:$0x1C000] =	vst v63  }
0x4c: {  	_ =	swait.ge [sflag:s22], $0x4000  }
0x4d: {  	[sflag:s22] =	ssyncset.done $0x0  }
0x4e: {  	s31 =	sadd.s32 $0x200, s20;
	[sflag:s22] =	ssyncadd.s32 $0xFFFFC000  }
0x4f: {  	[tilespmem:s25], [sflag:$0x2] =	stream.indirect.gather [hbm4b:s4+s24], $0x40, s31, s24, $0xb8;
	[tilespmem:$0x1C000] =	vst v63  }
0x50: {  	_ =	swait.ge [sflag:s29], $0x4000  }
0x51: {  	[sflag:s29] =	ssyncset.done $0x0  }
0x52: {  	s5 =	sadd.s32 $0x5100, s20;
	[sflag:s29] =	ssyncadd.s32 $0xFFFFC000  }
0x53: {  	[spmem:s2] =	stream.indirect.scatter.add.f32 [tilespmem:s26], [sflag:$0x4], $0x40, s5, s24, $0xb8;
	[tilespmem:$0x1C000] =	vst v63  }
0x54: {  	_ =	swait.ge [sflag:s22], $0x4000  }
0x55: {  	[sflag:s22] =	ssyncset.done $0x0  }
0x56: {  	s20 =	simm.s32 $0x4F00;
	[sflag:s22] =	ssyncadd.s32 $0xFFFFC000  }
0x57: {  	[tilespmem:s26], [sflag:$0x3] =	stream.indirect.gather [hbm4b:s4+s24], $0x40, s20, s24, $0xb8;
	[tilespmem:$0x1C000] =	vst v63  }
0x58: {  	_ =	swait.ge [sflag:s28], $0x4000  }
0x59: {  	[sflag:s28] =	ssyncset.done $0x0  }
0x5a: {  	s30 =	simm.s32 $0x9E00;
	[sflag:s28] =	ssyncadd.s32 $0xFFFFC000  }
0x5b: {  	[spmem:s2] =	stream.indirect.scatter.add.f32 [tilespmem:s25], [sflag:$0x4], $0x40, s30, s24, $0xb8;
	[tilespmem:$0x1C000] =	vst v63  }
0x5c: {  	_ =	swait.ge [sflag:s22], $0x4000  }
0x5d: {  	[sflag:s22] =	ssyncset.done $0x0  }
0x5e: {  	[sflag:s22] =	ssyncadd.s32 $0xFFFFC000  }
0x5f: {  	_ =	swait.ge [sflag:s29], $0x4000  }
0x60: {  	[sflag:s29] =	ssyncset.done $0x0  }
0x61: {  	s31 =	simm.s32 $0x9F00;
	[sflag:s29] =	ssyncadd.s32 $0xFFFFC000  }
0x62: {  	[spmem:s2] =	stream.indirect.scatter.add.f32 [tilespmem:s26], [sflag:$0x4], $0x40, s31, s24, $0xb8;
	[tilespmem:$0x1C000] =	vst v63  }
0x63: {  	_ =	swait.ge [sflag:s22], $0x4000  }
0x64: {  	[sflag:s22] =	ssyncset.done $0x0  }
0x65: {  	[sflag:s22] =	ssyncadd.s32 $0xFFFFC000  }
0x66: {  	[bflag:$0x0] =	sbarrier.arrive $0xFFFF  }
0x67: {  	[tilespmem:s25], [sflag:$0x4] =	stream.linear.gather [spmem:s9], $0x2000, $0x38;
	[tilespmem:$0x1C000] =	vst v63  }
0x68: {  	_ =	swait.ge [sflag:s22], $0x2000  }
0x69: {  	[sflag:s22] =	ssyncset.done $0x0  }
0x6a: {  	[sflag:s22] =	ssyncadd.s32 $0xFFFFE000  }
0x6b: {  	[hbm4b:s11+s3] =	stream.linear.scatter [tilespmem:s25], [sflag:$0x4], $0x2000, $0x38;
	[tilespmem:$0x1C000] =	vst v63  }
0x6c: {  	_ =	swait.ge [sflag:s22], $0x2000  }
0x6d: {  	[sflag:s22] =	ssyncset.done $0x0  }
0x6e: {  	[sflag:s22] =	ssyncadd.s32 $0xFFFFE000  }
0x6f: {  	[tilespmem:s25], [sflag:$0x4] =	stream.linear.gather [spmem:s12], $0x2000, $0x38;
	[tilespmem:$0x1C000] =	vst v63  }
0x70: {  	_ =	swait.ge [sflag:s22], $0x2000  }
0x71: {  	[sflag:s22] =	ssyncset.done $0x0  }
0x72: {  	[sflag:s22] =	ssyncadd.s32 $0xFFFFE000  }
0x73: {  	[hbm4b:s13+s3] =	stream.linear.scatter [tilespmem:s25], [sflag:$0x4], $0x2000, $0x38;
	[tilespmem:$0x1C000] =	vst v63  }
0x74: {  	_ =	swait.ge [sflag:s22], $0x2000  }
0x75: {  	[sflag:s22] =	ssyncset.done $0x0  }
0x76: {  	[sflag:s22] =	ssyncadd.s32 $0xFFFFE000  }
0x77: {  	[tilespmem:s25], [sflag:$0x4] =	stream.linear.gather [spmem:s14], $0x2000, $0x38;
	[tilespmem:$0x1C000] =	vst v63  }
0x78: {  	_ =	swait.ge [sflag:s22], $0x2000  }
0x79: {  	[sflag:s22] =	ssyncset.done $0x0  }
0x7a: {  	[sflag:s22] =	ssyncadd.s32 $0xFFFFE000  }
0x7b: {  	[hbm4b:s15+s3] =	stream.linear.scatter [tilespmem:s25], [sflag:$0x4], $0x2000, $0x38;
	[tilespmem:$0x1C000] =	vst v63  }
0x7c: {  	_ =	swait.ge [sflag:s22], $0x2000  }
0x7d: {  	[sflag:s22] =	ssyncset.done $0x0  }
0x7e: {  	[sflag:s22] =	ssyncadd.s32 $0xFFFFE000  }
0x7f: {  	[tilespmem:s25], [sflag:$0x4] =	stream.linear.gather [spmem:s16], $0x2000, $0x38;
	[tilespmem:$0x1C000] =	vst v63  }
0x80: {  	_ =	swait.ge [sflag:s22], $0x2000  }
0x81: {  	[sflag:s22] =	ssyncset.done $0x0  }
0x82: {  	[sflag:s22] =	ssyncadd.s32 $0xFFFFE000  }
0x83: {  	[hbm4b:s17+s3] =	stream.linear.scatter [tilespmem:s25], [sflag:$0x4], $0x2000, $0x38;
	[tilespmem:$0x1C000] =	vst v63  }
0x84: {  	_ =	swait.ge [sflag:s22], $0x2000  }
0x85: {  	[sflag:s22] =	ssyncset.done $0x0  }
0x86: {  	[sflag:s22] =	ssyncadd.s32 $0xFFFFE000  }
0x87: {  	[tilespmem:s25], [sflag:$0x4] =	stream.linear.gather [spmem:s18], $0x2000, $0x38;
	[tilespmem:$0x1C000] =	vst v63  }
0x88: {  	s0 =	sadd.s32 $0x1, s0;
	_ =	swait.ge [sflag:s22], $0x2000  }
0x89: {  	p0 =	sne.s32 s0, s10;
	[sflag:s22] =	ssyncset.done $0x0  }
.Ltmp1:
0x8a: {  	[sflag:s22] =	ssyncadd.s32 $0xFFFFE000;
	(pc) =	sbr.rel @p0 .LBB2_1-.Ltmp1, $4  }
0x8b: {  	[hbm4b:s19+s3] =	stream.linear.scatter [tilespmem:s25], [sflag:$0x4], $0x2000, $0x38;
	[tilespmem:$0x1C000] =	vst v63  }
0x8c: {  	_ =	swait.ge [sflag:s22], $0x2000  }
0x8d: {  	[sflag:s22] =	ssyncset.done $0x0  }
0x8e: {  	[sflag:s22] =	ssyncadd.s32 $0xFFFFE000  }
0x8f: {  	_ =	sfence.sel $0x180000  }
0x90: {  	[bflag:$0x0] =	sbarrier.arrive $0xFFFF  }
0x91: {  	_ =	strace $0x9000004A  }
0x92: {  	s0 =	stileid.u32;
	[bflag:$0x2] =	sbarrier.arrive $0xFFFF  }
0x93: {  	p0 =	sne.s32 s0, $0x0;
	s0 =	rddreg [dreg:$0x2]  }
0x94: {  	s0 =	sadd.s32 @!p0 $0x100000, s0  }
0x95: {  	[sflag:s0] =	ssyncadd.tile.s32 @!p0 $0x1;
	_ =	shalt  }
.Lfunc_end2:
_tile_overlayer_lowered:
.L_overlay_start_2:
0x96: {  	(tag) =	ssettag $0x2  }
0x97: {  	s0 =	rddreg [dreg:$0x0];
	s2 =	stileid.u32  }
0x98: {  	s1 =	rddreg [dreg:$0x1];
	p0 =	sne.s32 s2, $0x0  }
0x99: {  	s3 =	rddreg [dreg:$0x2];
	[bflag:$0x3] =	sbarrier.arrive $0xFFFF;
	s2 =	simm.s32 @!p0 $0x1C04  }
0x9a: {  	[timem:s3], [sflag:s2] =	dma.local @!p0 [hbm:s0], s1  }
0x9b: {  	s0 =	simm.s32 @!p0 $0x4  }
0x9c: {  	_ =	swait.ge @!p0 [sflag:s0], s1  }
0x9d: {  	s1 =	ssub.s32 @!p0 $0x0, s1;
	[sflag:s0] =	ssyncset.done @!p0 $0x0  }
0x9e: {  	[sflag:s0] =	ssyncadd.s32 @!p0 s1  }
0x9f: {  	[bflag:$0x3] =	sbarrier.arrive $0xFFFF  }
0xa0: {  	_ =	shalt  }

// kernel: kernel.20.cloned.1.call-start
scs
__scs_entry_jumppad:
0x0: {  	(pc) =	sbr.rel $0x88, $3  }
0x1: {  	(tag) =	ssettag $0x0;
	lr =	simm.s32 $0x1  }
0x2: {  	[smem:$0x3F88] =	sst lr;
	_ =	strace $0xD0000000  }
0x3: {  	_ = 	snop  }
0x4: {  	_ = 	snop  }
0x5: {  	_ = 	snop  }
0x6: {  	_ = 	snop  }
0x7: {  	_ = 	snop  }
__scs_overlays_trampoline_lowered:
0x8: {  	[smem:$0x3F97] =	sst s0  }
0x9: {  	[smem:$0x3F98] =	sst s1  }
0xa: {  	[smem:$0x3F99] =	sst s2  }
0xb: {  	[smem:$0x3F9A] =	sst s3  }
0xc: {  	[smem:$0x3F9B] =	sst s4  }
0xd: {  	[smem:$0x3F9C] =	sst s5  }
0xe: {  	[smem:$0x3F9D] =	sst s6  }
0xf: {  	[smem:$0x3F9E] =	sst s7  }
0x10: {  	[smem:$0x3F9F] =	sst s8  }
0x11: {  	[smem:$0x3FA0] =	sst s9;
	s0 =	simm.s32 @!p0 $0x0  }
0x12: {  	s1 =	sld [smem:$0x3F86];
	s0 =	simm.s32 @p0 $0x1  }
0x13: {  	[smem:$0x3FA1] =	sst s0;
	s0 =	simm.s32 @!p1 $0x0  }
0x14: {  	s2 =	sld [smem:$0x3F85];
	s0 =	simm.s32 @p1 $0x1  }
0x15: {  	[smem:$0x3FA2] =	sst s0;
	s0 =	simm.s32 @!p2 $0x0  }
0x16: {  	s3 =	sld [smem:$0x3FDB];
	s0 =	simm.s32 @p2 $0x1  }
0x17: {  	s4 =	simm.s32 $0x1BF5;
	[smem:$0x3FA4] =	sst s0  }
0x18: {  	s0 =	sld [smem:$0x3F87];
	_ =	swait.ge [sflag:s4], $0x0  }
0x19: {  	s7 =	sld [smem:$0x3F88]  }
0x1a: {  	s8 =	sadd.s32 $0xFFFFE003, lr  }
0x1b: {  	s9 =	sadd.s32 $0xFFFFFEF7, lr;
	s5 =	simm.s32 $0xFFFFFFFF;
	p2 =	slt.u32 s8, $0xFFFFF086  }
0x1c: {  	p1 =	slt.u32 s9, $0xF7A;
	s5 =	simm.s32 @!p2 $0x0  }
0x1d: {  	s5 =	simm.s32 @p1 $0x1;
	p0 =	seq.s32 s7, s2  }
0x1e: {  	s7 =	smul.u32 @!p0 $0xF7A, s2;
	p2 =	seq.s32 @!p0 s5, $0x0  }
0x1f: {  	s9 =	smul.u32 $0xF7A, s1;
	s8 =	simm.s32 @!p0 $0x1BF5;
	p2 =	por !p2, p0  }
0x20: {  	[sflag:s8] =	ssyncset.s32 @!p0 $0xFFFFF086;
	s6 =	sadd.s32 @!p0 s3, s7;
	s7 =	simm.s32 @!p0 $0x108  }
0x21: {  	s3 =	sadd.s32 s3, s9;
	s6 =	sadd.s32 @!p0 $0x88, s6;
	s7 =	simm.s32 @p2 $0x1082  }
0x22: {  	[simem:s7], [sflag:s8] =	dma.local @!p0 [hbm:s6], $0xF7A  }
0x23: {  	s9 =	sor.u32 $0xD0000000, s2;
	s6 =	simm.s32 $0x108;
	_ =	swait.ge @!p0 [sflag:s8], $0x0  }
0x24: {  	s3 =	sadd.s32 $0x88, s3;
	s6 =	simm.s32 @!p1 $0x1082;
	[sflag:s4] =	ssyncset.s32 $0xFFFFF086  }
0x25: {  	[simem:s6], [sflag:s4] =	dma.local [hbm:s3], $0xF7A  }
0x26: {  	[smem:$0x3F88] =	sst s1;
	(tag) =	ssettag s2;
	_ =	strace s9  }
0x27: {  	s1 =	sld [smem:$0x3F98]  }
0x28: {  	s2 =	sld [smem:$0x3F99]  }
0x29: {  	s4 =	sld [smem:$0x3F9B]  }
0x2a: {  	p0 =	seq.s32 s5, $0x0;
	s5 =	sld [smem:$0x3F9C]  }
0x2b: {  	s6 =	sld [smem:$0x3F9D]  }
0x2c: {  	s7 =	sld [smem:$0x3F9E]  }
0x2d: {  	s3 =	simm.s32 $0x108;
	s8 =	sld [smem:$0x3F9F]  }
0x2e: {  	s3 =	simm.s32 @!p0 $0x1082;
	s9 =	sld [smem:$0x3FA0]  }
0x2f: {  	lr =	sadd.s32 s0, s3;
	s0 =	sld [smem:$0x3F97]  }
0x30: {  	s3 =	sld [smem:$0x3F9A]  }
0x31: {  	[smem:$0x3FA3] =	sst s10  }
0x32: {  	s10 =	sld [smem:$0x3FA1];
	_ =	sdelay $0x3  }
0x33: {  	p0 =	seq.s32 s10, $0x1;
	s10 =	sld [smem:$0x3FA3];
	_ =	sdelay $0x3  }
0x34: {  	[smem:$0x3FA3] =	sst s10  }
0x35: {  	s10 =	sld [smem:$0x3FA2];
	_ =	sdelay $0x3  }
0x36: {  	p1 =	seq.s32 s10, $0x1;
	s10 =	sld [smem:$0x3FA3];
	_ =	sdelay $0x3  }
0x37: {  	[smem:$0x3FA3] =	sst s10  }
0x38: {  	s10 =	sld [smem:$0x3FA4]  }
0x39: {  	_ = 	snop;
	(pc) =	sbr.ind lr, $3  }
0x3a: {  	_ = 	snop  }
0x3b: {  	_ = 	snop  }
0x3c: {  	p2 =	seq.s32 s10, $0x1;
	s10 =	sld [smem:$0x3FA3]  }
0x3d: {  	_ =	shalt  }
0x3e: {  	_ =	shalt  }
0x3f: {  	_ =	shalt  }
0x40: {  	_ =	shalt  }
0x41: {  	_ =	shalt  }
0x42: {  	_ =	shalt  }
0x43: {  	_ =	shalt  }
0x44: {  	_ =	shalt  }
0x45: {  	_ =	shalt  }
0x46: {  	_ =	shalt  }
0x47: {  	_ =	shalt  }
0x48: {  	_ =	shalt  }
0x49: {  	_ =	shalt  }
0x4a: {  	_ =	shalt  }
0x4b: {  	_ =	shalt  }
0x4c: {  	_ =	shalt  }
0x4d: {  	_ =	shalt  }
0x4e: {  	_ =	shalt  }
0x4f: {  	_ =	shalt  }
0x50: {  	_ =	shalt  }
0x51: {  	_ =	shalt  }
0x52: {  	_ =	shalt  }
0x53: {  	_ =	shalt  }
0x54: {  	_ =	shalt  }
0x55: {  	_ =	shalt  }
0x56: {  	_ =	shalt  }
0x57: {  	_ =	shalt  }
0x58: {  	_ =	shalt  }
0x59: {  	_ =	shalt  }
0x5a: {  	_ =	shalt  }
0x5b: {  	_ =	shalt  }
0x5c: {  	_ =	shalt  }
0x5d: {  	_ =	shalt  }
0x5e: {  	_ =	shalt  }
0x5f: {  	_ =	shalt  }
0x60: {  	_ =	shalt  }
0x61: {  	_ =	shalt  }
0x62: {  	_ =	shalt  }
0x63: {  	_ =	shalt  }
0x64: {  	_ =	shalt  }
0x65: {  	_ =	shalt  }
0x66: {  	_ =	shalt  }
0x67: {  	_ =	shalt  }
0x68: {  	_ =	shalt  }
0x69: {  	_ =	shalt  }
0x6a: {  	_ =	shalt  }
0x6b: {  	_ =	shalt  }
0x6c: {  	_ =	shalt  }
0x6d: {  	_ =	shalt  }
0x6e: {  	_ =	shalt  }
0x6f: {  	_ =	shalt  }
0x70: {  	_ =	shalt  }
0x71: {  	_ =	shalt  }
0x72: {  	_ =	shalt  }
0x73: {  	_ =	shalt  }
0x74: {  	_ =	shalt  }
0x75: {  	_ =	shalt  }
0x76: {  	_ =	shalt  }
0x77: {  	_ =	shalt  }
0x78: {  	_ =	shalt  }
0x79: {  	_ =	shalt  }
0x7a: {  	_ =	shalt  }
0x7b: {  	_ =	shalt  }
0x7c: {  	_ =	shalt  }
0x7d: {  	_ =	shalt  }
0x7e: {  	_ =	shalt  }
0x7f: {  	_ =	shalt  }
0x80: {  	_ =	shalt  }
0x81: {  	_ =	shalt  }
0x82: {  	_ =	shalt  }
0x83: {  	_ =	shalt  }
0x84: {  	_ =	shalt  }
0x85: {  	_ =	shalt  }
0x86: {  	_ =	shalt  }
0x87: {  	_ =	shalt  }
.Lfunc_end0:
.L_simem_size_0:
called_computation.3_lowered:
.L_overlay_start_0:
0x88: {  	s2 =	sld [smem:$0x3FD9]  }
0x89: {  	s3 =	sld [smem:$0x3FFE];
	_ =	sdelay $0x1  }
0x8a: {  	s1 =	srdreg.scid  }
0x8b: {  	s0 =	sand.u32 $0x1, s1  }
0x8c: {  	s14 =	sshll.u32 s0, $0xA;
	s2 =	sadd.s32 s3, s2  }
0x8d: {  	s2 =	sadd.s32 s2, s14  }
0x8e: {  	[smem:$0x3FAF] =	sst s2  }
0x8f: {  	_ = 	snop  }
0x90: {  	s2 =	sld [smem:$0x3FD0];
	_ =	sdelay $0x2  }
0x91: {  	s15 =	simm.s32 $0xB;
	s4 =	simm.s32 $0x10  }
0x92: {  	[smem:s4], [sflag:s15] =	dma.local [hbm:s2], $0x1  }
0x93: {  	_ =	swait.eq [sflag:s15], $0x1  }
0x94: {  	[sflag:s15] =	ssyncset.done $0x0  }
0x95: {  	[sflag:s15] =	ssyncadd.s32 $0xFFFFFFFF  }
0x96: {  	s16 =	sld [smem:$0x10];
	(tm) =	ssettm $0x1  }
0x97: {  	s17 =	sld [smem:$0x3FFB];
	_ =	sdelay $0x3  }
0x98: {  	_ =	strace s17  }
0x99: {  	s3 =	sld [smem:$0x3FFC];
	_ =	sdelay $0x3  }
0x9a: {  	_ =	strace s3  }
0x9b: {  	s3 =	sld [smem:$0x3FFD];
	_ =	sdelay $0x3  }
0x9c: {  	_ =	strace s3  }
0x9d: {  	_ =	strace $0x8FFFFFFF  }
0x9e: {  	s18 =	sld [smem:$0x3FDB];
	_ =	sdelay $0x1  }
0x9f: {  	s19 =	simm.s32 $_scs_section_size  }
0xa0: {  	s5 =	simm.s32 $_size__tile_overlayer_lowered;
	s6 =	simm.s32 $_tile_overlayer_lowered  }
0xa1: {  	s22 =	simm.s32 $0x1BFF;
	s21 =	sshll.u32 s6, $0x1;
	s3 =	sadd.s32 s19, s18  }
0xa2: {  	s7 =	simm.s32 $0x0;
	s20 =	sshll.u32 s5, $0x1;
	s5 =	sadd.s32 s21, s3  }
0xa3: {  	[timem:s7], [sflag:s22] =	dma.local [hbm:s5], s20  }
0xa4: {  	_ =	swait.ge [sflag:s22], s20  }
0xa5: {  	s4 =	ssub.s32 $0x0, s20;
	[sflag:s22] =	ssyncset.done $0x0  }
0xa6: {  	[sflag:s22] =	ssyncadd.s32 s4;
	_ =	sdelay $0x1  }
0xa7: {  	s23 =	simm.s32 $0x1B8B  }
0xa8: {  	_ =	swait.ge [sflag:s23], $0x1  }
0xa9: {  	[sflag:s23] =	ssyncset.done $0x0  }
0xaa: {  	s25 =	simm.s32 $0x1B8E;
	s24 =	sld [smem:$0x3FFE];
	[sflag:s23] =	ssyncadd.s32 $0xFFFFFFFF  }
0xab: {  	s26 =	simm.s32 $execute0_lowered;
	[smem:$0x3FD2] =	sst s25  }
0xac: {  	s5 =	sshll.u32 s26, $0x1;
	_ =	strace $0x8000004F;
	[dreg:$0x1] =	wrdreg $0xFFFFFFFF  }
0xad: {  	s28 =	simm.s32 $_size_execute0_lowered;
	s3 =	sadd.s32 s3, s5;
	[dreg:$0x0] =	wrdreg $0x0  }
0xae: {  	s5 =	sshll.u32 s28, $0x1;
	[dreg:$0x2] =	wrdreg s3  }
0xaf: {  	[dreg:$0x3] =	wrdreg s5  }
0xb0: {  	[dreg:$0x4] =	wrdreg $0xC0  }
0xb1: {  	_ =	task [dreg:s7], $0x5FFFF  }
0xb2: {  	[dreg:$0x1] =	wrdreg $0xFFFFFFFF  }
0xb3: {  	[dreg:$0x0] =	wrdreg $0x60  }
0xb4: {  	[dreg:$0x2] =	wrdreg s16  }
0xb5: {  	[dreg:$0x3] =	wrdreg s24  }
0xb6: {  	[dreg:$0x4] =	wrdreg $0x120000  }
0xb7: {  	[dreg:$0x5] =	wrdreg $0x9  }
0xb8: {  	_ =	task.clear_ibuf [dreg:s7], $0x6FFFF;
	_ =	strace $0x9000004F  }
0xb9: {  	s29 =	simm.s32 $0x9;
	_ =	strace $0x80000051  }
0xba: {  	_ =	swait.ge [sflag:s29], $0x1  }
0xbb: {  	[sflag:s29] =	ssyncadd.s32 $0xFFFFFFFF  }
0xbc: {  	_ =	strace $0x90000051  }
0xbd: {  	_ =	sfence  }
0xbe: {  	s30 =	sld [smem:$0x0];
	_ =	sdelay $0x2  }
0xbf: {  	s31 =	sshll.u32 s1, $0xD;
	s1 =	sshrl.u32 s1, $0x2  }
0xc0: {  	s3 =	sand.u32 $0x4000, s31;
	s1 =	sadd.s32 s1, s30  }
0xc1: {  	s0 =	sor.u32 s3, s0;
	s1 =	sshll.u32 s1, $0x11  }
0xc2: {  	s0 =	sor.u32 s1, s0  }
0xc3: {  	s0 =	sadd.s32 $0x8F2B, s0  }
0xc4: {  	[sflag:s0] =	ssyncadd.remote.s32 $0x1  }
0xc5: {  	_ =	sfence.sel $0xFFFF  }
0xc6: {  	[dreg:$0x0] =	wrdreg $0xFFFFFFFF;
	(pc) =	sbr.abs _section_cstart, $3  }
0xc7: {  	[dreg:$0x1] =	wrdreg $0xFFFFFFFF  }
0xc8: {  	_ =	task.clear_ibuf [dreg:s7], $0x2FFFF;
	_ =	strace $0x9FFFFFFF  }
0xc9: {  	(tm) =	ssettm $0x7FFFFFFF  }
tec
execute0_lowered:
.L_overlay_start_1:
0x0: {  	(tag) =	ssettag $0x1  }
0x1: {  	s1 =	rddreg [dreg:$0x0]  }
0x2: {  	s0 =	srdreg.scid;
	s2 =	rddreg [dreg:$0x1]  }
0x3: {  	s12 =	stileid.u32;
	s3 =	rddreg [dreg:$0x2]  }
0x4: {  	s4 =	simm.s32 $0x0;
	s22 =	simm.s32 $0x4;
	s5 =	smul.u32 $0x5000, s12  }
0x5: {  	s28 =	simm.s32 $0x2;
	s29 =	simm.s32 $0x3;
	s10 =	smul.u32 $0x28000, s12  }
0x6: {  	s0 =	sand.u32 $0x1, s0;
	[smem:$0x7FF] =	sst s4;
	s15 =	smul.u32 $0xA000, s12  }
0x7: {  	s23 =	sadd.s32 $0x24A00, s2;
	s25 =	sshll.u32 s12, $0x6;
	s6 =	smul.u32 $0x50000, s0  }
0x8: {  	_ =	strace $0x80000050;
	s8 =	ssub.s32 $0x2, s0;
	[dreg:$0x4] =	wrdreg s23  }
0x9: {  	s0 =	smul.u32 $0xA0000, s0;
	s23 =	simm.s32 $0x1;
	s9 =	sshrl.u32 s8, $0x1  }
0xa: {  	s24 =	sshrl.u32 s10, $0x2;
	s30 =	sadd.s32 $0x2000, s15;
	s16 =	sadd.s32 $0x4000, s15  }
0xb: {  	s17 =	sadd.s32 $0x6000, s15;
	s19 =	sadd.s32 $0x8000, s15;
	s6 =	sadd.s32 s5, s6  }
0xc: {  	s5 =	sshrl.u32 s5, $0x3;
	s11 =	ssub.s32 s8, s9;
	s20 =	sadd.s32 s24, s3  }
0xd: {  	s8 =	sor.u32 $0x1C04, s25;
	s26 =	sadd.s32 s0, s15;
	s9 =	sadd.s32 s15, s3  }
0xe: {  	s14 =	sadd.s32 s0, s30;
	s12 =	sadd.s32 s30, s3;
	s18 =	sadd.s32 s0, s17  }
0xf: {  	s24 =	simm.s32 $0x100;
	s25 =	simm.s32 $0xA000;
	s6 =	sshrl.u32 s6, $0x3  }
0x10: {  	s7 =	sadd.s32 s5, s2;
	s13 =	sshrl.u32 s26, $0x3;
	s10 =	smax.u32 s11, $0x1  }
0x11: {  	s31 =	sshrl.u32 s14, $0x3;
	s14 =	sadd.s32 s16, s3;
	s16 =	sadd.s32 s0, s16  }
0x12: {  	s18 =	sshrl.u32 s18, $0x3;
	s0 =	sadd.s32 s0, s19;
	s21 =	sshrl.u32 s20, $0x3  }
0x13: {  	s26 =	simm.s32 $0xE000;
	s6 =	sadd.s32 s6, s2;
	s2 =	sadd.s32 $0x52200, s2  }
0x14: {  	s7 =	sadd.s32 $0x1AA00, s7;
	s16 =	sshrl.u32 s16, $0x3;
	s0 =	sshrl.u32 s0, $0x3  }
0x15: {  	s6 =	sadd.s32 $0x6A00, s6;
	s11 =	sadd.s32 s2, s13;
	s13 =	sadd.s32 s2, s31  }
0x16: {  	s15 =	sadd.s32 s2, s16;
	s16 =	sadd.s32 s17, s3;
	s17 =	sadd.s32 s2, s18  }
0x17: {  	s18 =	sadd.s32 s19, s3;
	s19 =	sadd.s32 s2, s0;
	s0 =	simm.s32 $0x0  }
.LBB2_1:
0x18: {  	[tilespmem:s4], [sflag:$0x1] =	stream.linear.gather [hbm4b:s6+s4], $0x5000, $0x38;
	[tilespmem:$0x1C000] =	vst v63  }
0x19: {  	s2 =	simm.s32 $0x5000;
	s31 =	rddreg [dreg:$0x4]  }
0x1a: {  	[tilespmem:s2], [sflag:$0x1] =	stream.linear.gather [hbm4b:s7+s4], $0x5000, $0x38;
	[tilespmem:$0x1C000] =	vst v63  }
0x1b: {  	[spmem:s21], [sflag:s8] =	dma.local [hbm:s31], $0x1400  }
0x1c: {  	_ =	swait.ge [sflag:s22], $0x1400  }
0x1d: {  	[sflag:s22] =	ssyncset.done $0x0  }
0x1e: {  	[sflag:s22] =	ssyncadd.s32 $0xFFFFEC00  }
0x1f: {  	_ =	swait.ge [sflag:s23], $0x5000  }
0x20: {  	[sflag:s23] =	ssyncset.done $0x0  }
0x21: {  	[sflag:s23] =	ssyncadd.s32 $0xFFFFB000  }
0x22: {  	_ =	swait.ge [sflag:s23], $0x5000  }
0x23: {  	[sflag:s23] =	ssyncset.done $0x0  }
0x24: {  	[sflag:s23] =	ssyncadd.s32 $0xFFFFB000  }
0x25: {  	[tilespmem:s25], [sflag:$0x2] =	stream.indirect.gather [hbm4b:s1+s24], $0x40, s4, s24, $0xb8;
	[tilespmem:$0x1C000] =	vst v63  }
0x26: {  	s20 =	simm.s32 $0x100;
	[bflag:$0x0] =	sbarrier.arrive $0xFFFF  }
0x27: {  	[tilespmem:s26], [sflag:$0x3] =	stream.indirect.gather [hbm4b:s1+s24], $0x40, s20, s24, $0xb8;
	[tilespmem:$0x1C000] =	vst v63  }
0x28: {  	_ =	swait.ge [sflag:s28], $0x4000  }
0x29: {  	[sflag:s28] =	ssyncset.done $0x0  }
0x2a: {  	s2 =	simm.s32 $0x5000;
	[sflag:s28] =	ssyncadd.s32 $0xFFFFC000  }
0x2b: {  	[spmem:s3] =	stream.indirect.scatter.add.f32 [tilespmem:s25], [sflag:$0x4], $0x40, s2, s24, $0xb8;
	[tilespmem:$0x1C000] =	vst v63  }
0x2c: {  	_ =	swait.ge [sflag:s22], $0x4000  }
0x2d: {  	[sflag:s22] =	ssyncset.done $0x0  }
0x2e: {  	s5 =	simm.s32 $0x200;
	[sflag:s22] =	ssyncadd.s32 $0xFFFFC000  }
0x2f: {  	[tilespmem:s25], [sflag:$0x2] =	stream.indirect.gather [hbm4b:s1+s24], $0x40, s5, s24, $0xb8;
	[tilespmem:$0x1C000] =	vst v63  }
0x30: {  	_ =	swait.ge [sflag:s29], $0x4000  }
0x31: {  	[sflag:s29] =	ssyncset.done $0x0  }
0x32: {  	s31 =	simm.s32 $0x5100;
	[sflag:s29] =	ssyncadd.s32 $0xFFFFC000  }
0x33: {  	[spmem:s3] =	stream.indirect.scatter.add.f32 [tilespmem:s26], [sflag:$0x4], $0x40, s31, s24, $0xb8;
	[tilespmem:$0x1C000] =	vst v63  }
0x34: {  	_ =	swait.ge [sflag:s22], $0x4000  }
0x35: {  	s30 =	simm.s32 $0x1000;
	s20 =	simm.s32 $0x200;
	[sflag:s22] =	ssyncset.done $0x0  }
.LBB2_2:
0x36: {  	s31 =	sadd.s32 $0x100, s20  }
0x37: {  	[sflag:s22] =	ssyncadd.s32 $0xFFFFC000;
	s2 =	smov.u32 s30;
	s5 =	sadd.s32 $0x800, s30  }
0x38: {  	[tilespmem:s26], [sflag:$0x3] =	stream.indirect.gather [hbm4b:s1+s24], $0x40, s31, s24, $0xb8;
	[tilespmem:$0x1C000] =	vst v63  }
0x39: {  	p0 =	sne.s32 s30, $0x13000;
	_ =	swait.ge [sflag:s28], $0x4000  }
0x3a: {  	[sflag:s28] =	ssyncset.done $0x0  }
0x3b: {  	s30 =	sadd.s32 $0x5000, s20;
	[sflag:s28] =	ssyncadd.s32 $0xFFFFC000  }
0x3c: {  	[spmem:s3] =	stream.indirect.scatter.add.f32 [tilespmem:s25], [sflag:$0x4], $0x40, s30, s24, $0xb8;
	[tilespmem:$0x1C000] =	vst v63  }
0x3d: {  	_ =	swait.ge [sflag:s22], $0x4000  }
0x3e: {  	[sflag:s22] =	ssyncset.done $0x0  }
0x3f: {  	s30 =	sadd.s32 $0x200, s20;
	[sflag:s22] =	ssyncadd.s32 $0xFFFFC000  }
0x40: {  	[tilespmem:s25], [sflag:$0x2] =	stream.indirect.gather [hbm4b:s1+s24], $0x40, s30, s24, $0xb8;
	[tilespmem:$0x1C000] =	vst v63  }
0x41: {  	_ =	swait.ge [sflag:s29], $0x4000  }
.Ltmp0:
0x42: {  	[sflag:s29] =	ssyncset.done $0x0;
	(pc) =	sbr.rel @p0 .LBB2_2-.Ltmp0, $4  }
0x43: {  	s20 =	sadd.s32 $0x5100, s20;
	[sflag:s29] =	ssyncadd.s32 $0xFFFFC000  }
0x44: {  	[spmem:s3] =	stream.indirect.scatter.add.f32 [tilespmem:s26], [sflag:$0x4], $0x40, s20, s24, $0xb8;
	[tilespmem:$0x1C000] =	vst v63  }
0x45: {  	_ =	swait.ge [sflag:s22], $0x4000  }
0x46: {  	s30 =	smov.u32 s5;
	s20 =	sshra.s32 s2, $0x2;
	[sflag:s22] =	ssyncset.done $0x0  }
0x47: {  	s2 =	sadd.s32 $0x100, s20;
	[sflag:s22] =	ssyncadd.s32 $0xFFFFC000  }
0x48: {  	[tilespmem:s26], [sflag:$0x3] =	stream.indirect.gather [hbm4b:s1+s24], $0x40, s2, s24, $0xb8;
	[tilespmem:$0x1C000] =	vst v63  }
0x49: {  	_ =	swait.ge [sflag:s28], $0x4000  }
0x4a: {  	[sflag:s28] =	ssyncset.done $0x0  }
0x4b: {  	s30 =	sadd.s32 $0x5000, s20;
	[sflag:s28] =	ssyncadd.s32 $0xFFFFC000  }
0x4c: {  	[spmem:s3] =	stream.indirect.scatter.add.f32 [tilespmem:s25], [sflag:$0x4], $0x40, s30, s24, $0xb8;
	[tilespmem:$0x1C000] =	vst v63  }
0x4d: {  	_ =	swait.ge [sflag:s22], $0x4000  }
0x4e: {  	[sflag:s22] =	ssyncset.done $0x0  }
0x4f: {  	s31 =	sadd.s32 $0x200, s20;
	[sflag:s22] =	ssyncadd.s32 $0xFFFFC000  }
0x50: {  	[tilespmem:s25], [sflag:$0x2] =	stream.indirect.gather [hbm4b:s1+s24], $0x40, s31, s24, $0xb8;
	[tilespmem:$0x1C000] =	vst v63  }
0x51: {  	_ =	swait.ge [sflag:s29], $0x4000  }
0x52: {  	[sflag:s29] =	ssyncset.done $0x0  }
0x53: {  	s5 =	sadd.s32 $0x5100, s20;
	[sflag:s29] =	ssyncadd.s32 $0xFFFFC000  }
0x54: {  	[spmem:s3] =	stream.indirect.scatter.add.f32 [tilespmem:s26], [sflag:$0x4], $0x40, s5, s24, $0xb8;
	[tilespmem:$0x1C000] =	vst v63  }
0x55: {  	_ =	swait.ge [sflag:s22], $0x4000  }
0x56: {  	[sflag:s22] =	ssyncset.done $0x0  }
0x57: {  	s20 =	simm.s32 $0x4F00;
	[sflag:s22] =	ssyncadd.s32 $0xFFFFC000  }
0x58: {  	[tilespmem:s26], [sflag:$0x3] =	stream.indirect.gather [hbm4b:s1+s24], $0x40, s20, s24, $0xb8;
	[tilespmem:$0x1C000] =	vst v63  }
0x59: {  	_ =	swait.ge [sflag:s28], $0x4000  }
0x5a: {  	[sflag:s28] =	ssyncset.done $0x0  }
0x5b: {  	s30 =	simm.s32 $0x9E00;
	[sflag:s28] =	ssyncadd.s32 $0xFFFFC000  }
0x5c: {  	[spmem:s3] =	stream.indirect.scatter.add.f32 [tilespmem:s25], [sflag:$0x4], $0x40, s30, s24, $0xb8;
	[tilespmem:$0x1C000] =	vst v63  }
0x5d: {  	_ =	swait.ge [sflag:s22], $0x4000  }
0x5e: {  	[sflag:s22] =	ssyncset.done $0x0  }
0x5f: {  	[sflag:s22] =	ssyncadd.s32 $0xFFFFC000  }
0x60: {  	_ =	swait.ge [sflag:s29], $0x4000  }
0x61: {  	[sflag:s29] =	ssyncset.done $0x0  }
0x62: {  	s31 =	simm.s32 $0x9F00;
	[sflag:s29] =	ssyncadd.s32 $0xFFFFC000  }
0x63: {  	[spmem:s3] =	stream.indirect.scatter.add.f32 [tilespmem:s26], [sflag:$0x4], $0x40, s31, s24, $0xb8;
	[tilespmem:$0x1C000] =	vst v63  }
0x64: {  	_ =	swait.ge [sflag:s22], $0x4000  }
0x65: {  	[sflag:s22] =	ssyncset.done $0x0  }
0x66: {  	[sflag:s22] =	ssyncadd.s32 $0xFFFFC000  }
0x67: {  	[bflag:$0x0] =	sbarrier.arrive $0xFFFF  }
0x68: {  	[tilespmem:s25], [sflag:$0x4] =	stream.linear.gather [spmem:s9], $0x2000, $0x38;
	[tilespmem:$0x1C000] =	vst v63  }
0x69: {  	_ =	swait.ge [sflag:s22], $0x2000  }
0x6a: {  	[sflag:s22] =	ssyncset.done $0x0  }
0x6b: {  	[sflag:s22] =	ssyncadd.s32 $0xFFFFE000  }
0x6c: {  	[hbm4b:s11+s4] =	stream.linear.scatter [tilespmem:s25], [sflag:$0x4], $0x2000, $0x38;
	[tilespmem:$0x1C000] =	vst v63  }
0x6d: {  	_ =	swait.ge [sflag:s22], $0x2000  }
0x6e: {  	[sflag:s22] =	ssyncset.done $0x0  }
0x6f: {  	[sflag:s22] =	ssyncadd.s32 $0xFFFFE000  }
0x70: {  	[tilespmem:s25], [sflag:$0x4] =	stream.linear.gather [spmem:s12], $0x2000, $0x38;
	[tilespmem:$0x1C000] =	vst v63  }
0x71: {  	_ =	swait.ge [sflag:s22], $0x2000  }
0x72: {  	[sflag:s22] =	ssyncset.done $0x0  }
0x73: {  	[sflag:s22] =	ssyncadd.s32 $0xFFFFE000  }
0x74: {  	[hbm4b:s13+s4] =	stream.linear.scatter [tilespmem:s25], [sflag:$0x4], $0x2000, $0x38;
	[tilespmem:$0x1C000] =	vst v63  }
0x75: {  	_ =	swait.ge [sflag:s22], $0x2000  }
0x76: {  	[sflag:s22] =	ssyncset.done $0x0  }
0x77: {  	[sflag:s22] =	ssyncadd.s32 $0xFFFFE000  }
0x78: {  	[tilespmem:s25], [sflag:$0x4] =	stream.linear.gather [spmem:s14], $0x2000, $0x38;
	[tilespmem:$0x1C000] =	vst v63  }
0x79: {  	_ =	swait.ge [sflag:s22], $0x2000  }
0x7a: {  	[sflag:s22] =	ssyncset.done $0x0  }
0x7b: {  	[sflag:s22] =	ssyncadd.s32 $0xFFFFE000  }
0x7c: {  	[hbm4b:s15+s4] =	stream.linear.scatter [tilespmem:s25], [sflag:$0x4], $0x2000, $0x38;
	[tilespmem:$0x1C000] =	vst v63  }
0x7d: {  	_ =	swait.ge [sflag:s22], $0x2000  }
0x7e: {  	[sflag:s22] =	ssyncset.done $0x0  }
0x7f: {  	[sflag:s22] =	ssyncadd.s32 $0xFFFFE000  }
0x80: {  	[tilespmem:s25], [sflag:$0x4] =	stream.linear.gather [spmem:s16], $0x2000, $0x38;
	[tilespmem:$0x1C000] =	vst v63  }
0x81: {  	_ =	swait.ge [sflag:s22], $0x2000  }
0x82: {  	[sflag:s22] =	ssyncset.done $0x0  }
0x83: {  	[sflag:s22] =	ssyncadd.s32 $0xFFFFE000  }
0x84: {  	[hbm4b:s17+s4] =	stream.linear.scatter [tilespmem:s25], [sflag:$0x4], $0x2000, $0x38;
	[tilespmem:$0x1C000] =	vst v63  }
0x85: {  	_ =	swait.ge [sflag:s22], $0x2000  }
0x86: {  	[sflag:s22] =	ssyncset.done $0x0  }
0x87: {  	[sflag:s22] =	ssyncadd.s32 $0xFFFFE000  }
0x88: {  	[tilespmem:s25], [sflag:$0x4] =	stream.linear.gather [spmem:s18], $0x2000, $0x38;
	[tilespmem:$0x1C000] =	vst v63  }
0x89: {  	s0 =	sadd.s32 $0x1, s0;
	_ =	swait.ge [sflag:s22], $0x2000  }
0x8a: {  	p0 =	sne.s32 s0, s10;
	[sflag:s22] =	ssyncset.done $0x0  }
.Ltmp1:
0x8b: {  	[sflag:s22] =	ssyncadd.s32 $0xFFFFE000;
	(pc) =	sbr.rel @p0 .LBB2_1-.Ltmp1, $4  }
0x8c: {  	[hbm4b:s19+s4] =	stream.linear.scatter [tilespmem:s25], [sflag:$0x4], $0x2000, $0x38;
	[tilespmem:$0x1C000] =	vst v63  }
0x8d: {  	_ =	swait.ge [sflag:s22], $0x2000  }
0x8e: {  	[sflag:s22] =	ssyncset.done $0x0  }
0x8f: {  	[sflag:s22] =	ssyncadd.s32 $0xFFFFE000  }
0x90: {  	_ =	sfence.sel $0x180000  }
0x91: {  	[bflag:$0x0] =	sbarrier.arrive $0xFFFF  }
0x92: {  	_ =	strace $0x90000050  }
0x93: {  	s0 =	stileid.u32;
	[bflag:$0x2] =	sbarrier.arrive $0xFFFF  }
0x94: {  	p0 =	sne.s32 s0, $0x0;
	s0 =	rddreg [dreg:$0x3]  }
0x95: {  	s0 =	sadd.s32 @!p0 $0x100000, s0  }
0x96: {  	[sflag:s0] =	ssyncadd.tile.s32 @!p0 $0x1;
	_ =	shalt  }
.Lfunc_end2:
_tile_overlayer_lowered:
.L_overlay_start_2:
0x97: {  	(tag) =	ssettag $0x2  }
0x98: {  	s0 =	rddreg [dreg:$0x0];
	s2 =	stileid.u32  }
0x99: {  	s1 =	rddreg [dreg:$0x1];
	p0 =	sne.s32 s2, $0x0  }
0x9a: {  	s3 =	rddreg [dreg:$0x2];
	[bflag:$0x3] =	sbarrier.arrive $0xFFFF;
	s2 =	simm.s32 @!p0 $0x1C04  }
0x9b: {  	[timem:s3], [sflag:s2] =	dma.local @!p0 [hbm:s0], s1  }
0x9c: {  	s0 =	simm.s32 @!p0 $0x4  }
0x9d: {  	_ =	swait.ge @!p0 [sflag:s0], s1  }
0x9e: {  	s1 =	ssub.s32 @!p0 $0x0, s1;
	[sflag:s0] =	ssyncset.done @!p0 $0x0  }
0x9f: {  	[sflag:s0] =	ssyncadd.s32 @!p0 s1  }
0xa0: {  	[bflag:$0x3] =	sbarrier.arrive $0xFFFF  }
0xa1: {  	_ =	shalt  }

// kernel: kernel.23.cloned.1.call-start
scs
__scs_entry_jumppad:
0x0: {  	(pc) =	sbr.rel $0x88, $3  }
0x1: {  	(tag) =	ssettag $0x0;
	lr =	simm.s32 $0x1  }
0x2: {  	[smem:$0x3F88] =	sst lr;
	_ =	strace $0xD0000000  }
0x3: {  	_ = 	snop  }
0x4: {  	_ = 	snop  }
0x5: {  	_ = 	snop  }
0x6: {  	_ = 	snop  }
0x7: {  	_ = 	snop  }
__scs_overlays_trampoline_lowered:
0x8: {  	[smem:$0x3F97] =	sst s0  }
0x9: {  	[smem:$0x3F98] =	sst s1  }
0xa: {  	[smem:$0x3F99] =	sst s2  }
0xb: {  	[smem:$0x3F9A] =	sst s3  }
0xc: {  	[smem:$0x3F9B] =	sst s4  }
0xd: {  	[smem:$0x3F9C] =	sst s5  }
0xe: {  	[smem:$0x3F9D] =	sst s6  }
0xf: {  	[smem:$0x3F9E] =	sst s7  }
0x10: {  	[smem:$0x3F9F] =	sst s8  }
0x11: {  	[smem:$0x3FA0] =	sst s9;
	s0 =	simm.s32 @!p0 $0x0  }
0x12: {  	s1 =	sld [smem:$0x3F86];
	s0 =	simm.s32 @p0 $0x1  }
0x13: {  	[smem:$0x3FA1] =	sst s0;
	s0 =	simm.s32 @!p1 $0x0  }
0x14: {  	s2 =	sld [smem:$0x3F85];
	s0 =	simm.s32 @p1 $0x1  }
0x15: {  	[smem:$0x3FA2] =	sst s0;
	s0 =	simm.s32 @!p2 $0x0  }
0x16: {  	s3 =	sld [smem:$0x3FDB];
	s0 =	simm.s32 @p2 $0x1  }
0x17: {  	s4 =	simm.s32 $0x1BF5;
	[smem:$0x3FA4] =	sst s0  }
0x18: {  	s0 =	sld [smem:$0x3F87];
	_ =	swait.ge [sflag:s4], $0x0  }
0x19: {  	s7 =	sld [smem:$0x3F88]  }
0x1a: {  	s8 =	sadd.s32 $0xFFFFE003, lr  }
0x1b: {  	s9 =	sadd.s32 $0xFFFFFEF7, lr;
	s5 =	simm.s32 $0xFFFFFFFF;
	p2 =	slt.u32 s8, $0xFFFFF086  }
0x1c: {  	p1 =	slt.u32 s9, $0xF7A;
	s5 =	simm.s32 @!p2 $0x0  }
0x1d: {  	s5 =	simm.s32 @p1 $0x1;
	p0 =	seq.s32 s7, s2  }
0x1e: {  	s7 =	smul.u32 @!p0 $0xF7A, s2;
	p2 =	seq.s32 @!p0 s5, $0x0  }
0x1f: {  	s9 =	smul.u32 $0xF7A, s1;
	s8 =	simm.s32 @!p0 $0x1BF5;
	p2 =	por !p2, p0  }
0x20: {  	[sflag:s8] =	ssyncset.s32 @!p0 $0xFFFFF086;
	s6 =	sadd.s32 @!p0 s3, s7;
	s7 =	simm.s32 @!p0 $0x108  }
0x21: {  	s3 =	sadd.s32 s3, s9;
	s6 =	sadd.s32 @!p0 $0x88, s6;
	s7 =	simm.s32 @p2 $0x1082  }
0x22: {  	[simem:s7], [sflag:s8] =	dma.local @!p0 [hbm:s6], $0xF7A  }
0x23: {  	s9 =	sor.u32 $0xD0000000, s2;
	s6 =	simm.s32 $0x108;
	_ =	swait.ge @!p0 [sflag:s8], $0x0  }
0x24: {  	s3 =	sadd.s32 $0x88, s3;
	s6 =	simm.s32 @!p1 $0x1082;
	[sflag:s4] =	ssyncset.s32 $0xFFFFF086  }
0x25: {  	[simem:s6], [sflag:s4] =	dma.local [hbm:s3], $0xF7A  }
0x26: {  	[smem:$0x3F88] =	sst s1;
	(tag) =	ssettag s2;
	_ =	strace s9  }
0x27: {  	s1 =	sld [smem:$0x3F98]  }
0x28: {  	s2 =	sld [smem:$0x3F99]  }
0x29: {  	s4 =	sld [smem:$0x3F9B]  }
0x2a: {  	p0 =	seq.s32 s5, $0x0;
	s5 =	sld [smem:$0x3F9C]  }
0x2b: {  	s6 =	sld [smem:$0x3F9D]  }
0x2c: {  	s7 =	sld [smem:$0x3F9E]  }
0x2d: {  	s3 =	simm.s32 $0x108;
	s8 =	sld [smem:$0x3F9F]  }
0x2e: {  	s3 =	simm.s32 @!p0 $0x1082;
	s9 =	sld [smem:$0x3FA0]  }
0x2f: {  	lr =	sadd.s32 s0, s3;
	s0 =	sld [smem:$0x3F97]  }
0x30: {  	s3 =	sld [smem:$0x3F9A]  }
0x31: {  	[smem:$0x3FA3] =	sst s10  }
0x32: {  	s10 =	sld [smem:$0x3FA1];
	_ =	sdelay $0x3  }
0x33: {  	p0 =	seq.s32 s10, $0x1;
	s10 =	sld [smem:$0x3FA3];
	_ =	sdelay $0x3  }
0x34: {  	[smem:$0x3FA3] =	sst s10  }
0x35: {  	s10 =	sld [smem:$0x3FA2];
	_ =	sdelay $0x3  }
0x36: {  	p1 =	seq.s32 s10, $0x1;
	s10 =	sld [smem:$0x3FA3];
	_ =	sdelay $0x3  }
0x37: {  	[smem:$0x3FA3] =	sst s10  }
0x38: {  	s10 =	sld [smem:$0x3FA4]  }
0x39: {  	_ = 	snop;
	(pc) =	sbr.ind lr, $3  }
0x3a: {  	_ = 	snop  }
0x3b: {  	_ = 	snop  }
0x3c: {  	p2 =	seq.s32 s10, $0x1;
	s10 =	sld [smem:$0x3FA3]  }
0x3d: {  	_ =	shalt  }
0x3e: {  	_ =	shalt  }
0x3f: {  	_ =	shalt  }
0x40: {  	_ =	shalt  }
0x41: {  	_ =	shalt  }
0x42: {  	_ =	shalt  }
0x43: {  	_ =	shalt  }
0x44: {  	_ =	shalt  }
0x45: {  	_ =	shalt  }
0x46: {  	_ =	shalt  }
0x47: {  	_ =	shalt  }
0x48: {  	_ =	shalt  }
0x49: {  	_ =	shalt  }
0x4a: {  	_ =	shalt  }
0x4b: {  	_ =	shalt  }
0x4c: {  	_ =	shalt  }
0x4d: {  	_ =	shalt  }
0x4e: {  	_ =	shalt  }
0x4f: {  	_ =	shalt  }
0x50: {  	_ =	shalt  }
0x51: {  	_ =	shalt  }
0x52: {  	_ =	shalt  }
0x53: {  	_ =	shalt  }
0x54: {  	_ =	shalt  }
0x55: {  	_ =	shalt  }
0x56: {  	_ =	shalt  }
0x57: {  	_ =	shalt  }
0x58: {  	_ =	shalt  }
0x59: {  	_ =	shalt  }
0x5a: {  	_ =	shalt  }
0x5b: {  	_ =	shalt  }
0x5c: {  	_ =	shalt  }
0x5d: {  	_ =	shalt  }
0x5e: {  	_ =	shalt  }
0x5f: {  	_ =	shalt  }
0x60: {  	_ =	shalt  }
0x61: {  	_ =	shalt  }
0x62: {  	_ =	shalt  }
0x63: {  	_ =	shalt  }
0x64: {  	_ =	shalt  }
0x65: {  	_ =	shalt  }
0x66: {  	_ =	shalt  }
0x67: {  	_ =	shalt  }
0x68: {  	_ =	shalt  }
0x69: {  	_ =	shalt  }
0x6a: {  	_ =	shalt  }
0x6b: {  	_ =	shalt  }
0x6c: {  	_ =	shalt  }
0x6d: {  	_ =	shalt  }
0x6e: {  	_ =	shalt  }
0x6f: {  	_ =	shalt  }
0x70: {  	_ =	shalt  }
0x71: {  	_ =	shalt  }
0x72: {  	_ =	shalt  }
0x73: {  	_ =	shalt  }
0x74: {  	_ =	shalt  }
0x75: {  	_ =	shalt  }
0x76: {  	_ =	shalt  }
0x77: {  	_ =	shalt  }
0x78: {  	_ =	shalt  }
0x79: {  	_ =	shalt  }
0x7a: {  	_ =	shalt  }
0x7b: {  	_ =	shalt  }
0x7c: {  	_ =	shalt  }
0x7d: {  	_ =	shalt  }
0x7e: {  	_ =	shalt  }
0x7f: {  	_ =	shalt  }
0x80: {  	_ =	shalt  }
0x81: {  	_ =	shalt  }
0x82: {  	_ =	shalt  }
0x83: {  	_ =	shalt  }
0x84: {  	_ =	shalt  }
0x85: {  	_ =	shalt  }
0x86: {  	_ =	shalt  }
0x87: {  	_ =	shalt  }
.Lfunc_end0:
.L_simem_size_0:
called_computation.4_lowered:
.L_overlay_start_0:
0x88: {  	s2 =	sld [smem:$0x3FD9]  }
0x89: {  	s3 =	sld [smem:$0x3FFE];
	_ =	sdelay $0x1  }
0x8a: {  	s1 =	srdreg.scid  }
0x8b: {  	s0 =	sand.u32 $0x1, s1  }
0x8c: {  	s14 =	sshll.u32 s0, $0xA;
	s2 =	sadd.s32 s3, s2  }
0x8d: {  	s2 =	sadd.s32 s2, s14  }
0x8e: {  	[smem:$0x3FAF] =	sst s2  }
0x8f: {  	_ = 	snop  }
0x90: {  	s2 =	sld [smem:$0x3FD0];
	_ =	sdelay $0x2  }
0x91: {  	s15 =	simm.s32 $0xB;
	s4 =	simm.s32 $0x10  }
0x92: {  	[smem:s4], [sflag:s15] =	dma.local [hbm:s2], $0x1  }
0x93: {  	_ =	swait.eq [sflag:s15], $0x1  }
0x94: {  	[sflag:s15] =	ssyncset.done $0x0  }
0x95: {  	[sflag:s15] =	ssyncadd.s32 $0xFFFFFFFF  }
0x96: {  	s16 =	sld [smem:$0x12];
	(tm) =	ssettm $0x1  }
0x97: {  	s17 =	sld [smem:$0x3FFB];
	_ =	sdelay $0x3  }
0x98: {  	_ =	strace s17  }
0x99: {  	s3 =	sld [smem:$0x3FFC];
	_ =	sdelay $0x3  }
0x9a: {  	_ =	strace s3  }
0x9b: {  	s3 =	sld [smem:$0x3FFD];
	_ =	sdelay $0x3  }
0x9c: {  	_ =	strace s3  }
0x9d: {  	_ =	strace $0x8FFFFFFF  }
0x9e: {  	s18 =	sld [smem:$0x3FDB];
	_ =	sdelay $0x1  }
0x9f: {  	s19 =	simm.s32 $_scs_section_size  }
0xa0: {  	s5 =	simm.s32 $_size__tile_overlayer_lowered;
	s6 =	simm.s32 $_tile_overlayer_lowered  }
0xa1: {  	s22 =	simm.s32 $0x1BFF;
	s21 =	sshll.u32 s6, $0x1;
	s3 =	sadd.s32 s19, s18  }
0xa2: {  	s7 =	simm.s32 $0x0;
	s20 =	sshll.u32 s5, $0x1;
	s5 =	sadd.s32 s21, s3  }
0xa3: {  	[timem:s7], [sflag:s22] =	dma.local [hbm:s5], s20  }
0xa4: {  	_ =	swait.ge [sflag:s22], s20  }
0xa5: {  	s4 =	ssub.s32 $0x0, s20;
	[sflag:s22] =	ssyncset.done $0x0  }
0xa6: {  	[sflag:s22] =	ssyncadd.s32 s4;
	_ =	sdelay $0x1  }
0xa7: {  	s23 =	simm.s32 $0x1B8B  }
0xa8: {  	_ =	swait.ge [sflag:s23], $0x1  }
0xa9: {  	[sflag:s23] =	ssyncset.done $0x0  }
0xaa: {  	s25 =	simm.s32 $0x1B8E;
	s24 =	sld [smem:$0x3FFE];
	[sflag:s23] =	ssyncadd.s32 $0xFFFFFFFF  }
0xab: {  	s26 =	simm.s32 $execute0_lowered;
	[smem:$0x3FD2] =	sst s25  }
0xac: {  	s5 =	sshll.u32 s26, $0x1;
	_ =	strace $0x80000052;
	[dreg:$0x1] =	wrdreg $0xFFFFFFFF  }
0xad: {  	s28 =	simm.s32 $_size_execute0_lowered;
	s3 =	sadd.s32 s3, s5;
	[dreg:$0x0] =	wrdreg $0x0  }
0xae: {  	s5 =	sshll.u32 s28, $0x1;
	[dreg:$0x2] =	wrdreg s3  }
0xaf: {  	[dreg:$0x3] =	wrdreg s5  }
0xb0: {  	[dreg:$0x4] =	wrdreg $0xC0  }
0xb1: {  	_ =	task [dreg:s7], $0x5FFFF  }
0xb2: {  	[dreg:$0x1] =	wrdreg $0xFFFFFFFF  }
0xb3: {  	[dreg:$0x0] =	wrdreg $0x60  }
0xb4: {  	[dreg:$0x2] =	wrdreg s24  }
0xb5: {  	[dreg:$0x3] =	wrdreg s16  }
0xb6: {  	[dreg:$0x4] =	wrdreg $0x9  }
0xb7: {  	_ =	task.clear_ibuf [dreg:s7], $0x5FFFF;
	_ =	strace $0x90000052  }
0xb8: {  	s29 =	simm.s32 $0x9;
	_ =	strace $0x80000054  }
0xb9: {  	_ =	swait.ge [sflag:s29], $0x1  }
0xba: {  	[sflag:s29] =	ssyncadd.s32 $0xFFFFFFFF  }
0xbb: {  	_ =	strace $0x90000054  }
0xbc: {  	_ =	sfence  }
0xbd: {  	s30 =	sld [smem:$0x0];
	_ =	sdelay $0x2  }
0xbe: {  	s31 =	sshll.u32 s1, $0xD;
	s1 =	sshrl.u32 s1, $0x2  }
0xbf: {  	s3 =	sand.u32 $0x4000, s31;
	s1 =	sadd.s32 s1, s30  }
0xc0: {  	s0 =	sor.u32 s3, s0;
	s1 =	sshll.u32 s1, $0x11  }
0xc1: {  	s0 =	sor.u32 s1, s0  }
0xc2: {  	s0 =	sadd.s32 $0x8F2B, s0  }
0xc3: {  	[sflag:s0] =	ssyncadd.remote.s32 $0x1  }
0xc4: {  	_ =	sfence.sel $0xFFFF  }
0xc5: {  	[dreg:$0x0] =	wrdreg $0xFFFFFFFF;
	(pc) =	sbr.abs _section_cstart, $3  }
0xc6: {  	[dreg:$0x1] =	wrdreg $0xFFFFFFFF  }
0xc7: {  	_ =	task.clear_ibuf [dreg:s7], $0x2FFFF;
	_ =	strace $0x9FFFFFFF  }
0xc8: {  	(tm) =	ssettm $0x7FFFFFFF  }
0xc9: {  	_ =	shalt  }
tec
execute0_lowered:
.L_overlay_start_1:
0x0: {  	(tag) =	ssettag $0x1  }
0x1: {  	s5 =	rddreg [dreg:$0x0]  }
0x2: {  	s6 =	rddreg [dreg:$0x1];
	s2 =	srdreg.scid  }
0x3: {  	s0 =	rddreg [dreg:$0x2];
	s1 =	stileid.u32  }
0x4: {  	s14 =	simm.s32 $0x100;
	s15 =	simm.s32 $0x2000;
	s16 =	simm.s32 $0xA000  }
0x5: {  	s17 =	simm.s32 $0x2;
	s18 =	simm.s32 $0x4;
	s19 =	simm.s32 $0x3  }
0x6: {  	s20 =	simm.s32 $0x1F00;
	s21 =	simm.s32 $0x0;
	s10 =	sand.u32 $0x1, s2  }
0x7: {  	s2 =	simm.s32 $0x0;
	s4 =	sshll.u32 s1, $0xC;
	s12 =	sadd.s32 $0x7E200, s5  }
0x8: {  	s13 =	sadd.s32 $0x27E200, s5;
	s31 =	sshll.u32 s1, $0x10;
	s3 =	sshll.u32 s10, $0x10  }
0x9: {  	[smem:$0x7FF] =	sst s2;
	s11 =	ssub.s32 $0x2, s10;
	s10 =	sshll.u32 s10, $0x14  }
0xa: {  	s7 =	sor.u32 s4, s3;
	_ =	strace $0x80000053;
	s3 =	sadd.s32 $0x6A00, s5  }
0xb: {  	s4 =	sadd.s32 $0x2DC00, s5;
	s26 =	sshrl.u32 s11, $0x1;
	s30 =	sadd.s32 s10, s13  }
0xc: {  	s8 =	sshrl.u32 s7, $0x3;
	s11 =	ssub.s32 s11, s26;
	s28 =	sshll.u32 s7, $0x4  }
0xd: {  	s9 =	sadd.s32 s8, s5;
	s5 =	sadd.s32 s6, s8;
	s29 =	sor.u32 $0xF000, s28  }
0xe: {  	s7 =	smax.u32 s11, $0x1;
	s6 =	sadd.s32 $0x7A200, s9;
	s8 =	sadd.s32 s12, s29  }
0xf: {  	s9 =	sadd.s32 s13, s29;
	s12 =	sadd.s32 s10, s12;
	s10 =	sadd.s32 s31, s30  }
0x10: {  	s13 =	simm.s32 $0x1;
	s11 =	sadd.s32 s31, s12;
	s12 =	simm.s32 $0x1000  }
.LBB2_1:
0x11: {  	[tilespmem:s2], [sflag:$0x1] =	stream.linear.gather [hbm4b:s5+s2], $0x1000, $0x38;
	[tilespmem:$0x12000] =	vst v63  }
0x12: {  	_ = 	snop  }
0x13: {  	[tilespmem:s12], [sflag:$0x1] =	stream.linear.gather [hbm4b:s6+s2], $0x1000, $0x38;
	[tilespmem:$0x12000] =	vst v63  }
0x14: {  	_ =	swait.ge [sflag:s13], $0x1000  }
0x15: {  	[sflag:s13] =	ssyncset.done $0x0  }
0x16: {  	[sflag:s13] =	ssyncadd.s32 $0xFFFFF000  }
0x17: {  	_ =	swait.ge [sflag:s13], $0x1000  }
0x18: {  	[sflag:s13] =	ssyncset.done $0x0  }
0x19: {  	[sflag:s13] =	ssyncadd.s32 $0xFFFFF000  }
0x1a: {  	[tilespmem:s15], [sflag:$0x2] =	stream.indirect.gather [hbm4b:s3+s14], $0x80, s2, s14, $0xb8;
	[tilespmem:$0x12000] =	vst v63  }
0x1b: {  	s22 =	simm.s32 $0x1000  }
0x1c: {  	[tilespmem:s16], [sflag:$0x3] =	stream.indirect.gather [hbm4b:s4+s14], $0x80, s22, s14, $0xb8;
	[tilespmem:$0x12000] =	vst v63  }
0x1d: {  	_ =	swait.ge [sflag:s17], $0x8000  }
0x1e: {  	[sflag:s17] =	ssyncset.done $0x0  }
0x1f: {  	[sflag:s17] =	ssyncadd.s32 $0xFFFF8000  }
0x20: {  	[hbm4b:s11+s2] =	stream.linear.scatter [tilespmem:s15], [sflag:$0x4], $0x8000, $0x38;
	[tilespmem:$0x12000] =	vst v63  }
0x21: {  	_ =	swait.ge [sflag:s18], $0x8000  }
0x22: {  	[sflag:s18] =	ssyncset.done $0x0  }
0x23: {  	s31 =	simm.s32 $0x100;
	[sflag:s18] =	ssyncadd.s32 $0xFFFF8000  }
0x24: {  	[tilespmem:s15], [sflag:$0x2] =	stream.indirect.gather [hbm4b:s3+s14], $0x80, s31, s14, $0xb8;
	[tilespmem:$0x12000] =	vst v63  }
0x25: {  	_ =	swait.ge [sflag:s19], $0x8000  }
0x26: {  	[sflag:s19] =	ssyncset.done $0x0  }
0x27: {  	[sflag:s19] =	ssyncadd.s32 $0xFFFF8000  }
0x28: {  	[hbm4b:s10+s2] =	stream.linear.scatter [tilespmem:s16], [sflag:$0x4], $0x8000, $0x38;
	[tilespmem:$0x12000] =	vst v63  }
0x29: {  	s25 =	simm.s32 $0x800;
	s23 =	sadd.s32 $0x1000, s11;
	_ =	swait.ge [sflag:s18], $0x8000  }
0x2a: {  	s24 =	simm.s32 $0x100;
	s22 =	sadd.s32 $0x1000, s10;
	[sflag:s18] =	ssyncset.done $0x0  }
.LBB2_2:
0x2b: {  	s26 =	sadd.s32 $0x1000, s24  }
0x2c: {  	[sflag:s18] =	ssyncadd.s32 $0xFFFF8000;
	s28 =	smov.u32 s25;
	s29 =	sadd.s32 $0x400, s25  }
0x2d: {  	[tilespmem:s16], [sflag:$0x3] =	stream.indirect.gather [hbm4b:s4+s14], $0x80, s26, s14, $0xb8;
	[tilespmem:$0x12000] =	vst v63  }
0x2e: {  	p0 =	sne.s32 s25, $0x3800;
	_ =	swait.ge [sflag:s17], $0x8000  }
0x2f: {  	[sflag:s17] =	ssyncset.done $0x0  }
0x30: {  	[sflag:s17] =	ssyncadd.s32 $0xFFFF8000  }
0x31: {  	[hbm4b:s23+s2] =	stream.linear.scatter [tilespmem:s15], [sflag:$0x4], $0x8000, $0x38;
	[tilespmem:$0x12000] =	vst v63  }
0x32: {  	_ =	swait.ge [sflag:s18], $0x8000  }
0x33: {  	[sflag:s18] =	ssyncset.done $0x0  }
0x34: {  	s24 =	sadd.s32 $0x100, s24;
	[sflag:s18] =	ssyncadd.s32 $0xFFFF8000  }
0x35: {  	[tilespmem:s15], [sflag:$0x2] =	stream.indirect.gather [hbm4b:s3+s14], $0x80, s24, s14, $0xb8;
	[tilespmem:$0x12000] =	vst v63  }
0x36: {  	_ =	swait.ge [sflag:s19], $0x8000  }
.Ltmp0:
0x37: {  	[sflag:s19] =	ssyncset.done $0x0;
	(pc) =	sbr.rel @p0 .LBB2_2-.Ltmp0, $4  }
0x38: {  	[sflag:s19] =	ssyncadd.s32 $0xFFFF8000  }
0x39: {  	[hbm4b:s22+s2] =	stream.linear.scatter [tilespmem:s16], [sflag:$0x4], $0x8000, $0x38;
	[tilespmem:$0x12000] =	vst v63  }
0x3a: {  	s25 =	smov.u32 s29;
	s23 =	sadd.s32 $0x1000, s23;
	_ =	swait.ge [sflag:s18], $0x8000  }
0x3b: {  	s24 =	sshra.s32 s28, $0x2;
	s22 =	sadd.s32 $0x1000, s22;
	[sflag:s18] =	ssyncset.done $0x0  }
0x3c: {  	s25 =	sadd.s32 $0x1000, s24;
	[sflag:s18] =	ssyncadd.s32 $0xFFFF8000  }
0x3d: {  	[tilespmem:s16], [sflag:$0x3] =	stream.indirect.gather [hbm4b:s4+s14], $0x80, s25, s14, $0xb8;
	[tilespmem:$0x12000] =	vst v63  }
0x3e: {  	_ =	swait.ge [sflag:s17], $0x8000  }
0x3f: {  	[sflag:s17] =	ssyncset.done $0x0  }
0x40: {  	[sflag:s17] =	ssyncadd.s32 $0xFFFF8000  }
0x41: {  	[hbm4b:s23+s2] =	stream.linear.scatter [tilespmem:s15], [sflag:$0x4], $0x8000, $0x38;
	[tilespmem:$0x12000] =	vst v63  }
0x42: {  	_ =	swait.ge [sflag:s18], $0x8000  }
0x43: {  	[sflag:s18] =	ssyncset.done $0x0  }
0x44: {  	s31 =	sadd.s32 $0x100, s24;
	[sflag:s18] =	ssyncadd.s32 $0xFFFF8000  }
0x45: {  	[tilespmem:s15], [sflag:$0x2] =	stream.indirect.gather [hbm4b:s3+s14], $0x80, s31, s14, $0xb8;
	[tilespmem:$0x12000] =	vst v63  }
0x46: {  	_ =	swait.ge [sflag:s19], $0x8000  }
0x47: {  	[sflag:s19] =	ssyncset.done $0x0  }
0x48: {  	[sflag:s19] =	ssyncadd.s32 $0xFFFF8000  }
0x49: {  	[hbm4b:s22+s2] =	stream.linear.scatter [tilespmem:s16], [sflag:$0x4], $0x8000, $0x38;
	[tilespmem:$0x12000] =	vst v63  }
0x4a: {  	_ =	swait.ge [sflag:s18], $0x8000  }
0x4b: {  	[sflag:s18] =	ssyncset.done $0x0  }
0x4c: {  	[sflag:s18] =	ssyncadd.s32 $0xFFFF8000  }
0x4d: {  	[tilespmem:s16], [sflag:$0x3] =	stream.indirect.gather [hbm4b:s4+s14], $0x80, s20, s14, $0xb8;
	[tilespmem:$0x12000] =	vst v63  }
0x4e: {  	_ =	swait.ge [sflag:s17], $0x8000  }
0x4f: {  	[sflag:s17] =	ssyncset.done $0x0  }
0x50: {  	[sflag:s17] =	ssyncadd.s32 $0xFFFF8000  }
0x51: {  	[hbm4b:s8+s2] =	stream.linear.scatter [tilespmem:s15], [sflag:$0x4], $0x8000, $0x38;
	[tilespmem:$0x12000] =	vst v63  }
0x52: {  	_ =	swait.ge [sflag:s18], $0x8000  }
0x53: {  	[sflag:s18] =	ssyncset.done $0x0  }
0x54: {  	[sflag:s18] =	ssyncadd.s32 $0xFFFF8000  }
0x55: {  	s21 =	sadd.s32 $0x1, s21;
	_ =	swait.ge [sflag:s19], $0x8000  }
0x56: {  	p0 =	sne.s32 s21, s7;
	[sflag:s19] =	ssyncset.done $0x0  }
.Ltmp1:
0x57: {  	[sflag:s19] =	ssyncadd.s32 $0xFFFF8000;
	(pc) =	sbr.rel @p0 .LBB2_1-.Ltmp1, $4  }
0x58: {  	[hbm4b:s9+s2] =	stream.linear.scatter [tilespmem:s16], [sflag:$0x4], $0x8000, $0x38;
	[tilespmem:$0x12000] =	vst v63  }
0x59: {  	_ =	swait.ge [sflag:s18], $0x8000  }
0x5a: {  	[sflag:s18] =	ssyncset.done $0x0  }
0x5b: {  	[sflag:s18] =	ssyncadd.s32 $0xFFFF8000  }
0x5c: {  	_ =	sfence.sel $0x180000  }
0x5d: {  	[bflag:$0x0] =	sbarrier.arrive $0xFFFF  }
0x5e: {  	p0 =	sne.s32 s1, $0x0;
	_ =	strace $0x90000053  }
0x5f: {  	s0 =	sadd.s32 @!p0 $0x100000, s0;
	[bflag:$0x2] =	sbarrier.arrive $0xFFFF  }
0x60: {  	[sflag:s0] =	ssyncadd.tile.s32 @!p0 $0x1;
	_ =	shalt  }
.Lfunc_end2:
_tile_overlayer_lowered:
.L_overlay_start_2:
0x61: {  	(tag) =	ssettag $0x2  }
0x62: {  	s0 =	rddreg [dreg:$0x0];
	s2 =	stileid.u32  }
0x63: {  	s1 =	rddreg [dreg:$0x1];
	p0 =	sne.s32 s2, $0x0  }
0x64: {  	s3 =	rddreg [dreg:$0x2];
	[bflag:$0x3] =	sbarrier.arrive $0xFFFF;
	s2 =	simm.s32 @!p0 $0x1C04  }
0x65: {  	[timem:s3], [sflag:s2] =	dma.local @!p0 [hbm:s0], s1  }
0x66: {  	s0 =	simm.s32 @!p0 $0x4  }
0x67: {  	_ =	swait.ge @!p0 [sflag:s0], s1  }
0x68: {  	s1 =	ssub.s32 @!p0 $0x0, s1;
	[sflag:s0] =	ssyncset.done @!p0 $0x0  }
0x69: {  	[sflag:s0] =	ssyncadd.s32 @!p0 s1  }
0x6a: {  	[bflag:$0x3] =	sbarrier.arrive $0xFFFF  }
0x6b: {  	_ =	shalt  }

</sc_bundles>
